<compile_context>
chip_gen: v7x
topology: tpu7x:2x2x1
jax: 0.10.2.dev20260603
libtpu: 0.0.44.dev20260713+nightly
codegen_flags: <defaults>
</compile_context>

<pallas_src>
import functools

import jax
import jax.numpy as jnp
from jax import lax
from jax.experimental import pallas as pl
from jax.experimental.pallas import tpu as pltpu
from jax.experimental.pallas import tpu_sc as plsc

B = 16
C1 = 768
C2 = 384
HW = 56 * 56

_NC = 2
_NS = 16
_NW = _NC * _NS
_ROWS = B * HW
_RPW = _ROWS // _NW
_R = 56
_NCHUNK = _RPW // _R
_L = 16
_NJ = C2 // _L


def _topk_body(y_ref, w_ref, idx_ref):
    yf = (y_ref[0].astype(jnp.bfloat16)).astype(jnp.float32)
    w0 = w_ref[0, 0].astype(jnp.bfloat16).astype(jnp.float32)
    w1 = w_ref[0, 1].astype(jnp.bfloat16).astype(jnp.float32)
    w2 = w_ref[0, 2].astype(jnp.bfloat16).astype(jnp.float32)
    z = jnp.zeros((1, 1), jnp.float32)
    y_lm1 = jnp.concatenate([z, yf[:, : C1 - 1]], axis=1)
    y_lp1 = jnp.concatenate([yf[:, 1:], z], axis=1)
    yc = (w0 * y_lm1 + w1 * yf) + w2 * y_lp1
    s_row = jnp.float32(1.0) / (jnp.float32(1.0) + jnp.exp(-yc))

    ii = lax.broadcasted_iota(jnp.int32, (C1, C1), 0)
    jj = lax.broadcasted_iota(jnp.int32, (C1, C1), 1)
    eye = (ii == jj).astype(jnp.float32)
    s_col = jnp.sum(eye * s_row, axis=1, keepdims=True)
    gt = s_row > s_col
    tie = (s_row == s_col) & (jj < ii)
    rank_col = jnp.sum((gt | tie).astype(jnp.int32), axis=1, keepdims=True)

    pp = lax.broadcasted_iota(jnp.int32, (C1, C2), 1)
    cc = lax.broadcasted_iota(jnp.int32, (C1, C2), 0)
    onehot = rank_col == pp
    idx_ref[0, 0, :] = jnp.sum(jnp.where(onehot, cc, 0), axis=0)


def _topk_idx(y3, w13):
    return pl.pallas_call(
        _topk_body,
        grid=(B,),
        in_specs=[
            pl.BlockSpec((1, 1, C1), lambda b: (b, 0, 0)),
            pl.BlockSpec(memory_space=pltpu.SMEM),
        ],
        out_specs=pl.BlockSpec((1, 1, C2), lambda b: (b, 0, 0)),
        out_shape=jax.ShapeDtypeStruct((B, 1, C2), jnp.int32),
    )(y3, w13)


def _gather_body(x_hbm, idx_hbm, out_hbm, idxv, in_a, in_b, out_a, out_b,
                 sem_a, sem_b, sem_oa, sem_ob):
    cid = lax.axis_index("c")
    sid = lax.axis_index("s")
    wid = sid * _NC + cid
    row0 = wid * _RPW
    bat = wid // 2

    pltpu.sync_copy(idx_hbm.at[bat], idxv)
    chvs = [idxv[pl.ds(j * _L, _L)] for j in range(_NJ)]
    iota = lax.iota(jnp.int32, _L)

    def start_in(buf, sem, g):
        pltpu.async_copy(x_hbm.at[pl.ds(row0 + g * _R, _R)], buf, sem)

    start_in(in_a, sem_a, 0)
    start_in(in_b, sem_b, 1)

    def pair(h, carry):
        for buf, sem, outb, semo, off in (
                (in_a, sem_a, out_a, sem_oa, 0),
                (in_b, sem_b, out_b, sem_ob, 1)):
            g = 2 * h + off
            base = row0 + g * _R
            pltpu.make_async_copy(
                x_hbm.at[pl.ds(base, _R)], buf, sem).wait()

            @pl.when(g >= 2)
            def _():
                pltpu.make_async_copy(
                    outb, out_hbm.at[pl.ds(base, _R)], semo).wait()

            @plsc.parallel_loop(0, _R, unroll=4)
            def row(r):
                rv = jnp.full((_L,), r, jnp.int32)
                for j in range(_NJ):
                    vals = plsc.load_gather(buf, [rv, chvs[j]])
                    plsc.store_scatter(outb, [rv, iota + (j * _L)], vals)
            pltpu.async_copy(outb, out_hbm.at[pl.ds(base, _R)], semo)

            @pl.when(g + 2 < _NCHUNK)
            def _():
                start_in(buf, sem, g + 2)
        return carry

    lax.fori_loop(0, _NCHUNK // 2, pair, 0)
    last = row0 + (_NCHUNK - 1) * _R
    pltpu.make_async_copy(out_a, out_hbm.at[pl.ds(last, _R)], sem_oa).wait()
    pltpu.make_async_copy(out_b, out_hbm.at[pl.ds(last, _R)], sem_ob).wait()


@functools.lru_cache(maxsize=1)
def _gather_call():
    return pl.kernel(
        _gather_body,
        compiler_params=pltpu.CompilerParams(needs_layout_passes=False),
        out_type=jax.ShapeDtypeStruct((_ROWS, C2), jnp.float32),
        mesh=plsc.VectorSubcoreMesh(
            core_axis_name="c", subcore_axis_name="s",
            num_cores=_NC, num_subcores=_NS,
        ),
        scratch_types=[
            pltpu.VMEM((C2,), jnp.int32),
            pltpu.VMEM((_R, C1), jnp.float32),
            pltpu.VMEM((_R, C1), jnp.float32),
            pltpu.VMEM((_R, C2), jnp.float32),
            pltpu.VMEM((_R, C2), jnp.float32),
            pltpu.SemaphoreType.DMA,
            pltpu.SemaphoreType.DMA,
            pltpu.SemaphoreType.DMA,
            pltpu.SemaphoreType.DMA,
        ],
    )


def kernel(x, W):
    y = jnp.mean(x, axis=(2, 3))
    idx3 = _topk_idx(y.reshape(B, 1, C1), W.reshape(1, 3))
    xt = jnp.transpose(x, (0, 2, 3, 1)).reshape(_ROWS, C1)
    out2 = _gather_call()(xt, idx3.reshape(B, C2))
    out = jnp.transpose(out2.reshape(B, HW, C2), (0, 2, 1))
    return out.reshape(B, C2, 56, 56)

# --- scband reference (transcript-rebuilt; emitter-appended) ---
"""Pipeline reference for scband-eca-sort-6408091205885 (READ-ONLY COPY).

The authoritative reference and input builder live on the scoring server;
editing this copy changes nothing except your own understanding.
"""

import jax, jax.numpy as jnp
import numpy as np

C1 = 768
C2 = 384
KSIZE = 3

def setup_inputs(seed: int = 0) -> dict:
    key = jax.random.key(seed)
    k1, k2 = jax.random.split(key)
    x = jax.random.normal(k1, (16, C1, 56, 56), dtype=jnp.float32)
    # Conv1d(1, 1, kernel_size=3, bias=False) weight, shape (out=1, in=1, k=3)
    W = jax.random.normal(k2, (1, 1, KSIZE), dtype=jnp.float32) * (1.0 / np.sqrt(KSIZE))
    return {"x": x, "W": W}

def reference(x, W):
    b, c, h, w = x.shape
    # AdaptiveAvgPool2d(1) -> global average over spatial dims: [B, C]
    y = jnp.mean(x, axis=(2, 3))
    # conv over the channel dimension treated as a length-C sequence with 1 channel
    y1 = y[:, None, :]  # [B, 1, C]
    yc = jax.lax.conv_general_dilated(
        y1, W,
        window_strides=(1,),
        padding="SAME",
        dimension_numbers=("NCH", "OIH", "NCH"),
    )  # [B, 1, C]
    s = jax.nn.sigmoid(yc[:, 0, :])  # [B, C]
    # torch.sort(descending=True) then take first c2 indices == top_k indices
    _, idx = jax.lax.top_k(s, C2)  # [B, C2]
    # gather selected channels per batch element
    out = jnp.take_along_axis(x, idx[:, :, None, None], axis=1)  # [B, C2, H, W]
    return out

if __name__ == "__main__":
    import jax
    _d = setup_inputs()
    print(jax.jit(kernel)(*tuple(_d.values())))

</pallas_src>

<mosaic_0001>
#map = affine_map<(d0, d1) -> (0, 0)>
module attributes {stable_mosaic.version = 14 : i64} {
  func.func @_gather_body(%arg0: i32, %arg1: i32, %arg2: memref<50176x768xf32, #tpu.memory_space<hbm>>, %arg3: memref<16x384xi32, #tpu.memory_space<hbm>>, %arg4: memref<50176x384xf32, #tpu.memory_space<hbm>>, %arg5: memref<384xi32, #tpu.memory_space<vmem>>, %arg6: memref<56x768xf32, #tpu.memory_space<vmem>>, %arg7: memref<56x768xf32, #tpu.memory_space<vmem>>, %arg8: memref<56x384xf32, #tpu.memory_space<vmem>>, %arg9: memref<56x384xf32, #tpu.memory_space<vmem>>, %arg10: memref<!tpu.dma_semaphore, #tpu.memory_space<semaphore_mem>>, %arg11: memref<!tpu.dma_semaphore, #tpu.memory_space<semaphore_mem>>, %arg12: memref<!tpu.dma_semaphore, #tpu.memory_space<semaphore_mem>>, %arg13: memref<!tpu.dma_semaphore, #tpu.memory_space<semaphore_mem>>) attributes {dimension_semantics = [#tpu.dimension_semantics<core_parallel>, #tpu.dimension_semantics<subcore_parallel>], iteration_bounds = array<i64: 2, 16>, scalar_prefetch = 0 : i64, scratch_operands = 9 : i64, tpu.core_type = #tpu.core_type<sc_vector_subcore>, window_params = [{transform_indices = #map}, {transform_indices = #map}, {transform_indices = #map}]} {
    %mul3A = arith.constant 2 : i32
    %mul3A_0 = arith.muli %arg1, %mul3A : i32
    %add3A = arith.addi %mul3A_0, %arg0 : i32
    %mul3A_1 = arith.constant 1568 : i32
    %mul3A_2 = arith.muli %add3A, %mul3A_1 : i32
    %jit3A = arith.constant 2 : i32
    %div3A = arith.divsi %add3A, %jit3A : i32
    %sign3A = arith.constant 0 : i32
    %sign3A_3 = arith.cmpi sgt, %add3A, %sign3A : i32
    %sign3A_4 = arith.extui %sign3A_3 : i1 to i32
    %sign3A_5 = arith.constant 0 : i32
    %sign3A_6 = arith.cmpi slt, %add3A, %sign3A_5 : i32
    %sign3A_7 = arith.extui %sign3A_6 : i1 to i32
    %sign3A_8 = arith.subi %sign3A_4, %sign3A_7 : i32
    %sign3A_9 = arith.constant 0 : i32
    %sign3A_10 = arith.cmpi sgt, %jit3A, %sign3A_9 : i32
    %sign3A_11 = arith.extui %sign3A_10 : i1 to i32
    %sign3A_12 = arith.constant 0 : i32
    %sign3A_13 = arith.cmpi slt, %jit3A, %sign3A_12 : i32
    %sign3A_14 = arith.extui %sign3A_13 : i1 to i32
    %sign3A_15 = arith.subi %sign3A_11, %sign3A_14 : i32
    %ne3A = arith.cmpi ne, %sign3A_8, %sign3A_15 : i32
    %rem3A = arith.remsi %add3A, %jit3A : i32
    %ne3A_16 = arith.constant 0 : i32
    %ne3A_17 = arith.cmpi ne, %rem3A, %ne3A_16 : i32
    %and3A = arith.andi %ne3A, %ne3A_17 : i1
    %sub3A = arith.constant 1 : i32
    %sub3A_18 = arith.subi %div3A, %sub3A : i32
    %select_n3A = arith.select %and3A, %sub3A_18, %div3A : i32
    "tpu.region"() ({
      %run_scoped3A = tpu.sem_alloc : memref<!tpu.dma_semaphore, #tpu.memory_space<semaphore_mem>>
      %dma_start3A_91 = arith.constant 0 : i32
      %dma_start3A_92 = tpu.memref_slice %arg3[%select_n3A, %dma_start3A_91] : memref<16x384xi32, #tpu.memory_space<hbm>> -> memref<1x384xi32, #tpu.memory_space<hbm>>
      %dma_start3A_93 = tpu.memref_squeeze %dma_start3A_92 : memref<1x384xi32, #tpu.memory_space<hbm>> -> memref<384xi32, #tpu.memory_space<hbm>>
      %dma_start3A_94 = arith.constant 0 : i32
      %dma_start3A_95 = tpu.memref_slice %arg3[%select_n3A, %dma_start3A_94] : memref<16x384xi32, #tpu.memory_space<hbm>> -> memref<1x384xi32, #tpu.memory_space<hbm>>
      %dma_start3A_96 = tpu.memref_squeeze %dma_start3A_95 : memref<1x384xi32, #tpu.memory_space<hbm>> -> memref<384xi32, #tpu.memory_space<hbm>>
      tpu.enqueue_dma source(%dma_start3A_96 : memref<384xi32, #tpu.memory_space<hbm>>) target(%arg5 : memref<384xi32, #tpu.memory_space<vmem>>) target_semaphore(%run_scoped3A : memref<!tpu.dma_semaphore, #tpu.memory_space<semaphore_mem>>)
      %dma_wait3A_97 = arith.constant 0 : i32
      %dma_wait3A_98 = tpu.memref_slice %arg3[%select_n3A, %dma_wait3A_97] : memref<16x384xi32, #tpu.memory_space<hbm>> -> memref<1x384xi32, #tpu.memory_space<hbm>>
      %dma_wait3A_99 = tpu.memref_squeeze %dma_wait3A_98 : memref<1x384xi32, #tpu.memory_space<hbm>> -> memref<384xi32, #tpu.memory_space<hbm>>
      %dma_wait3A_100 = arith.constant 0 : i32
      %dma_wait3A_101 = tpu.memref_slice %arg3[%select_n3A, %dma_wait3A_100] : memref<16x384xi32, #tpu.memory_space<hbm>> -> memref<1x384xi32, #tpu.memory_space<hbm>>
      %dma_wait3A_102 = tpu.memref_squeeze %dma_wait3A_101 : memref<1x384xi32, #tpu.memory_space<hbm>> -> memref<384xi32, #tpu.memory_space<hbm>>
      tpu.wait_dma2 semaphore(%run_scoped3A : memref<!tpu.dma_semaphore, #tpu.memory_space<semaphore_mem>>) src(%dma_wait3A_102 : memref<384xi32, #tpu.memory_space<hbm>>) dst(%arg5 : memref<384xi32, #tpu.memory_space<vmem>>)
      tpu.yield
    }) : () -> ()
    %get3A = arith.constant 0 : index
    %get3A_19 = tpu.vector_load %arg5[%get3A] {strides = array<i32>} : memref<384xi32, #tpu.memory_space<vmem>>, vector<16xi32>,
    %get3A_20 = arith.constant 16 : index
    %get3A_21 = tpu.vector_load %arg5[%get3A_20] {strides = array<i32>} : memref<384xi32, #tpu.memory_space<vmem>>, vector<16xi32>,
    %get3A_22 = arith.constant 32 : index
    %get3A_23 = tpu.vector_load %arg5[%get3A_22] {strides = array<i32>} : memref<384xi32, #tpu.memory_space<vmem>>, vector<16xi32>,
    %get3A_24 = arith.constant 48 : index
    %get3A_25 = tpu.vector_load %arg5[%get3A_24] {strides = array<i32>} : memref<384xi32, #tpu.memory_space<vmem>>, vector<16xi32>,
    %get3A_26 = arith.constant 64 : index
    %get3A_27 = tpu.vector_load %arg5[%get3A_26] {strides = array<i32>} : memref<384xi32, #tpu.memory_space<vmem>>, vector<16xi32>,
    %get3A_28 = arith.constant 80 : index
    %get3A_29 = tpu.vector_load %arg5[%get3A_28] {strides = array<i32>} : memref<384xi32, #tpu.memory_space<vmem>>, vector<16xi32>,
    %get3A_30 = arith.constant 96 : index
    %get3A_31 = tpu.vector_load %arg5[%get3A_30] {strides = array<i32>} : memref<384xi32, #tpu.memory_space<vmem>>, vector<16xi32>,
    %get3A_32 = arith.constant 112 : index
    %get3A_33 = tpu.vector_load %arg5[%get3A_32] {strides = array<i32>} : memref<384xi32, #tpu.memory_space<vmem>>, vector<16xi32>,
    %get3A_34 = arith.constant 128 : index
    %get3A_35 = tpu.vector_load %arg5[%get3A_34] {strides = array<i32>} : memref<384xi32, #tpu.memory_space<vmem>>, vector<16xi32>,
    %get3A_36 = arith.constant 144 : index
    %get3A_37 = tpu.vector_load %arg5[%get3A_36] {strides = array<i32>} : memref<384xi32, #tpu.memory_space<vmem>>, vector<16xi32>,
    %get3A_38 = arith.constant 160 : index
    %get3A_39 = tpu.vector_load %arg5[%get3A_38] {strides = array<i32>} : memref<384xi32, #tpu.memory_space<vmem>>, vector<16xi32>,
    %get3A_40 = arith.constant 176 : index
    %get3A_41 = tpu.vector_load %arg5[%get3A_40] {strides = array<i32>} : memref<384xi32, #tpu.memory_space<vmem>>, vector<16xi32>,
    %get3A_42 = arith.constant 192 : index
    %get3A_43 = tpu.vector_load %arg5[%get3A_42] {strides = array<i32>} : memref<384xi32, #tpu.memory_space<vmem>>, vector<16xi32>,
    %get3A_44 = arith.constant 208 : index
    %get3A_45 = tpu.vector_load %arg5[%get3A_44] {strides = array<i32>} : memref<384xi32, #tpu.memory_space<vmem>>, vector<16xi32>,
    %get3A_46 = arith.constant 224 : index
    %get3A_47 = tpu.vector_load %arg5[%get3A_46] {strides = array<i32>} : memref<384xi32, #tpu.memory_space<vmem>>, vector<16xi32>,
    %get3A_48 = arith.constant 240 : index
    %get3A_49 = tpu.vector_load %arg5[%get3A_48] {strides = array<i32>} : memref<384xi32, #tpu.memory_space<vmem>>, vector<16xi32>,
    %get3A_50 = arith.constant 256 : index
    %get3A_51 = tpu.vector_load %arg5[%get3A_50] {strides = array<i32>} : memref<384xi32, #tpu.memory_space<vmem>>, vector<16xi32>,
    %get3A_52 = arith.constant 272 : index
    %get3A_53 = tpu.vector_load %arg5[%get3A_52] {strides = array<i32>} : memref<384xi32, #tpu.memory_space<vmem>>, vector<16xi32>,
    %get3A_54 = arith.constant 288 : index
    %get3A_55 = tpu.vector_load %arg5[%get3A_54] {strides = array<i32>} : memref<384xi32, #tpu.memory_space<vmem>>, vector<16xi32>,
    %get3A_56 = arith.constant 304 : index
    %get3A_57 = tpu.vector_load %arg5[%get3A_56] {strides = array<i32>} : memref<384xi32, #tpu.memory_space<vmem>>, vector<16xi32>,
    %get3A_58 = arith.constant 320 : index
    %get3A_59 = tpu.vector_load %arg5[%get3A_58] {strides = array<i32>} : memref<384xi32, #tpu.memory_space<vmem>>, vector<16xi32>,
    %get3A_60 = arith.constant 336 : index
    %get3A_61 = tpu.vector_load %arg5[%get3A_60] {strides = array<i32>} : memref<384xi32, #tpu.memory_space<vmem>>, vector<16xi32>,
    %get3A_62 = arith.constant 352 : index
    %get3A_63 = tpu.vector_load %arg5[%get3A_62] {strides = array<i32>} : memref<384xi32, #tpu.memory_space<vmem>>, vector<16xi32>,
    %get3A_64 = arith.constant 368 : index
    %get3A_65 = tpu.vector_load %arg5[%get3A_64] {strides = array<i32>} : memref<384xi32, #tpu.memory_space<vmem>>, vector<16xi32>,
    %iota3A = tpu.iota {dimensions = array<i32: 0>} : vector<16xi32>
    %add3A_66 = arith.constant 0 : i32
    %add3A_67 = arith.addi %mul3A_2, %add3A_66 : i32
    %dma_start3A = arith.constant 0 : i32
    %dma_start3A_68 = tpu.memref_slice %arg2[%add3A_67, %dma_start3A] : memref<50176x768xf32, #tpu.memory_space<hbm>> -> memref<56x768xf32, #tpu.memory_space<hbm>>
    %dma_start3A_69 = arith.constant 0 : i32
    %dma_start3A_70 = tpu.memref_slice %arg2[%add3A_67, %dma_start3A_69] : memref<50176x768xf32, #tpu.memory_space<hbm>> -> memref<56x768xf32, #tpu.memory_space<hbm>>
    tpu.enqueue_dma source(%dma_start3A_70 : memref<56x768xf32, #tpu.memory_space<hbm>>) target(%arg6 : memref<56x768xf32, #tpu.memory_space<vmem>>) target_semaphore(%arg10 : memref<!tpu.dma_semaphore, #tpu.memory_space<semaphore_mem>>)
    %add3A_71 = arith.constant 56 : i32
    %add3A_72 = arith.addi %mul3A_2, %add3A_71 : i32
    %dma_start3A_73 = arith.constant 0 : i32
    %dma_start3A_74 = tpu.memref_slice %arg2[%add3A_72, %dma_start3A_73] : memref<50176x768xf32, #tpu.memory_space<hbm>> -> memref<56x768xf32, #tpu.memory_space<hbm>>
    %dma_start3A_75 = arith.constant 0 : i32
    %dma_start3A_76 = tpu.memref_slice %arg2[%add3A_72, %dma_start3A_75] : memref<50176x768xf32, #tpu.memory_space<hbm>> -> memref<56x768xf32, #tpu.memory_space<hbm>>
    tpu.enqueue_dma source(%dma_start3A_76 : memref<56x768xf32, #tpu.memory_space<hbm>>) target(%arg7 : memref<56x768xf32, #tpu.memory_space<vmem>>) target_semaphore(%arg11 : memref<!tpu.dma_semaphore, #tpu.memory_space<semaphore_mem>>)
    %scan3A = arith.constant 0 : i32
    %scan3A_77 = arith.constant 0 : i32
    %scan3A_78 = arith.constant 14 : i32
    %scan3A_79 = arith.addi %scan3A_77, %scan3A_78 : i32
    %scan3A_80 = arith.constant 1 : i32
    scf.for %scan3A_91 = %scan3A_77 to %scan3A_79 step %scan3A_80  : i32 {
      %mul3A_92 = arith.constant 2 : i32
      %mul3A_93 = arith.muli %mul3A_92, %scan3A_91 : i32
      %add3A_94 = arith.constant 0 : i32
      %add3A_95 = arith.addi %mul3A_93, %add3A_94 : i32
      %mul3A_96 = arith.constant 56 : i32
      %mul3A_97 = arith.muli %add3A_95, %mul3A_96 : i32
      %add3A_98 = arith.addi %mul3A_2, %mul3A_97 : i32
      %dma_wait3A_99 = arith.constant 0 : i32
      %dma_wait3A_100 = tpu.memref_slice %arg2[%add3A_98, %dma_wait3A_99] : memref<50176x768xf32, #tpu.memory_space<hbm>> -> memref<56x768xf32, #tpu.memory_space<hbm>>
      %dma_wait3A_101 = arith.constant 0 : i32
      %dma_wait3A_102 = tpu.memref_slice %arg2[%add3A_98, %dma_wait3A_101] : memref<50176x768xf32, #tpu.memory_space<hbm>> -> memref<56x768xf32, #tpu.memory_space<hbm>>
      tpu.wait_dma2 semaphore(%arg10 : memref<!tpu.dma_semaphore, #tpu.memory_space<semaphore_mem>>) src(%dma_wait3A_102 : memref<56x768xf32, #tpu.memory_space<hbm>>) dst(%arg6 : memref<56x768xf32, #tpu.memory_space<vmem>>)
      %ge3A = arith.constant 2 : i32
      %ge3A_103 = arith.cmpi sge, %add3A_95, %ge3A : i32
      %convert_element_type3A = arith.extui %ge3A_103 : i1 to i32
      %cond3A = arith.constant 0 : i32
      %cond3A_104 = arith.cmpi ne, %convert_element_type3A, %cond3A : i32
      scf.if %cond3A_104 {
        %dma_wait3A_147 = arith.constant 0 : i32
        %dma_wait3A_148 = tpu.memref_slice %arg4[%add3A_98, %dma_wait3A_147] : memref<50176x384xf32, #tpu.memory_space<hbm>> -> memref<56x384xf32, #tpu.memory_space<hbm>>
        %dma_wait3A_149 = arith.constant 0 : i32
        %dma_wait3A_150 = tpu.memref_slice %arg4[%add3A_98, %dma_wait3A_149] : memref<50176x384xf32, #tpu.memory_space<hbm>> -> memref<56x384xf32, #tpu.memory_space<hbm>>
        tpu.wait_dma2 semaphore(%arg12 : memref<!tpu.dma_semaphore, #tpu.memory_space<semaphore_mem>>) src(%arg8 : memref<56x384xf32, #tpu.memory_space<vmem>>) dst(%dma_wait3A_150 : memref<56x384xf32, #tpu.memory_space<hbm>>)
      } else {
      }
      %parallel_loop3A = arith.constant 0 : i32
      %parallel_loop3A_105 = arith.constant 56 : i32
      %parallel_loop3A_106 = arith.constant 1 : i32
      scf.for %parallel_loop3A_147 = %parallel_loop3A to %parallel_loop3A_105 step %parallel_loop3A_106  : i32 {
        %parallel_loop3A_148 = vector.broadcast %parallel_loop3A_147 : i32 to vector<16xi32>
        %parallel_loop3A_149 = tpu.vector_load_idx %arg6[%parallel_loop3A_148, %get3A_19] : memref<56x768xf32, #tpu.memory_space<vmem>>[vector<16xi32>, vector<16xi32>], vector<16xf32>,
        %parallel_loop3A_150 = arith.constant 0 : i32
        %parallel_loop3A_151 = vector.broadcast %parallel_loop3A_150 : i32 to vector<16xi32>
        %parallel_loop3A_152 = arith.addi %iota3A, %parallel_loop3A_151 : vector<16xi32>
        tpu.vector_store_idx %arg8[%parallel_loop3A_148, %parallel_loop3A_152], %parallel_loop3A_149 : memref<56x384xf32, #tpu.memory_space<vmem>>[vector<16xi32>, vector<16xi32>], vector<16xf32>,
        %parallel_loop3A_153 = tpu.vector_load_idx %arg6[%parallel_loop3A_148, %get3A_21] : memref<56x768xf32, #tpu.memory_space<vmem>>[vector<16xi32>, vector<16xi32>], vector<16xf32>,
        %parallel_loop3A_154 = arith.constant 16 : i32
        %parallel_loop3A_155 = vector.broadcast %parallel_loop3A_154 : i32 to vector<16xi32>
        %parallel_loop3A_156 = arith.addi %iota3A, %parallel_loop3A_155 : vector<16xi32>
        tpu.vector_store_idx %arg8[%parallel_loop3A_148, %parallel_loop3A_156], %parallel_loop3A_153 : memref<56x384xf32, #tpu.memory_space<vmem>>[vector<16xi32>, vector<16xi32>], vector<16xf32>,
        %parallel_loop3A_157 = tpu.vector_load_idx %arg6[%parallel_loop3A_148, %get3A_23] : memref<56x768xf32, #tpu.memory_space<vmem>>[vector<16xi32>, vector<16xi32>], vector<16xf32>,
        %parallel_loop3A_158 = arith.constant 32 : i32
        %parallel_loop3A_159 = vector.broadcast %parallel_loop3A_158 : i32 to vector<16xi32>
        %parallel_loop3A_160 = arith.addi %iota3A, %parallel_loop3A_159 : vector<16xi32>
        tpu.vector_store_idx %arg8[%parallel_loop3A_148, %parallel_loop3A_160], %parallel_loop3A_157 : memref<56x384xf32, #tpu.memory_space<vmem>>[vector<16xi32>, vector<16xi32>], vector<16xf32>,
        %parallel_loop3A_161 = tpu.vector_load_idx %arg6[%parallel_loop3A_148, %get3A_25] : memref<56x768xf32, #tpu.memory_space<vmem>>[vector<16xi32>, vector<16xi32>], vector<16xf32>,
        %parallel_loop3A_162 = arith.constant 48 : i32
        %parallel_loop3A_163 = vector.broadcast %parallel_loop3A_162 : i32 to vector<16xi32>
        %parallel_loop3A_164 = arith.addi %iota3A, %parallel_loop3A_163 : vector<16xi32>
        tpu.vector_store_idx %arg8[%parallel_loop3A_148, %parallel_loop3A_164], %parallel_loop3A_161 : memref<56x384xf32, #tpu.memory_space<vmem>>[vector<16xi32>, vector<16xi32>], vector<16xf32>,
        %parallel_loop3A_165 = tpu.vector_load_idx %arg6[%parallel_loop3A_148, %get3A_27] : memref<56x768xf32, #tpu.memory_space<vmem>>[vector<16xi32>, vector<16xi32>], vector<16xf32>,
        %parallel_loop3A_166 = arith.constant 64 : i32
        %parallel_loop3A_167 = vector.broadcast %parallel_loop3A_166 : i32 to vector<16xi32>
        %parallel_loop3A_168 = arith.addi %iota3A, %parallel_loop3A_167 : vector<16xi32>
        tpu.vector_store_idx %arg8[%parallel_loop3A_148, %parallel_loop3A_168], %parallel_loop3A_165 : memref<56x384xf32, #tpu.memory_space<vmem>>[vector<16xi32>, vector<16xi32>], vector<16xf32>,
        %parallel_loop3A_169 = tpu.vector_load_idx %arg6[%parallel_loop3A_148, %get3A_29] : memref<56x768xf32, #tpu.memory_space<vmem>>[vector<16xi32>, vector<16xi32>], vector<16xf32>,
        %parallel_loop3A_170 = arith.constant 80 : i32
        %parallel_loop3A_171 = vector.broadcast %parallel_loop3A_170 : i32 to vector<16xi32>
        %parallel_loop3A_172 = arith.addi %iota3A, %parallel_loop3A_171 : vector<16xi32>
        tpu.vector_store_idx %arg8[%parallel_loop3A_148, %parallel_loop3A_172], %parallel_loop3A_169 : memref<56x384xf32, #tpu.memory_space<vmem>>[vector<16xi32>, vector<16xi32>], vector<16xf32>,
        %parallel_loop3A_173 = tpu.vector_load_idx %arg6[%parallel_loop3A_148, %get3A_31] : memref<56x768xf32, #tpu.memory_space<vmem>>[vector<16xi32>, vector<16xi32>], vector<16xf32>,
        %parallel_loop3A_174 = arith.constant 96 : i32
        %parallel_loop3A_175 = vector.broadcast %parallel_loop3A_174 : i32 to vector<16xi32>
        %parallel_loop3A_176 = arith.addi %iota3A, %parallel_loop3A_175 : vector<16xi32>
        tpu.vector_store_idx %arg8[%parallel_loop3A_148, %parallel_loop3A_176], %parallel_loop3A_173 : memref<56x384xf32, #tpu.memory_space<vmem>>[vector<16xi32>, vector<16xi32>], vector<16xf32>,
        %parallel_loop3A_177 = tpu.vector_load_idx %arg6[%parallel_loop3A_148, %get3A_33] : memref<56x768xf32, #tpu.memory_space<vmem>>[vector<16xi32>, vector<16xi32>], vector<16xf32>,
        %parallel_loop3A_178 = arith.constant 112 : i32
        %parallel_loop3A_179 = vector.broadcast %parallel_loop3A_178 : i32 to vector<16xi32>
        %parallel_loop3A_180 = arith.addi %iota3A, %parallel_loop3A_179 : vector<16xi32>
        tpu.vector_store_idx %arg8[%parallel_loop3A_148, %parallel_loop3A_180], %parallel_loop3A_177 : memref<56x384xf32, #tpu.memory_space<vmem>>[vector<16xi32>, vector<16xi32>], vector<16xf32>,
        %parallel_loop3A_181 = tpu.vector_load_idx %arg6[%parallel_loop3A_148, %get3A_35] : memref<56x768xf32, #tpu.memory_space<vmem>>[vector<16xi32>, vector<16xi32>], vector<16xf32>,
        %parallel_loop3A_182 = arith.constant 128 : i32
        %parallel_loop3A_183 = vector.broadcast %parallel_loop3A_182 : i32 to vector<16xi32>
        %parallel_loop3A_184 = arith.addi %iota3A, %parallel_loop3A_183 : vector<16xi32>
        tpu.vector_store_idx %arg8[%parallel_loop3A_148, %parallel_loop3A_184], %parallel_loop3A_181 : memref<56x384xf32, #tpu.memory_space<vmem>>[vector<16xi32>, vector<16xi32>], vector<16xf32>,
        %parallel_loop3A_185 = tpu.vector_load_idx %arg6[%parallel_loop3A_148, %get3A_37] : memref<56x768xf32, #tpu.memory_space<vmem>>[vector<16xi32>, vector<16xi32>], vector<16xf32>,
        %parallel_loop3A_186 = arith.constant 144 : i32
        %parallel_loop3A_187 = vector.broadcast %parallel_loop3A_186 : i32 to vector<16xi32>
        %parallel_loop3A_188 = arith.addi %iota3A, %parallel_loop3A_187 : vector<16xi32>
        tpu.vector_store_idx %arg8[%parallel_loop3A_148, %parallel_loop3A_188], %parallel_loop3A_185 : memref<56x384xf32, #tpu.memory_space<vmem>>[vector<16xi32>, vector<16xi32>], vector<16xf32>,
        %parallel_loop3A_189 = tpu.vector_load_idx %arg6[%parallel_loop3A_148, %get3A_39] : memref<56x768xf32, #tpu.memory_space<vmem>>[vector<16xi32>, vector<16xi32>], vector<16xf32>,
        %parallel_loop3A_190 = arith.constant 160 : i32
        %parallel_loop3A_191 = vector.broadcast %parallel_loop3A_190 : i32 to vector<16xi32>
        %parallel_loop3A_192 = arith.addi %iota3A, %parallel_loop3A_191 : vector<16xi32>
        tpu.vector_store_idx %arg8[%parallel_loop3A_148, %parallel_loop3A_192], %parallel_loop3A_189 : memref<56x384xf32, #tpu.memory_space<vmem>>[vector<16xi32>, vector<16xi32>], vector<16xf32>,
        %parallel_loop3A_193 = tpu.vector_load_idx %arg6[%parallel_loop3A_148, %get3A_41] : memref<56x768xf32, #tpu.memory_space<vmem>>[vector<16xi32>, vector<16xi32>], vector<16xf32>,
        %parallel_loop3A_194 = arith.constant 176 : i32
        %parallel_loop3A_195 = vector.broadcast %parallel_loop3A_194 : i32 to vector<16xi32>
        %parallel_loop3A_196 = arith.addi %iota3A, %parallel_loop3A_195 : vector<16xi32>
        tpu.vector_store_idx %arg8[%parallel_loop3A_148, %parallel_loop3A_196], %parallel_loop3A_193 : memref<56x384xf32, #tpu.memory_space<vmem>>[vector<16xi32>, vector<16xi32>], vector<16xf32>,
        %parallel_loop3A_197 = tpu.vector_load_idx %arg6[%parallel_loop3A_148, %get3A_43] : memref<56x768xf32, #tpu.memory_space<vmem>>[vector<16xi32>, vector<16xi32>], vector<16xf32>,
        %parallel_loop3A_198 = arith.constant 192 : i32
        %parallel_loop3A_199 = vector.broadcast %parallel_loop3A_198 : i32 to vector<16xi32>
        %parallel_loop3A_200 = arith.addi %iota3A, %parallel_loop3A_199 : vector<16xi32>
        tpu.vector_store_idx %arg8[%parallel_loop3A_148, %parallel_loop3A_200], %parallel_loop3A_197 : memref<56x384xf32, #tpu.memory_space<vmem>>[vector<16xi32>, vector<16xi32>], vector<16xf32>,
        %parallel_loop3A_201 = tpu.vector_load_idx %arg6[%parallel_loop3A_148, %get3A_45] : memref<56x768xf32, #tpu.memory_space<vmem>>[vector<16xi32>, vector<16xi32>], vector<16xf32>,
        %parallel_loop3A_202 = arith.constant 208 : i32
        %parallel_loop3A_203 = vector.broadcast %parallel_loop3A_202 : i32 to vector<16xi32>
        %parallel_loop3A_204 = arith.addi %iota3A, %parallel_loop3A_203 : vector<16xi32>
        tpu.vector_store_idx %arg8[%parallel_loop3A_148, %parallel_loop3A_204], %parallel_loop3A_201 : memref<56x384xf32, #tpu.memory_space<vmem>>[vector<16xi32>, vector<16xi32>], vector<16xf32>,
        %parallel_loop3A_205 = tpu.vector_load_idx %arg6[%parallel_loop3A_148, %get3A_47] : memref<56x768xf32, #tpu.memory_space<vmem>>[vector<16xi32>, vector<16xi32>], vector<16xf32>,
        %parallel_loop3A_206 = arith.constant 224 : i32
        %parallel_loop3A_207 = vector.broadcast %parallel_loop3A_206 : i32 to vector<16xi32>
        %parallel_loop3A_208 = arith.addi %iota3A, %parallel_loop3A_207 : vector<16xi32>
        tpu.vector_store_idx %arg8[%parallel_loop3A_148, %parallel_loop3A_208], %parallel_loop3A_205 : memref<56x384xf32, #tpu.memory_space<vmem>>[vector<16xi32>, vector<16xi32>], vector<16xf32>,
        %parallel_loop3A_209 = tpu.vector_load_idx %arg6[%parallel_loop3A_148, %get3A_49] : memref<56x768xf32, #tpu.memory_space<vmem>>[vector<16xi32>, vector<16xi32>], vector<16xf32>,
        %parallel_loop3A_210 = arith.constant 240 : i32
        %parallel_loop3A_211 = vector.broadcast %parallel_loop3A_210 : i32 to vector<16xi32>
        %parallel_loop3A_212 = arith.addi %iota3A, %parallel_loop3A_211 : vector<16xi32>
        tpu.vector_store_idx %arg8[%parallel_loop3A_148, %parallel_loop3A_212], %parallel_loop3A_209 : memref<56x384xf32, #tpu.memory_space<vmem>>[vector<16xi32>, vector<16xi32>], vector<16xf32>,
        %parallel_loop3A_213 = tpu.vector_load_idx %arg6[%parallel_loop3A_148, %get3A_51] : memref<56x768xf32, #tpu.memory_space<vmem>>[vector<16xi32>, vector<16xi32>], vector<16xf32>,
        %parallel_loop3A_214 = arith.constant 256 : i32
        %parallel_loop3A_215 = vector.broadcast %parallel_loop3A_214 : i32 to vector<16xi32>
        %parallel_loop3A_216 = arith.addi %iota3A, %parallel_loop3A_215 : vector<16xi32>
        tpu.vector_store_idx %arg8[%parallel_loop3A_148, %parallel_loop3A_216], %parallel_loop3A_213 : memref<56x384xf32, #tpu.memory_space<vmem>>[vector<16xi32>, vector<16xi32>], vector<16xf32>,
        %parallel_loop3A_217 = tpu.vector_load_idx %arg6[%parallel_loop3A_148, %get3A_53] : memref<56x768xf32, #tpu.memory_space<vmem>>[vector<16xi32>, vector<16xi32>], vector<16xf32>,
        %parallel_loop3A_218 = arith.constant 272 : i32
        %parallel_loop3A_219 = vector.broadcast %parallel_loop3A_218 : i32 to vector<16xi32>
        %parallel_loop3A_220 = arith.addi %iota3A, %parallel_loop3A_219 : vector<16xi32>
        tpu.vector_store_idx %arg8[%parallel_loop3A_148, %parallel_loop3A_220], %parallel_loop3A_217 : memref<56x384xf32, #tpu.memory_space<vmem>>[vector<16xi32>, vector<16xi32>], vector<16xf32>,
        %parallel_loop3A_221 = tpu.vector_load_idx %arg6[%parallel_loop3A_148, %get3A_55] : memref<56x768xf32, #tpu.memory_space<vmem>>[vector<16xi32>, vector<16xi32>], vector<16xf32>,
        %parallel_loop3A_222 = arith.constant 288 : i32
        %parallel_loop3A_223 = vector.broadcast %parallel_loop3A_222 : i32 to vector<16xi32>
        %parallel_loop3A_224 = arith.addi %iota3A, %parallel_loop3A_223 : vector<16xi32>
        tpu.vector_store_idx %arg8[%parallel_loop3A_148, %parallel_loop3A_224], %parallel_loop3A_221 : memref<56x384xf32, #tpu.memory_space<vmem>>[vector<16xi32>, vector<16xi32>], vector<16xf32>,
        %parallel_loop3A_225 = tpu.vector_load_idx %arg6[%parallel_loop3A_148, %get3A_57] : memref<56x768xf32, #tpu.memory_space<vmem>>[vector<16xi32>, vector<16xi32>], vector<16xf32>,
        %parallel_loop3A_226 = arith.constant 304 : i32
        %parallel_loop3A_227 = vector.broadcast %parallel_loop3A_226 : i32 to vector<16xi32>
        %parallel_loop3A_228 = arith.addi %iota3A, %parallel_loop3A_227 : vector<16xi32>
        tpu.vector_store_idx %arg8[%parallel_loop3A_148, %parallel_loop3A_228], %parallel_loop3A_225 : memref<56x384xf32, #tpu.memory_space<vmem>>[vector<16xi32>, vector<16xi32>], vector<16xf32>,
        %parallel_loop3A_229 = tpu.vector_load_idx %arg6[%parallel_loop3A_148, %get3A_59] : memref<56x768xf32, #tpu.memory_space<vmem>>[vector<16xi32>, vector<16xi32>], vector<16xf32>,
        %parallel_loop3A_230 = arith.constant 320 : i32
        %parallel_loop3A_231 = vector.broadcast %parallel_loop3A_230 : i32 to vector<16xi32>
        %parallel_loop3A_232 = arith.addi %iota3A, %parallel_loop3A_231 : vector<16xi32>
        tpu.vector_store_idx %arg8[%parallel_loop3A_148, %parallel_loop3A_232], %parallel_loop3A_229 : memref<56x384xf32, #tpu.memory_space<vmem>>[vector<16xi32>, vector<16xi32>], vector<16xf32>,
        %parallel_loop3A_233 = tpu.vector_load_idx %arg6[%parallel_loop3A_148, %get3A_61] : memref<56x768xf32, #tpu.memory_space<vmem>>[vector<16xi32>, vector<16xi32>], vector<16xf32>,
        %parallel_loop3A_234 = arith.constant 336 : i32
        %parallel_loop3A_235 = vector.broadcast %parallel_loop3A_234 : i32 to vector<16xi32>
        %parallel_loop3A_236 = arith.addi %iota3A, %parallel_loop3A_235 : vector<16xi32>
        tpu.vector_store_idx %arg8[%parallel_loop3A_148, %parallel_loop3A_236], %parallel_loop3A_233 : memref<56x384xf32, #tpu.memory_space<vmem>>[vector<16xi32>, vector<16xi32>], vector<16xf32>,
        %parallel_loop3A_237 = tpu.vector_load_idx %arg6[%parallel_loop3A_148, %get3A_63] : memref<56x768xf32, #tpu.memory_space<vmem>>[vector<16xi32>, vector<16xi32>], vector<16xf32>,
        %parallel_loop3A_238 = arith.constant 352 : i32
        %parallel_loop3A_239 = vector.broadcast %parallel_loop3A_238 : i32 to vector<16xi32>
        %parallel_loop3A_240 = arith.addi %iota3A, %parallel_loop3A_239 : vector<16xi32>
        tpu.vector_store_idx %arg8[%parallel_loop3A_148, %parallel_loop3A_240], %parallel_loop3A_237 : memref<56x384xf32, #tpu.memory_space<vmem>>[vector<16xi32>, vector<16xi32>], vector<16xf32>,
        %parallel_loop3A_241 = tpu.vector_load_idx %arg6[%parallel_loop3A_148, %get3A_65] : memref<56x768xf32, #tpu.memory_space<vmem>>[vector<16xi32>, vector<16xi32>], vector<16xf32>,
        %parallel_loop3A_242 = arith.constant 368 : i32
        %parallel_loop3A_243 = vector.broadcast %parallel_loop3A_242 : i32 to vector<16xi32>
        %parallel_loop3A_244 = arith.addi %iota3A, %parallel_loop3A_243 : vector<16xi32>
        tpu.vector_store_idx %arg8[%parallel_loop3A_148, %parallel_loop3A_244], %parallel_loop3A_241 : memref<56x384xf32, #tpu.memory_space<vmem>>[vector<16xi32>, vector<16xi32>], vector<16xf32>,
      } {sc.loop_unroll_factor = 4 : i64, sc.parallel_access}
      %dma_start3A_107 = arith.constant 0 : i32
      %dma_start3A_108 = tpu.memref_slice %arg4[%add3A_98, %dma_start3A_107] : memref<50176x384xf32, #tpu.memory_space<hbm>> -> memref<56x384xf32, #tpu.memory_space<hbm>>
      %dma_start3A_109 = arith.constant 0 : i32
      %dma_start3A_110 = tpu.memref_slice %arg4[%add3A_98, %dma_start3A_109] : memref<50176x384xf32, #tpu.memory_space<hbm>> -> memref<56x384xf32, #tpu.memory_space<hbm>>
      tpu.enqueue_dma source(%arg8 : memref<56x384xf32, #tpu.memory_space<vmem>>) target(%dma_start3A_110 : memref<56x384xf32, #tpu.memory_space<hbm>>) target_semaphore(%arg12 : memref<!tpu.dma_semaphore, #tpu.memory_space<semaphore_mem>>)
      %add3A_111 = arith.constant 2 : i32
      %add3A_112 = arith.addi %add3A_95, %add3A_111 : i32
      %lt3A = arith.constant 28 : i32
      %lt3A_113 = arith.cmpi slt, %add3A_112, %lt3A : i32
      %convert_element_type3A_114 = arith.extui %lt3A_113 : i1 to i32
      %cond3A_115 = arith.constant 0 : i32
      %cond3A_116 = arith.cmpi ne, %convert_element_type3A_114, %cond3A_115 : i32
      scf.if %cond3A_116 {
        %add3A_147 = arith.constant 2 : i32
        %add3A_148 = arith.addi %add3A_95, %add3A_147 : i32
        %mul3A_149 = arith.constant 56 : i32
        %mul3A_150 = arith.muli %add3A_148, %mul3A_149 : i32
        %add3A_151 = arith.addi %mul3A_2, %mul3A_150 : i32
        %dma_start3A_152 = arith.constant 0 : i32
        %dma_start3A_153 = tpu.memref_slice %arg2[%add3A_151, %dma_start3A_152] : memref<50176x768xf32, #tpu.memory_space<hbm>> -> memref<56x768xf32, #tpu.memory_space<hbm>>
        %dma_start3A_154 = arith.constant 0 : i32
        %dma_start3A_155 = tpu.memref_slice %arg2[%add3A_151, %dma_start3A_154] : memref<50176x768xf32, #tpu.memory_space<hbm>> -> memref<56x768xf32, #tpu.memory_space<hbm>>
        tpu.enqueue_dma source(%dma_start3A_155 : memref<56x768xf32, #tpu.memory_space<hbm>>) target(%arg6 : memref<56x768xf32, #tpu.memory_space<vmem>>) target_semaphore(%arg10 : memref<!tpu.dma_semaphore, #tpu.memory_space<semaphore_mem>>)
      } else {
      }
      %mul3A_117 = arith.constant 2 : i32
      %mul3A_118 = arith.muli %mul3A_117, %scan3A_91 : i32
      %add3A_119 = arith.constant 1 : i32
      %add3A_120 = arith.addi %mul3A_118, %add3A_119 : i32
      %mul3A_121 = arith.constant 56 : i32
      %mul3A_122 = arith.muli %add3A_120, %mul3A_121 : i32
      %add3A_123 = arith.addi %mul3A_2, %mul3A_122 : i32
      %dma_wait3A_124 = arith.constant 0 : i32
      %dma_wait3A_125 = tpu.memref_slice %arg2[%add3A_123, %dma_wait3A_124] : memref<50176x768xf32, #tpu.memory_space<hbm>> -> memref<56x768xf32, #tpu.memory_space<hbm>>
      %dma_wait3A_126 = arith.constant 0 : i32
      %dma_wait3A_127 = tpu.memref_slice %arg2[%add3A_123, %dma_wait3A_126] : memref<50176x768xf32, #tpu.memory_space<hbm>> -> memref<56x768xf32, #tpu.memory_space<hbm>>
      tpu.wait_dma2 semaphore(%arg11 : memref<!tpu.dma_semaphore, #tpu.memory_space<semaphore_mem>>) src(%dma_wait3A_127 : memref<56x768xf32, #tpu.memory_space<hbm>>) dst(%arg7 : memref<56x768xf32, #tpu.memory_space<vmem>>)
      %ge3A_128 = arith.constant 2 : i32
      %ge3A_129 = arith.cmpi sge, %add3A_120, %ge3A_128 : i32
      %convert_element_type3A_130 = arith.extui %ge3A_129 : i1 to i32
      %cond3A_131 = arith.constant 0 : i32
      %cond3A_132 = arith.cmpi ne, %convert_element_type3A_130, %cond3A_131 : i32
      scf.if %cond3A_132 {
        %dma_wait3A_147 = arith.constant 0 : i32
        %dma_wait3A_148 = tpu.memref_slice %arg4[%add3A_123, %dma_wait3A_147] : memref<50176x384xf32, #tpu.memory_space<hbm>> -> memref<56x384xf32, #tpu.memory_space<hbm>>
        %dma_wait3A_149 = arith.constant 0 : i32
        %dma_wait3A_150 = tpu.memref_slice %arg4[%add3A_123, %dma_wait3A_149] : memref<50176x384xf32, #tpu.memory_space<hbm>> -> memref<56x384xf32, #tpu.memory_space<hbm>>
        tpu.wait_dma2 semaphore(%arg13 : memref<!tpu.dma_semaphore, #tpu.memory_space<semaphore_mem>>) src(%arg9 : memref<56x384xf32, #tpu.memory_space<vmem>>) dst(%dma_wait3A_150 : memref<56x384xf32, #tpu.memory_space<hbm>>)
      } else {
      }
      %parallel_loop3A_133 = arith.constant 0 : i32
      %parallel_loop3A_134 = arith.constant 56 : i32
      %parallel_loop3A_135 = arith.constant 1 : i32
      scf.for %parallel_loop3A_147 = %parallel_loop3A_133 to %parallel_loop3A_134 step %parallel_loop3A_135  : i32 {
        %parallel_loop3A_148 = vector.broadcast %parallel_loop3A_147 : i32 to vector<16xi32>
        %parallel_loop3A_149 = tpu.vector_load_idx %arg7[%parallel_loop3A_148, %get3A_19] : memref<56x768xf32, #tpu.memory_space<vmem>>[vector<16xi32>, vector<16xi32>], vector<16xf32>,
        %parallel_loop3A_150 = arith.constant 0 : i32
        %parallel_loop3A_151 = vector.broadcast %parallel_loop3A_150 : i32 to vector<16xi32>
        %parallel_loop3A_152 = arith.addi %iota3A, %parallel_loop3A_151 : vector<16xi32>
        tpu.vector_store_idx %arg9[%parallel_loop3A_148, %parallel_loop3A_152], %parallel_loop3A_149 : memref<56x384xf32, #tpu.memory_space<vmem>>[vector<16xi32>, vector<16xi32>], vector<16xf32>,
        %parallel_loop3A_153 = tpu.vector_load_idx %arg7[%parallel_loop3A_148, %get3A_21] : memref<56x768xf32, #tpu.memory_space<vmem>>[vector<16xi32>, vector<16xi32>], vector<16xf32>,
        %parallel_loop3A_154 = arith.constant 16 : i32
        %parallel_loop3A_155 = vector.broadcast %parallel_loop3A_154 : i32 to vector<16xi32>
        %parallel_loop3A_156 = arith.addi %iota3A, %parallel_loop3A_155 : vector<16xi32>
        tpu.vector_store_idx %arg9[%parallel_loop3A_148, %parallel_loop3A_156], %parallel_loop3A_153 : memref<56x384xf32, #tpu.memory_space<vmem>>[vector<16xi32>, vector<16xi32>], vector<16xf32>,
        %parallel_loop3A_157 = tpu.vector_load_idx %arg7[%parallel_loop3A_148, %get3A_23] : memref<56x768xf32, #tpu.memory_space<vmem>>[vector<16xi32>, vector<16xi32>], vector<16xf32>,
        %parallel_loop3A_158 = arith.constant 32 : i32
        %parallel_loop3A_159 = vector.broadcast %parallel_loop3A_158 : i32 to vector<16xi32>
        %parallel_loop3A_160 = arith.addi %iota3A, %parallel_loop3A_159 : vector<16xi32>
        tpu.vector_store_idx %arg9[%parallel_loop3A_148, %parallel_loop3A_160], %parallel_loop3A_157 : memref<56x384xf32, #tpu.memory_space<vmem>>[vector<16xi32>, vector<16xi32>], vector<16xf32>,
        %parallel_loop3A_161 = tpu.vector_load_idx %arg7[%parallel_loop3A_148, %get3A_25] : memref<56x768xf32, #tpu.memory_space<vmem>>[vector<16xi32>, vector<16xi32>], vector<16xf32>,
        %parallel_loop3A_162 = arith.constant 48 : i32
        %parallel_loop3A_163 = vector.broadcast %parallel_loop3A_162 : i32 to vector<16xi32>
        %parallel_loop3A_164 = arith.addi %iota3A, %parallel_loop3A_163 : vector<16xi32>
        tpu.vector_store_idx %arg9[%parallel_loop3A_148, %parallel_loop3A_164], %parallel_loop3A_161 : memref<56x384xf32, #tpu.memory_space<vmem>>[vector<16xi32>, vector<16xi32>], vector<16xf32>,
        %parallel_loop3A_165 = tpu.vector_load_idx %arg7[%parallel_loop3A_148, %get3A_27] : memref<56x768xf32, #tpu.memory_space<vmem>>[vector<16xi32>, vector<16xi32>], vector<16xf32>,
        %parallel_loop3A_166 = arith.constant 64 : i32
        %parallel_loop3A_167 = vector.broadcast %parallel_loop3A_166 : i32 to vector<16xi32>
        %parallel_loop3A_168 = arith.addi %iota3A, %parallel_loop3A_167 : vector<16xi32>
        tpu.vector_store_idx %arg9[%parallel_loop3A_148, %parallel_loop3A_168], %parallel_loop3A_165 : memref<56x384xf32, #tpu.memory_space<vmem>>[vector<16xi32>, vector<16xi32>], vector<16xf32>,
        %parallel_loop3A_169 = tpu.vector_load_idx %arg7[%parallel_loop3A_148, %get3A_29] : memref<56x768xf32, #tpu.memory_space<vmem>>[vector<16xi32>, vector<16xi32>], vector<16xf32>,
        %parallel_loop3A_170 = arith.constant 80 : i32
        %parallel_loop3A_171 = vector.broadcast %parallel_loop3A_170 : i32 to vector<16xi32>
        %parallel_loop3A_172 = arith.addi %iota3A, %parallel_loop3A_171 : vector<16xi32>
        tpu.vector_store_idx %arg9[%parallel_loop3A_148, %parallel_loop3A_172], %parallel_loop3A_169 : memref<56x384xf32, #tpu.memory_space<vmem>>[vector<16xi32>, vector<16xi32>], vector<16xf32>,
        %parallel_loop3A_173 = tpu.vector_load_idx %arg7[%parallel_loop3A_148, %get3A_31] : memref<56x768xf32, #tpu.memory_space<vmem>>[vector<16xi32>, vector<16xi32>], vector<16xf32>,
        %parallel_loop3A_174 = arith.constant 96 : i32
        %parallel_loop3A_175 = vector.broadcast %parallel_loop3A_174 : i32 to vector<16xi32>
        %parallel_loop3A_176 = arith.addi %iota3A, %parallel_loop3A_175 : vector<16xi32>
        tpu.vector_store_idx %arg9[%parallel_loop3A_148, %parallel_loop3A_176], %parallel_loop3A_173 : memref<56x384xf32, #tpu.memory_space<vmem>>[vector<16xi32>, vector<16xi32>], vector<16xf32>,
        %parallel_loop3A_177 = tpu.vector_load_idx %arg7[%parallel_loop3A_148, %get3A_33] : memref<56x768xf32, #tpu.memory_space<vmem>>[vector<16xi32>, vector<16xi32>], vector<16xf32>,
        %parallel_loop3A_178 = arith.constant 112 : i32
        %parallel_loop3A_179 = vector.broadcast %parallel_loop3A_178 : i32 to vector<16xi32>
        %parallel_loop3A_180 = arith.addi %iota3A, %parallel_loop3A_179 : vector<16xi32>
        tpu.vector_store_idx %arg9[%parallel_loop3A_148, %parallel_loop3A_180], %parallel_loop3A_177 : memref<56x384xf32, #tpu.memory_space<vmem>>[vector<16xi32>, vector<16xi32>], vector<16xf32>,
        %parallel_loop3A_181 = tpu.vector_load_idx %arg7[%parallel_loop3A_148, %get3A_35] : memref<56x768xf32, #tpu.memory_space<vmem>>[vector<16xi32>, vector<16xi32>], vector<16xf32>,
        %parallel_loop3A_182 = arith.constant 128 : i32
        %parallel_loop3A_183 = vector.broadcast %parallel_loop3A_182 : i32 to vector<16xi32>
        %parallel_loop3A_184 = arith.addi %iota3A, %parallel_loop3A_183 : vector<16xi32>
        tpu.vector_store_idx %arg9[%parallel_loop3A_148, %parallel_loop3A_184], %parallel_loop3A_181 : memref<56x384xf32, #tpu.memory_space<vmem>>[vector<16xi32>, vector<16xi32>], vector<16xf32>,
        %parallel_loop3A_185 = tpu.vector_load_idx %arg7[%parallel_loop3A_148, %get3A_37] : memref<56x768xf32, #tpu.memory_space<vmem>>[vector<16xi32>, vector<16xi32>], vector<16xf32>,
        %parallel_loop3A_186 = arith.constant 144 : i32
        %parallel_loop3A_187 = vector.broadcast %parallel_loop3A_186 : i32 to vector<16xi32>
        %parallel_loop3A_188 = arith.addi %iota3A, %parallel_loop3A_187 : vector<16xi32>
        tpu.vector_store_idx %arg9[%parallel_loop3A_148, %parallel_loop3A_188], %parallel_loop3A_185 : memref<56x384xf32, #tpu.memory_space<vmem>>[vector<16xi32>, vector<16xi32>], vector<16xf32>,
        %parallel_loop3A_189 = tpu.vector_load_idx %arg7[%parallel_loop3A_148, %get3A_39] : memref<56x768xf32, #tpu.memory_space<vmem>>[vector<16xi32>, vector<16xi32>], vector<16xf32>,
        %parallel_loop3A_190 = arith.constant 160 : i32
        %parallel_loop3A_191 = vector.broadcast %parallel_loop3A_190 : i32 to vector<16xi32>
        %parallel_loop3A_192 = arith.addi %iota3A, %parallel_loop3A_191 : vector<16xi32>
        tpu.vector_store_idx %arg9[%parallel_loop3A_148, %parallel_loop3A_192], %parallel_loop3A_189 : memref<56x384xf32, #tpu.memory_space<vmem>>[vector<16xi32>, vector<16xi32>], vector<16xf32>,
        %parallel_loop3A_193 = tpu.vector_load_idx %arg7[%parallel_loop3A_148, %get3A_41] : memref<56x768xf32, #tpu.memory_space<vmem>>[vector<16xi32>, vector<16xi32>], vector<16xf32>,
        %parallel_loop3A_194 = arith.constant 176 : i32
        %parallel_loop3A_195 = vector.broadcast %parallel_loop3A_194 : i32 to vector<16xi32>
        %parallel_loop3A_196 = arith.addi %iota3A, %parallel_loop3A_195 : vector<16xi32>
        tpu.vector_store_idx %arg9[%parallel_loop3A_148, %parallel_loop3A_196], %parallel_loop3A_193 : memref<56x384xf32, #tpu.memory_space<vmem>>[vector<16xi32>, vector<16xi32>], vector<16xf32>,
        %parallel_loop3A_197 = tpu.vector_load_idx %arg7[%parallel_loop3A_148, %get3A_43] : memref<56x768xf32, #tpu.memory_space<vmem>>[vector<16xi32>, vector<16xi32>], vector<16xf32>,
        %parallel_loop3A_198 = arith.constant 192 : i32
        %parallel_loop3A_199 = vector.broadcast %parallel_loop3A_198 : i32 to vector<16xi32>
        %parallel_loop3A_200 = arith.addi %iota3A, %parallel_loop3A_199 : vector<16xi32>
        tpu.vector_store_idx %arg9[%parallel_loop3A_148, %parallel_loop3A_200], %parallel_loop3A_197 : memref<56x384xf32, #tpu.memory_space<vmem>>[vector<16xi32>, vector<16xi32>], vector<16xf32>,
        %parallel_loop3A_201 = tpu.vector_load_idx %arg7[%parallel_loop3A_148, %get3A_45] : memref<56x768xf32, #tpu.memory_space<vmem>>[vector<16xi32>, vector<16xi32>], vector<16xf32>,
        %parallel_loop3A_202 = arith.constant 208 : i32
        %parallel_loop3A_203 = vector.broadcast %parallel_loop3A_202 : i32 to vector<16xi32>
        %parallel_loop3A_204 = arith.addi %iota3A, %parallel_loop3A_203 : vector<16xi32>
        tpu.vector_store_idx %arg9[%parallel_loop3A_148, %parallel_loop3A_204], %parallel_loop3A_201 : memref<56x384xf32, #tpu.memory_space<vmem>>[vector<16xi32>, vector<16xi32>], vector<16xf32>,
        %parallel_loop3A_205 = tpu.vector_load_idx %arg7[%parallel_loop3A_148, %get3A_47] : memref<56x768xf32, #tpu.memory_space<vmem>>[vector<16xi32>, vector<16xi32>], vector<16xf32>,
        %parallel_loop3A_206 = arith.constant 224 : i32
        %parallel_loop3A_207 = vector.broadcast %parallel_loop3A_206 : i32 to vector<16xi32>
        %parallel_loop3A_208 = arith.addi %iota3A, %parallel_loop3A_207 : vector<16xi32>
        tpu.vector_store_idx %arg9[%parallel_loop3A_148, %parallel_loop3A_208], %parallel_loop3A_205 : memref<56x384xf32, #tpu.memory_space<vmem>>[vector<16xi32>, vector<16xi32>], vector<16xf32>,
        %parallel_loop3A_209 = tpu.vector_load_idx %arg7[%parallel_loop3A_148, %get3A_49] : memref<56x768xf32, #tpu.memory_space<vmem>>[vector<16xi32>, vector<16xi32>], vector<16xf32>,
        %parallel_loop3A_210 = arith.constant 240 : i32
        %parallel_loop3A_211 = vector.broadcast %parallel_loop3A_210 : i32 to vector<16xi32>
        %parallel_loop3A_212 = arith.addi %iota3A, %parallel_loop3A_211 : vector<16xi32>
        tpu.vector_store_idx %arg9[%parallel_loop3A_148, %parallel_loop3A_212], %parallel_loop3A_209 : memref<56x384xf32, #tpu.memory_space<vmem>>[vector<16xi32>, vector<16xi32>], vector<16xf32>,
        %parallel_loop3A_213 = tpu.vector_load_idx %arg7[%parallel_loop3A_148, %get3A_51] : memref<56x768xf32, #tpu.memory_space<vmem>>[vector<16xi32>, vector<16xi32>], vector<16xf32>,
        %parallel_loop3A_214 = arith.constant 256 : i32
        %parallel_loop3A_215 = vector.broadcast %parallel_loop3A_214 : i32 to vector<16xi32>
        %parallel_loop3A_216 = arith.addi %iota3A, %parallel_loop3A_215 : vector<16xi32>
        tpu.vector_store_idx %arg9[%parallel_loop3A_148, %parallel_loop3A_216], %parallel_loop3A_213 : memref<56x384xf32, #tpu.memory_space<vmem>>[vector<16xi32>, vector<16xi32>], vector<16xf32>,
        %parallel_loop3A_217 = tpu.vector_load_idx %arg7[%parallel_loop3A_148, %get3A_53] : memref<56x768xf32, #tpu.memory_space<vmem>>[vector<16xi32>, vector<16xi32>], vector<16xf32>,
        %parallel_loop3A_218 = arith.constant 272 : i32
        %parallel_loop3A_219 = vector.broadcast %parallel_loop3A_218 : i32 to vector<16xi32>
        %parallel_loop3A_220 = arith.addi %iota3A, %parallel_loop3A_219 : vector<16xi32>
        tpu.vector_store_idx %arg9[%parallel_loop3A_148, %parallel_loop3A_220], %parallel_loop3A_217 : memref<56x384xf32, #tpu.memory_space<vmem>>[vector<16xi32>, vector<16xi32>], vector<16xf32>,
        %parallel_loop3A_221 = tpu.vector_load_idx %arg7[%parallel_loop3A_148, %get3A_55] : memref<56x768xf32, #tpu.memory_space<vmem>>[vector<16xi32>, vector<16xi32>], vector<16xf32>,
        %parallel_loop3A_222 = arith.constant 288 : i32
        %parallel_loop3A_223 = vector.broadcast %parallel_loop3A_222 : i32 to vector<16xi32>
        %parallel_loop3A_224 = arith.addi %iota3A, %parallel_loop3A_223 : vector<16xi32>
        tpu.vector_store_idx %arg9[%parallel_loop3A_148, %parallel_loop3A_224], %parallel_loop3A_221 : memref<56x384xf32, #tpu.memory_space<vmem>>[vector<16xi32>, vector<16xi32>], vector<16xf32>,
        %parallel_loop3A_225 = tpu.vector_load_idx %arg7[%parallel_loop3A_148, %get3A_57] : memref<56x768xf32, #tpu.memory_space<vmem>>[vector<16xi32>, vector<16xi32>], vector<16xf32>,
        %parallel_loop3A_226 = arith.constant 304 : i32
        %parallel_loop3A_227 = vector.broadcast %parallel_loop3A_226 : i32 to vector<16xi32>
        %parallel_loop3A_228 = arith.addi %iota3A, %parallel_loop3A_227 : vector<16xi32>
        tpu.vector_store_idx %arg9[%parallel_loop3A_148, %parallel_loop3A_228], %parallel_loop3A_225 : memref<56x384xf32, #tpu.memory_space<vmem>>[vector<16xi32>, vector<16xi32>], vector<16xf32>,
        %parallel_loop3A_229 = tpu.vector_load_idx %arg7[%parallel_loop3A_148, %get3A_59] : memref<56x768xf32, #tpu.memory_space<vmem>>[vector<16xi32>, vector<16xi32>], vector<16xf32>,
        %parallel_loop3A_230 = arith.constant 320 : i32
        %parallel_loop3A_231 = vector.broadcast %parallel_loop3A_230 : i32 to vector<16xi32>
        %parallel_loop3A_232 = arith.addi %iota3A, %parallel_loop3A_231 : vector<16xi32>
        tpu.vector_store_idx %arg9[%parallel_loop3A_148, %parallel_loop3A_232], %parallel_loop3A_229 : memref<56x384xf32, #tpu.memory_space<vmem>>[vector<16xi32>, vector<16xi32>], vector<16xf32>,
        %parallel_loop3A_233 = tpu.vector_load_idx %arg7[%parallel_loop3A_148, %get3A_61] : memref<56x768xf32, #tpu.memory_space<vmem>>[vector<16xi32>, vector<16xi32>], vector<16xf32>,
        %parallel_loop3A_234 = arith.constant 336 : i32
        %parallel_loop3A_235 = vector.broadcast %parallel_loop3A_234 : i32 to vector<16xi32>
        %parallel_loop3A_236 = arith.addi %iota3A, %parallel_loop3A_235 : vector<16xi32>
        tpu.vector_store_idx %arg9[%parallel_loop3A_148, %parallel_loop3A_236], %parallel_loop3A_233 : memref<56x384xf32, #tpu.memory_space<vmem>>[vector<16xi32>, vector<16xi32>], vector<16xf32>,
        %parallel_loop3A_237 = tpu.vector_load_idx %arg7[%parallel_loop3A_148, %get3A_63] : memref<56x768xf32, #tpu.memory_space<vmem>>[vector<16xi32>, vector<16xi32>], vector<16xf32>,
        %parallel_loop3A_238 = arith.constant 352 : i32
        %parallel_loop3A_239 = vector.broadcast %parallel_loop3A_238 : i32 to vector<16xi32>
        %parallel_loop3A_240 = arith.addi %iota3A, %parallel_loop3A_239 : vector<16xi32>
        tpu.vector_store_idx %arg9[%parallel_loop3A_148, %parallel_loop3A_240], %parallel_loop3A_237 : memref<56x384xf32, #tpu.memory_space<vmem>>[vector<16xi32>, vector<16xi32>], vector<16xf32>,
        %parallel_loop3A_241 = tpu.vector_load_idx %arg7[%parallel_loop3A_148, %get3A_65] : memref<56x768xf32, #tpu.memory_space<vmem>>[vector<16xi32>, vector<16xi32>], vector<16xf32>,
        %parallel_loop3A_242 = arith.constant 368 : i32
        %parallel_loop3A_243 = vector.broadcast %parallel_loop3A_242 : i32 to vector<16xi32>
        %parallel_loop3A_244 = arith.addi %iota3A, %parallel_loop3A_243 : vector<16xi32>
        tpu.vector_store_idx %arg9[%parallel_loop3A_148, %parallel_loop3A_244], %parallel_loop3A_241 : memref<56x384xf32, #tpu.memory_space<vmem>>[vector<16xi32>, vector<16xi32>], vector<16xf32>,
      } {sc.loop_unroll_factor = 4 : i64, sc.parallel_access}
      %dma_start3A_136 = arith.constant 0 : i32
      %dma_start3A_137 = tpu.memref_slice %arg4[%add3A_123, %dma_start3A_136] : memref<50176x384xf32, #tpu.memory_space<hbm>> -> memref<56x384xf32, #tpu.memory_space<hbm>>
      %dma_start3A_138 = arith.constant 0 : i32
      %dma_start3A_139 = tpu.memref_slice %arg4[%add3A_123, %dma_start3A_138] : memref<50176x384xf32, #tpu.memory_space<hbm>> -> memref<56x384xf32, #tpu.memory_space<hbm>>
      tpu.enqueue_dma source(%arg9 : memref<56x384xf32, #tpu.memory_space<vmem>>) target(%dma_start3A_139 : memref<56x384xf32, #tpu.memory_space<hbm>>) target_semaphore(%arg13 : memref<!tpu.dma_semaphore, #tpu.memory_space<semaphore_mem>>)
      %add3A_140 = arith.constant 2 : i32
      %add3A_141 = arith.addi %add3A_120, %add3A_140 : i32
      %lt3A_142 = arith.constant 28 : i32
      %lt3A_143 = arith.cmpi slt, %add3A_141, %lt3A_142 : i32
      %convert_element_type3A_144 = arith.extui %lt3A_143 : i1 to i32
      %cond3A_145 = arith.constant 0 : i32
      %cond3A_146 = arith.cmpi ne, %convert_element_type3A_144, %cond3A_145 : i32
      scf.if %cond3A_146 {
        %add3A_147 = arith.constant 2 : i32
        %add3A_148 = arith.addi %add3A_120, %add3A_147 : i32
        %mul3A_149 = arith.constant 56 : i32
        %mul3A_150 = arith.muli %add3A_148, %mul3A_149 : i32
        %add3A_151 = arith.addi %mul3A_2, %mul3A_150 : i32
        %dma_start3A_152 = arith.constant 0 : i32
        %dma_start3A_153 = tpu.memref_slice %arg2[%add3A_151, %dma_start3A_152] : memref<50176x768xf32, #tpu.memory_space<hbm>> -> memref<56x768xf32, #tpu.memory_space<hbm>>
        %dma_start3A_154 = arith.constant 0 : i32
        %dma_start3A_155 = tpu.memref_slice %arg2[%add3A_151, %dma_start3A_154] : memref<50176x768xf32, #tpu.memory_space<hbm>> -> memref<56x768xf32, #tpu.memory_space<hbm>>
        tpu.enqueue_dma source(%dma_start3A_155 : memref<56x768xf32, #tpu.memory_space<hbm>>) target(%arg7 : memref<56x768xf32, #tpu.memory_space<vmem>>) target_semaphore(%arg11 : memref<!tpu.dma_semaphore, #tpu.memory_space<semaphore_mem>>)
      } else {
      }
    }
    %scan3A_81 = arith.constant 14 : i32
    %add3A_82 = arith.constant 1512 : i32
    %add3A_83 = arith.addi %mul3A_2, %add3A_82 : i32
    %dma_wait3A = arith.constant 0 : i32
    %dma_wait3A_84 = tpu.memref_slice %arg4[%add3A_83, %dma_wait3A] : memref<50176x384xf32, #tpu.memory_space<hbm>> -> memref<56x384xf32, #tpu.memory_space<hbm>>
    %dma_wait3A_85 = arith.constant 0 : i32
    %dma_wait3A_86 = tpu.memref_slice %arg4[%add3A_83, %dma_wait3A_85] : memref<50176x384xf32, #tpu.memory_space<hbm>> -> memref<56x384xf32, #tpu.memory_space<hbm>>
    tpu.wait_dma2 semaphore(%arg12 : memref<!tpu.dma_semaphore, #tpu.memory_space<semaphore_mem>>) src(%arg8 : memref<56x384xf32, #tpu.memory_space<vmem>>) dst(%dma_wait3A_86 : memref<56x384xf32, #tpu.memory_space<hbm>>)
    %dma_wait3A_87 = arith.constant 0 : i32
    %dma_wait3A_88 = tpu.memref_slice %arg4[%add3A_83, %dma_wait3A_87] : memref<50176x384xf32, #tpu.memory_space<hbm>> -> memref<56x384xf32, #tpu.memory_space<hbm>>
    %dma_wait3A_89 = arith.constant 0 : i32
    %dma_wait3A_90 = tpu.memref_slice %arg4[%add3A_83, %dma_wait3A_89] : memref<50176x384xf32, #tpu.memory_space<hbm>> -> memref<56x384xf32, #tpu.memory_space<hbm>>
    tpu.wait_dma2 semaphore(%arg13 : memref<!tpu.dma_semaphore, #tpu.memory_space<semaphore_mem>>) src(%arg9 : memref<56x384xf32, #tpu.memory_space<vmem>>) dst(%dma_wait3A_90 : memref<56x384xf32, #tpu.memory_space<hbm>>)
    return
  }
}

module attributes {stable_mosaic.version = 14 : i64} {
  func.func @_topk_body(%arg0: i32, %arg1: memref<1x1x768xf32, #tpu.memory_space<vmem>>, %arg2: memref<1x3xf32, #tpu.memory_space<smem>>, %arg3: memref<1x1x384xi32, #tpu.memory_space<vmem>>) attributes {dimension_semantics = [#tpu.dimension_semantics<arbitrary>], iteration_bounds = array<i64: 16>, scalar_prefetch = 0 : i64, scratch_operands = 0 : i64, tpu.core_type = #tpu.core_type<tc>, window_params = [{transform_indices = @transform_0, window_bounds = array<i64: 1, 1, 768>}, {transform_indices = @transform_1, window_bounds = array<i64: 1, 3>}, {transform_indices = @transform_2, window_bounds = array<i64: 1, 1, 384>}]} {
    %get3A = arith.constant 0 : index
    %get3A_0 = arith.constant 0 : index
    %get3A_1 = arith.constant 0 : index
    %get3A_2 = vector.load %arg1[%get3A, %get3A_0, %get3A_1] : memref<1x1x768xf32, #tpu.memory_space<vmem>>, vector<1x1x768xf32>
    %get3A_3 = vector.shape_cast %get3A_2 : vector<1x1x768xf32> to vector<1x768xf32>
    %convert_element_type3A = arith.truncf %get3A_3 : vector<1x768xf32> to vector<1x768xbf16>
    %convert_element_type3A_4 = arith.extf %convert_element_type3A : vector<1x768xbf16> to vector<1x768xf32>
    %get3A_5 = arith.constant 0 : index
    %get3A_6 = arith.constant 0 : index
    %get3A_7 = memref.load %arg2[%get3A_5, %get3A_6] : memref<1x3xf32, #tpu.memory_space<smem>>
    %convert_element_type3A_8 = arith.truncf %get3A_7 : f32 to bf16
    %convert_element_type3A_9 = arith.extf %convert_element_type3A_8 : bf16 to f32
    %get3A_10 = arith.constant 0 : index
    %get3A_11 = arith.constant 1 : index
    %get3A_12 = memref.load %arg2[%get3A_10, %get3A_11] : memref<1x3xf32, #tpu.memory_space<smem>>
    %convert_element_type3A_13 = arith.truncf %get3A_12 : f32 to bf16
    %convert_element_type3A_14 = arith.extf %convert_element_type3A_13 : bf16 to f32
    %get3A_15 = arith.constant 0 : index
    %get3A_16 = arith.constant 2 : index
    %get3A_17 = memref.load %arg2[%get3A_15, %get3A_16] : memref<1x3xf32, #tpu.memory_space<smem>>
    %convert_element_type3A_18 = arith.truncf %get3A_17 : f32 to bf16
    %convert_element_type3A_19 = arith.extf %convert_element_type3A_18 : bf16 to f32
    %broadcast_in_dim3A = arith.constant 0.000000e+00 : f32
    %broadcast_in_dim3A_20 = vector.broadcast %broadcast_in_dim3A : f32 to vector<1x1xf32>
    %slice3A = vector.extract_strided_slice %convert_element_type3A_4 {offsets = [0, 0], sizes = [1, 767], strides = [1, 1]} : vector<1x768xf32> to vector<1x767xf32>
    %concatenate3A = tpu.concatenate %broadcast_in_dim3A_20, %slice3A in 1 : vector<1x1xf32>, vector<1x767xf32> -> vector<1x768xf32>
    %slice3A_21 = vector.extract_strided_slice %convert_element_type3A_4 {offsets = [0, 1], sizes = [1, 767], strides = [1, 1]} : vector<1x768xf32> to vector<1x767xf32>
    %concatenate3A_22 = tpu.concatenate %slice3A_21, %broadcast_in_dim3A_20 in 1 : vector<1x767xf32>, vector<1x1xf32> -> vector<1x768xf32>
    %mul3A = vector.broadcast %convert_element_type3A_9 : f32 to vector<1x768xf32>
    %mul3A_23 = arith.mulf %mul3A, %concatenate3A : vector<1x768xf32>
    %mul3A_24 = vector.broadcast %convert_element_type3A_14 : f32 to vector<1x768xf32>
    %mul3A_25 = arith.mulf %mul3A_24, %convert_element_type3A_4 : vector<1x768xf32>
    %add3A = arith.addf %mul3A_23, %mul3A_25 : vector<1x768xf32>
    %mul3A_26 = vector.broadcast %convert_element_type3A_19 : f32 to vector<1x768xf32>
    %mul3A_27 = arith.mulf %mul3A_26, %concatenate3A_22 : vector<1x768xf32>
    %add3A_28 = arith.addf %add3A, %mul3A_27 : vector<1x768xf32>
    %neg3A = arith.constant 0.000000e+00 : f32
    %neg3A_29 = vector.broadcast %neg3A : f32 to vector<1x768xf32>
    %neg3A_30 = arith.subf %neg3A_29, %add3A_28 : vector<1x768xf32>
    %exp3A = math.exp %neg3A_30 : vector<1x768xf32>
    %add3A_31 = arith.constant 1.000000e+00 : f32
    %add3A_32 = vector.broadcast %add3A_31 : f32 to vector<1x768xf32>
    %add3A_33 = arith.addf %add3A_32, %exp3A : vector<1x768xf32>
    %div3A = arith.constant 1.000000e+00 : f32
    %div3A_34 = vector.broadcast %div3A : f32 to vector<1x768xf32>
    %div3A_35 = arith.divf %div3A_34, %add3A_33 : vector<1x768xf32>
    %iota3A = tpu.iota {dimensions = array<i32: 0>} : vector<768x768xi32>
    %iota3A_36 = tpu.iota {dimensions = array<i32: 1>} : vector<768x768xi32>
    %eq3A = arith.cmpi eq, %iota3A, %iota3A_36 : vector<768x768xi32>
    %convert_element_type3A_37 = arith.extui %eq3A : vector<768x768xi1> to vector<768x768xi32>
    %convert_element_type3A_38 = arith.sitofp %convert_element_type3A_37 : vector<768x768xi32> to vector<768x768xf32>
    %mul3A_39 = vector.broadcast %div3A_35 : vector<1x768xf32> to vector<768x768xf32>
    %mul3A_40 = arith.mulf %convert_element_type3A_38, %mul3A_39 : vector<768x768xf32>
    %reduce_sum3A = arith.constant dense<0.000000e+00> : vector<768xf32>
    %reduce_sum3A_41 = vector.multi_reduction <add>, %mul3A_40, %reduce_sum3A [1] : vector<768x768xf32> to vector<768xf32>
    %broadcast_in_dim3A_42 = vector.shape_cast %reduce_sum3A_41 : vector<768xf32> to vector<768x1xf32>
    %gt3A = vector.broadcast %div3A_35 : vector<1x768xf32> to vector<768x768xf32>
    %gt3A_43 = vector.broadcast %broadcast_in_dim3A_42 : vector<768x1xf32> to vector<768x768xf32>
    %gt3A_44 = arith.cmpf ogt, %gt3A, %gt3A_43 : vector<768x768xf32>
    %eq3A_45 = vector.broadcast %div3A_35 : vector<1x768xf32> to vector<768x768xf32>
    %eq3A_46 = vector.broadcast %broadcast_in_dim3A_42 : vector<768x1xf32> to vector<768x768xf32>
    %eq3A_47 = arith.cmpf oeq, %eq3A_45, %eq3A_46 : vector<768x768xf32>
    %lt3A = arith.cmpi slt, %iota3A_36, %iota3A : vector<768x768xi32>
    %and3A = arith.andi %eq3A_47, %lt3A : vector<768x768xi1>
    %or3A = arith.ori %gt3A_44, %and3A : vector<768x768xi1>
    %convert_element_type3A_48 = arith.extui %or3A : vector<768x768xi1> to vector<768x768xi32>
    %reduce_sum3A_49 = arith.constant dense<0> : vector<768xi32>
    %reduce_sum3A_50 = vector.multi_reduction <add>, %convert_element_type3A_48, %reduce_sum3A_49 [1] : vector<768x768xi32> to vector<768xi32>
    %broadcast_in_dim3A_51 = vector.shape_cast %reduce_sum3A_50 : vector<768xi32> to vector<768x1xi32>
    %iota3A_52 = tpu.iota {dimensions = array<i32: 1>} : vector<768x384xi32>
    %iota3A_53 = tpu.iota {dimensions = array<i32: 0>} : vector<768x384xi32>
    %eq3A_54 = vector.broadcast %broadcast_in_dim3A_51 : vector<768x1xi32> to vector<768x384xi32>
    %eq3A_55 = arith.cmpi eq, %eq3A_54, %iota3A_52 : vector<768x384xi32>
    %jit3A = arith.constant 0 : i32
    %broadcast_in_dim3A_56 = vector.broadcast %jit3A : i32 to vector<768x384xi32>
    %select_n3A = arith.select %eq3A_55, %iota3A_53, %broadcast_in_dim3A_56 : vector<768x384xi1>, vector<768x384xi32>
    %reduce_sum3A_57 = arith.constant dense<0> : vector<384xi32>
    %reduce_sum3A_58 = vector.multi_reduction <add>, %select_n3A, %reduce_sum3A_57 [0] : vector<768x384xi32> to vector<384xi32>
    %swap3A = arith.constant 0 : index
    %swap3A_59 = arith.constant 0 : index
    %swap3A_60 = arith.constant 0 : index
    %swap3A_61 = vector.load %arg3[%swap3A, %swap3A_59, %swap3A_60] : memref<1x1x384xi32, #tpu.memory_space<vmem>>, vector<1x1x384xi32>
    %swap3A_62 = vector.shape_cast %swap3A_61 : vector<1x1x384xi32> to vector<384xi32>
    %swap3A_63 = vector.shape_cast %reduce_sum3A_58 : vector<384xi32> to vector<1x1x384xi32>
    tpu.vector_store %arg3[%swap3A, %swap3A_59, %swap3A_60], %swap3A_63 {strides = array<i32>} : memref<1x1x384xi32, #tpu.memory_space<vmem>>, vector<1x1x384xi32>,
    return
  }
  func.func @transform_0(%arg0: i32) -> (i32, i32, i32) {
    %c0_i32 = arith.constant 0 : i32
    %c0_i32_0 = arith.constant 0 : i32
    %c0_i32_1 = arith.constant 0 : i32
    return %arg0, %c0_i32, %c0_i32_0 : i32, i32, i32
  }
  func.func @transform_1(%arg0: i32) -> (i32, i32) {
    %c0_i32 = arith.constant 0 : i32
    %c0_i32_0 = arith.constant 0 : i32
    %c0_i32_1 = arith.constant 0 : i32
    return %c0_i32, %c0_i32_0 : i32, i32
  }
  func.func @transform_2(%arg0: i32) -> (i32, i32, i32) {
    %c0_i32 = arith.constant 0 : i32
    %c0_i32_0 = arith.constant 0 : i32
    %c0_i32_1 = arith.constant 0 : i32
    return %arg0, %c0_i32, %c0_i32_0 : i32, i32, i32
  }
}

</mosaic_0001>

<sc_bundles>
// kernel: kernel.4.cloned.1.call-start
scs
__scs_entry_jumppad:
0x0: {  	(pc) =	sbr.rel $0x88, $3  }
0x1: {  	(tag) =	ssettag $0x0;
	lr =	simm.s32 $0x1  }
0x2: {  	[smem:$0x3F9F] =	sst lr;
	_ =	strace $0xD0000000  }
0x3: {  	_ = 	snop  }
0x4: {  	_ = 	snop  }
0x5: {  	_ = 	snop  }
0x6: {  	_ = 	snop  }
0x7: {  	_ = 	snop  }
__scs_overlays_trampoline_lowered:
0x8: {  	[smem:$0x3FAE] =	sst s0  }
0x9: {  	[smem:$0x3FAF] =	sst s1  }
0xa: {  	[smem:$0x3FB0] =	sst s2  }
0xb: {  	[smem:$0x3FB1] =	sst s3  }
0xc: {  	[smem:$0x3FB2] =	sst s4  }
0xd: {  	[smem:$0x3FB3] =	sst s5  }
0xe: {  	[smem:$0x3FB4] =	sst s6  }
0xf: {  	[smem:$0x3FB5] =	sst s7  }
0x10: {  	[smem:$0x3FB6] =	sst s8  }
0x11: {  	[smem:$0x3FB7] =	sst s9;
	s0 =	simm.s32 @!p0 $0x0  }
0x12: {  	s1 =	sld [smem:$0x3F9D];
	s0 =	simm.s32 @p0 $0x1  }
0x13: {  	[smem:$0x3FB8] =	sst s0;
	s0 =	simm.s32 @!p1 $0x0  }
0x14: {  	s2 =	sld [smem:$0x3F9C];
	s0 =	simm.s32 @p1 $0x1  }
0x15: {  	[smem:$0x3FB9] =	sst s0;
	s0 =	simm.s32 @!p2 $0x0  }
0x16: {  	s3 =	sld [smem:$0x3FDB];
	s0 =	simm.s32 @p2 $0x1  }
0x17: {  	s4 =	simm.s32 $0x1BF5;
	[smem:$0x3FBB] =	sst s0  }
0x18: {  	s0 =	sld [smem:$0x3F9E];
	_ =	swait.ge [sflag:s4], $0x0  }
0x19: {  	s7 =	sld [smem:$0x3F9F]  }
0x1a: {  	s8 =	sadd.s32 $0xFFFFE003, lr  }
0x1b: {  	s9 =	sadd.s32 $0xFFFFFEF7, lr;
	s5 =	simm.s32 $0xFFFFFFFF;
	p2 =	slt.u32 s8, $0xFFFFF086  }
0x1c: {  	p1 =	slt.u32 s9, $0xF7A;
	s5 =	simm.s32 @!p2 $0x0  }
0x1d: {  	s5 =	simm.s32 @p1 $0x1;
	p0 =	seq.s32 s7, s2  }
0x1e: {  	s7 =	smul.u32 @!p0 $0xF7A, s2;
	p2 =	seq.s32 @!p0 s5, $0x0  }
0x1f: {  	s9 =	smul.u32 $0xF7A, s1;
	s8 =	simm.s32 @!p0 $0x1BF5;
	p2 =	por !p2, p0  }
0x20: {  	[sflag:s8] =	ssyncset.s32 @!p0 $0xFFFFF086;
	s6 =	sadd.s32 @!p0 s3, s7;
	s7 =	simm.s32 @!p0 $0x108  }
0x21: {  	s3 =	sadd.s32 s3, s9;
	s6 =	sadd.s32 @!p0 $0x88, s6;
	s7 =	simm.s32 @p2 $0x1082  }
0x22: {  	[simem:s7], [sflag:s8] =	dma.local @!p0 [hbm:s6], $0xF7A  }
0x23: {  	s9 =	sor.u32 $0xD0000000, s2;
	s6 =	simm.s32 $0x108;
	_ =	swait.ge @!p0 [sflag:s8], $0x0  }
0x24: {  	s3 =	sadd.s32 $0x88, s3;
	s6 =	simm.s32 @!p1 $0x1082;
	[sflag:s4] =	ssyncset.s32 $0xFFFFF086  }
0x25: {  	[simem:s6], [sflag:s4] =	dma.local [hbm:s3], $0xF7A  }
0x26: {  	[smem:$0x3F9F] =	sst s1;
	(tag) =	ssettag s2;
	_ =	strace s9  }
0x27: {  	s1 =	sld [smem:$0x3FAF]  }
0x28: {  	s2 =	sld [smem:$0x3FB0]  }
0x29: {  	s4 =	sld [smem:$0x3FB2]  }
0x2a: {  	p0 =	seq.s32 s5, $0x0;
	s5 =	sld [smem:$0x3FB3]  }
0x2b: {  	s6 =	sld [smem:$0x3FB4]  }
0x2c: {  	s7 =	sld [smem:$0x3FB5]  }
0x2d: {  	s3 =	simm.s32 $0x108;
	s8 =	sld [smem:$0x3FB6]  }
0x2e: {  	s3 =	simm.s32 @!p0 $0x1082;
	s9 =	sld [smem:$0x3FB7]  }
0x2f: {  	lr =	sadd.s32 s0, s3;
	s0 =	sld [smem:$0x3FAE]  }
0x30: {  	s3 =	sld [smem:$0x3FB1]  }
0x31: {  	[smem:$0x3FBA] =	sst s10  }
0x32: {  	s10 =	sld [smem:$0x3FB8];
	_ =	sdelay $0x3  }
0x33: {  	p0 =	seq.s32 s10, $0x1;
	s10 =	sld [smem:$0x3FBA];
	_ =	sdelay $0x3  }
0x34: {  	[smem:$0x3FBA] =	sst s10  }
0x35: {  	s10 =	sld [smem:$0x3FB9];
	_ =	sdelay $0x3  }
0x36: {  	p1 =	seq.s32 s10, $0x1;
	s10 =	sld [smem:$0x3FBA];
	_ =	sdelay $0x3  }
0x37: {  	[smem:$0x3FBA] =	sst s10  }
0x38: {  	s10 =	sld [smem:$0x3FBB]  }
0x39: {  	_ = 	snop;
	(pc) =	sbr.ind lr, $3  }
0x3a: {  	_ = 	snop  }
0x3b: {  	_ = 	snop  }
0x3c: {  	p2 =	seq.s32 s10, $0x1;
	s10 =	sld [smem:$0x3FBA]  }
0x3d: {  	_ =	shalt  }
0x3e: {  	_ =	shalt  }
0x3f: {  	_ =	shalt  }
0x40: {  	_ =	shalt  }
0x41: {  	_ =	shalt  }
0x42: {  	_ =	shalt  }
0x43: {  	_ =	shalt  }
0x44: {  	_ =	shalt  }
0x45: {  	_ =	shalt  }
0x46: {  	_ =	shalt  }
0x47: {  	_ =	shalt  }
0x48: {  	_ =	shalt  }
0x49: {  	_ =	shalt  }
0x4a: {  	_ =	shalt  }
0x4b: {  	_ =	shalt  }
0x4c: {  	_ =	shalt  }
0x4d: {  	_ =	shalt  }
0x4e: {  	_ =	shalt  }
0x4f: {  	_ =	shalt  }
0x50: {  	_ =	shalt  }
0x51: {  	_ =	shalt  }
0x52: {  	_ =	shalt  }
0x53: {  	_ =	shalt  }
0x54: {  	_ =	shalt  }
0x55: {  	_ =	shalt  }
0x56: {  	_ =	shalt  }
0x57: {  	_ =	shalt  }
0x58: {  	_ =	shalt  }
0x59: {  	_ =	shalt  }
0x5a: {  	_ =	shalt  }
0x5b: {  	_ =	shalt  }
0x5c: {  	_ =	shalt  }
0x5d: {  	_ =	shalt  }
0x5e: {  	_ =	shalt  }
0x5f: {  	_ =	shalt  }
0x60: {  	_ =	shalt  }
0x61: {  	_ =	shalt  }
0x62: {  	_ =	shalt  }
0x63: {  	_ =	shalt  }
0x64: {  	_ =	shalt  }
0x65: {  	_ =	shalt  }
0x66: {  	_ =	shalt  }
0x67: {  	_ =	shalt  }
0x68: {  	_ =	shalt  }
0x69: {  	_ =	shalt  }
0x6a: {  	_ =	shalt  }
0x6b: {  	_ =	shalt  }
0x6c: {  	_ =	shalt  }
0x6d: {  	_ =	shalt  }
0x6e: {  	_ =	shalt  }
0x6f: {  	_ =	shalt  }
0x70: {  	_ =	shalt  }
0x71: {  	_ =	shalt  }
0x72: {  	_ =	shalt  }
0x73: {  	_ =	shalt  }
0x74: {  	_ =	shalt  }
0x75: {  	_ =	shalt  }
0x76: {  	_ =	shalt  }
0x77: {  	_ =	shalt  }
0x78: {  	_ =	shalt  }
0x79: {  	_ =	shalt  }
0x7a: {  	_ =	shalt  }
0x7b: {  	_ =	shalt  }
0x7c: {  	_ =	shalt  }
0x7d: {  	_ =	shalt  }
0x7e: {  	_ =	shalt  }
0x7f: {  	_ =	shalt  }
0x80: {  	_ =	shalt  }
0x81: {  	_ =	shalt  }
0x82: {  	_ =	shalt  }
0x83: {  	_ =	shalt  }
0x84: {  	_ =	shalt  }
0x85: {  	_ =	shalt  }
0x86: {  	_ =	shalt  }
0x87: {  	_ =	shalt  }
.Lfunc_end0:
.L_simem_size_0:
called_computation_lowered:
.L_overlay_start_0:
0x88: {  	s2 =	sld [smem:$0x3FD9]  }
0x89: {  	s3 =	sld [smem:$0x3FFE];
	_ =	sdelay $0x1  }
0x8a: {  	s1 =	srdreg.scid  }
0x8b: {  	s0 =	sand.u32 $0x1, s1  }
0x8c: {  	s17 =	sshll.u32 s0, $0xA;
	s2 =	sadd.s32 s3, s2  }
0x8d: {  	s2 =	sadd.s32 s2, s17  }
0x8e: {  	[smem:$0x3FC6] =	sst s2  }
0x8f: {  	_ = 	snop  }
0x90: {  	s2 =	sld [smem:$0x3FC9]  }
0x91: {  	s18 =	sld [smem:$0x3FD0];
	(tm) =	ssettm $0x1  }
0x92: {  	s4 =	sld [smem:$0x3FFB];
	_ =	sdelay $0x3  }
0x93: {  	_ =	strace s4  }
0x94: {  	s4 =	sld [smem:$0x3FFC];
	_ =	sdelay $0x3  }
0x95: {  	_ =	strace s4  }
0x96: {  	s4 =	sld [smem:$0x3FFD];
	_ =	sdelay $0x3  }
0x97: {  	_ =	strace s4  }
0x98: {  	_ =	strace $0x8FFFFFFF  }
0x99: {  	s19 =	sld [smem:$0x3FDB];
	_ =	sdelay $0x1  }
0x9a: {  	s5 =	simm.s32 $_scs_section_size  }
0x9b: {  	s6 =	simm.s32 $_size__tile_overlayer_lowered;
	s7 =	simm.s32 $_tile_overlayer_lowered  }
0x9c: {  	s22 =	simm.s32 $0x1BFF;
	s21 =	sshll.u32 s7, $0x1;
	s4 =	sadd.s32 s5, s19  }
0x9d: {  	s8 =	simm.s32 $0x0;
	s20 =	sshll.u32 s6, $0x1;
	s6 =	sadd.s32 s21, s4  }
0x9e: {  	[timem:s8], [sflag:s22] =	dma.local [hbm:s6], s20  }
0x9f: {  	_ =	swait.ge [sflag:s22], s20  }
0xa0: {  	s5 =	ssub.s32 $0x0, s20;
	[sflag:s22] =	ssyncset.done $0x0  }
0xa1: {  	[sflag:s22] =	ssyncadd.s32 s5;
	_ =	sdelay $0x1  }
0xa2: {  	s23 =	simm.s32 $0x1B8B  }
0xa3: {  	_ =	swait.ge [sflag:s23], $0x1  }
0xa4: {  	[sflag:s23] =	ssyncset.done $0x0  }
0xa5: {  	s25 =	simm.s32 $0x1B8E;
	s24 =	sld [smem:$0x3FFE];
	[sflag:s23] =	ssyncadd.s32 $0xFFFFFFFF  }
0xa6: {  	s26 =	simm.s32 $execute0_lowered;
	[smem:$0x3FD2] =	sst s25  }
0xa7: {  	s6 =	sshll.u32 s26, $0x1;
	_ =	strace $0x80000046;
	[dreg:$0x1] =	wrdreg $0xFFFFFFFF  }
0xa8: {  	s28 =	simm.s32 $_size_execute0_lowered;
	s4 =	sadd.s32 s4, s6;
	[dreg:$0x0] =	wrdreg $0x0  }
0xa9: {  	s6 =	sshll.u32 s28, $0x1;
	[dreg:$0x2] =	wrdreg s4  }
0xaa: {  	[dreg:$0x3] =	wrdreg s6  }
0xab: {  	[dreg:$0x4] =	wrdreg $0xC0  }
0xac: {  	_ =	task [dreg:s8], $0x5FFFF  }
0xad: {  	[dreg:$0x1] =	wrdreg $0xFFFFFFFF  }
0xae: {  	[dreg:$0x0] =	wrdreg $0x60  }
0xaf: {  	[dreg:$0x2] =	wrdreg s2  }
0xb0: {  	[dreg:$0x3] =	wrdreg s24  }
0xb1: {  	[dreg:$0x4] =	wrdreg s18  }
0xb2: {  	[dreg:$0x5] =	wrdreg $0x9  }
0xb3: {  	_ =	task.clear_ibuf [dreg:s8], $0x6FFFF;
	_ =	strace $0x90000046  }
0xb4: {  	s29 =	simm.s32 $0x9;
	_ =	strace $0x80000048  }
0xb5: {  	_ =	swait.ge [sflag:s29], $0x1  }
0xb6: {  	[sflag:s29] =	ssyncadd.s32 $0xFFFFFFFF  }
0xb7: {  	_ =	strace $0x90000048  }
0xb8: {  	_ =	sfence  }
0xb9: {  	s30 =	sld [smem:$0x0];
	_ =	sdelay $0x2  }
0xba: {  	s31 =	sshll.u32 s1, $0xD;
	s1 =	sshrl.u32 s1, $0x2  }
0xbb: {  	s3 =	sand.u32 $0x4000, s31;
	s1 =	sadd.s32 s1, s30  }
0xbc: {  	s0 =	sor.u32 s3, s0;
	s1 =	sshll.u32 s1, $0x11  }
0xbd: {  	s0 =	sor.u32 s1, s0  }
0xbe: {  	s0 =	sadd.s32 $0x8F2B, s0  }
0xbf: {  	[sflag:s0] =	ssyncadd.remote.s32 $0x1  }
0xc0: {  	_ =	sfence.sel $0xFFFF  }
0xc1: {  	[dreg:$0x0] =	wrdreg $0xFFFFFFFF;
	(pc) =	sbr.abs _section_cstart, $3  }
0xc2: {  	[dreg:$0x1] =	wrdreg $0xFFFFFFFF  }
0xc3: {  	_ =	task.clear_ibuf [dreg:s8], $0x2FFFF;
	_ =	strace $0x9FFFFFFF  }
0xc4: {  	(tm) =	ssettm $0x7FFFFFFF  }
0xc5: {  	_ =	shalt  }
tec
execute0_lowered:
.L_overlay_start_1:
0x0: {  	(tag) =	ssettag $0x1  }
0x1: {  	s1 =	srdreg.scid  }
0x2: {  	s0 =	stileid.u32;
	s9 =	rddreg [dreg:$0x1]  }
0x3: {  	s2 =	simm.s32 $0x1;
	s3 =	rddreg [dreg:$0x2];
	s4 =	simm.s32 $0x0  }
0x4: {  	s14 =	simm.s32 $0x80;
	s8 =	sand.u32 $0x1, s1;
	s30 =	sshll.u32 s0, $0x1  }
0x5: {  	s15 =	simm.s32 $0x400;
	s16 =	simm.s32 $0x5;
	s5 =	sor.u32 s8, s30  }
0x6: {  	s17 =	simm.s32 $0x180;
	p1 =	seq.s32 s8, $0x1;
	p0 =	seq.s32 s5, $0x0  }
0x7: {  	s18 =	simm.s32 $0xA980;
	s19 =	simm.s32 $0x15180;
	p0 =	por !p0, !p1  }
0x8: {  	s20 =	simm.s32 $0x2;
	s21 =	simm.s32 $0x1A580;
	p0 =	por !p0, !p0  }
0x9: {  	s22 =	simm.s32 $0x3;
	s23 =	simm.s32 $0x4;
	s2 =	simm.s32 @!p0 $0x0  }
0xa: {  	s24 =	simm.s32 $0x0;
	s1 =	rddreg [dreg:$0x0];
	s6 =	ssub.s32 s0, s2  }
0xb: {  	s8 =	ssub.s32 $0x2, s8;
	s5 =	smul.u32 $0x620, s5;
	s7 =	sshrl.u32 s6, $0x3  }
0xc: {  	s31 =	sshrl.u32 s8, $0x1;
	s6 =	sshll.u32 s6, $0x7;
	s7 =	smul.u32 $0xC00, s7  }
0xd: {  	[smem:$0x7FF] =	sst s4;
	s13 =	ssub.s32 s8, s31;
	s10 =	sand.u32 $0x380, s6  }
0xe: {  	s11 =	sshrl.u32 s5, $0x3;
	s13 =	smax.u32 s13, $0x1;
	s7 =	sor.u32 s10, s7  }
.Ltmp0:
0xf: {  	s10 =	sshrl.u32 s7, $0x3;
	s7 =	sadd.s32 $0x38, s5;
	(pc) =	sbr.rel .LBB2_1-.Ltmp0, $4  }
0x10: {  	s11 =	smul.u32 $0x300, s11;
	s2 =	rddreg [dreg:$0x3];
	s12 =	sshrl.u32 s7, $0x3  }
0x11: {  	_ =	strace $0x80000047;
	s9 =	sadd.s32 s10, s9;
	s12 =	smul.u32 $0x300, s12  }
0x12: {  	s6 =	simm.s32 $0x1;
	s8 =	sadd.s32 $0x200, s9;
	s9 =	sadd.s32 s1, s11  }
0x13: {  	v63 =	vlaneseq.u32;
	s11 =	sadd.s32 $0x70, s5;
	s10 =	sadd.s32 s1, s12;
	s12 =	sadd.s32 $0xA8, s5  }
.LBB2_8:
0x14: {  	s24 =	sadd.s32 $0x1, s24  }
0x15: {  	_ =	swait.ge [sflag:s22], $0x5400;
	p0 =	sne.s32 s24, s13  }
.Ltmp1:
0x16: {  	[sflag:s22] =	ssyncset.done $0x0;
	(pc) =	sbr.rel @!p0 .LBB2_9-.Ltmp1, $4  }
0x17: {  	[sflag:s22] =	ssyncadd.s32 $0xFFFFAC00  }
0x18: {  	_ =	swait.ge [sflag:s23], $0x5400  }
0x19: {  	[sflag:s23] =	ssyncset.done $0x0  }
0x1a: {  	[sflag:s23] =	ssyncadd.s32 $0xFFFFAC00  }
.LBB2_1:
0x1b: {  	[tilespmem:s4], [sflag:$0x5] =	stream.strided.gather [hbm4b:s8+s14], $0x180, s15, s14, $0x38;
	[tilespmem:$0x1F980] =	vst v63  }
0x1c: {  	_ =	swait.ge [sflag:s16], $0x180  }
0x1d: {  	[sflag:s16] =	ssyncset.done $0x0  }
0x1e: {  	[sflag:s16] =	ssyncadd.s32 $0xFFFFFE80  }
0x1f: {  	v0 =	vld [tilespmem:$0x0]  }
0x20: {  	v1 =	vld [tilespmem:$0x10]  }
0x21: {  	v2 =	vld [tilespmem:$0x20]  }
0x22: {  	v3 =	vld [tilespmem:$0x30]  }
0x23: {  	v4 =	vld [tilespmem:$0x40]  }
0x24: {  	v5 =	vld [tilespmem:$0x50]  }
0x25: {  	v6 =	vld [tilespmem:$0x60];
	v48 =	vand.u32 $0x7F, v1  }
0x26: {  	v8 =	vld [tilespmem:$0x70];
	v55 =	vand.u32 $0x7F, v2;
	[tilespmem:$0x1FD10] =	vst v48  }
0x27: {  	v24 =	vld [tilespmem:$0x140];
	v58 =	vand.u32 $0x7F, v3;
	[tilespmem:$0x1FD20] =	vst v55  }
0x28: {  	v26 =	vld [tilespmem:$0x160];
	v9 =	vand.u32 $0x7F, v4;
	[tilespmem:$0x1FD30] =	vst v58  }
0x29: {  	v18 =	vld [tilespmem:$0x100];
	v12 =	vand.u32 $0x7F, v5;
	[tilespmem:$0x1FD40] =	vst v9  }
0x2a: {  	v21 =	vld [tilespmem:$0x120];
	v14 =	vand.u32 $0x7F, v6;
	[tilespmem:$0x1FD50] =	vst v12  }
0x2b: {  	v17 =	vld [tilespmem:$0xE0];
	v16 =	vand.u32 $0x7F, v8;
	[tilespmem:$0x1FD60] =	vst v14  }
0x2c: {  	v38 =	vand.u32 $0x7F, v24;
	[tilespmem:$0x1FD70] =	vst v16  }
0x2d: {  	v50 =	vld [tilespmem:$0x80];
	v52 =	vand.u32 $0x7F, v26;
	[tilespmem:$0x1FE40] =	vst v38  }
0x2e: {  	v59 =	vld [tilespmem:$0xA0];
	v29 =	vand.u32 $0x7F, v18;
	[tilespmem:$0x1FE80] =	vst v52  }
0x2f: {  	v13 =	vld [tilespmem:$0xC0];
	v40 =	vand.u32 $0x7F, v21;
	[tilespmem:$0x1FEE0] =	vst v29  }
0x30: {  	v49 =	vand.u32 $0x7F, v0;
	v42 =	vand.u32 $0x7F, v17;
	[tilespmem:$0x1FF30] =	vst v40  }
0x31: {  	v25 =	vld [tilespmem:$0x150];
	v0 =	vshll.u32 v0, $0x3;
	v7 =	vshll.u32 v1, $0x3;
	v11 =	vshll.u32 v5, $0x3;
	[tilespmem:$0x1FFA0] =	vst v42  }
0x32: {  	v15 =	vshll.u32 v6, $0x3;
	v5 =	vshll.u32 v8, $0x3;
	v0 =	vand.u32 $0xFFFFFC00, v0;
	[tilespmem:$0x1FFD0] =	vst v49  }
0x33: {  	v1 =	vshll.u32 v59, $0x3;
	v6 =	vand.u32 $0xFFFFFC00, v5;
	v5 =	vand.u32 $0x7F, v50;
	[tilespmem:$0x1FD00] =	vst v0  }
0x34: {  	v56 =	vshll.u32 v2, $0x3;
	v2 =	vshll.u32 v13, $0x3;
	v1 =	vand.u32 $0xFFFFFC00, v1;
	[tilespmem:$0x1FD80] =	vst v5  }
0x35: {  	v2 =	vand.u32 $0xFFFFFC00, v2;
	[tilespmem:$0x1FDA0] =	vst v1  }
0x36: {  	v48 =	vand.u32 $0x7F, v25;
	[tilespmem:$0x1FDE0] =	vst v2  }
0x37: {  	[tilespmem:$0x1FE60] =	vst v48  }
0x38: {  	v45 =	vand.u32 $0xFFFFFC00, v15;
	[tilespmem:$0x1FF00] =	vst v6  }
0x39: {  	v10 =	vshll.u32 v4, $0x3;
	v62 =	vand.u32 $0xFFFFFC00, v11;
	[tilespmem:$0x1FF10] =	vst v45  }
0x3a: {  	v57 =	vshll.u32 v3, $0x3;
	v61 =	vand.u32 $0xFFFFFC00, v10;
	[tilespmem:$0x1FF20] =	vst v62  }
0x3b: {  	v3 =	vshll.u32 v17, $0x3;
	v54 =	vand.u32 $0xFFFFFC00, v56;
	v56 =	vand.u32 $0xFFFFFC00, v57;
	[tilespmem:$0x1FF40] =	vst v61  }
0x3c: {  	v43 =	vand.u32 $0xFFFFFC00, v3;
	[tilespmem:$0x1FF50] =	vst v56  }
0x3d: {  	v51 =	vand.u32 $0xFFFFFC00, v7;
	[tilespmem:$0x1FFC0] =	vst v43  }
0x3e: {  	v4 =	vld [tilespmem:$0xB0];
	v47 =	vshll.u32 v25, $0x3;
	[tilespmem:$0x1FFE0] =	vst v51  }
0x3f: {  	v0 =	vshll.u32 v50, $0x3;
	v50 =	vand.u32 $0xFFFFFC00, v47;
	[tilespmem:$0x1FFF0] =	vst v54  }
0x40: {  	v8 =	vld [tilespmem:$0xF0];
	v34 =	vshll.u32 v21, $0x3;
	v46 =	vand.u32 $0xFFFFFC00, v0;
	v0 =	vshll.u32 v18, $0x3;
	[tilespmem:$0x1FE70] =	vst v50  }
0x41: {  	v9 =	vld [tilespmem:$0xD0];
	v31 =	vand.u32 $0xFFFFFC00, v0;
	v0 =	vand.u32 $0xFFFFFC00, v34;
	[tilespmem:$0x1FEF0] =	vst v46  }
0x42: {  	[tilespmem:$0x1FE10] =	vst v0  }
0x43: {  	v39 =	vshll.u32 v24, $0x3;
	v7 =	vld [tilespmem:$0x90];
	v19 =	vand.u32 $0x7F, v4;
	[tilespmem:$0x1FED0] =	vst v31  }
0x44: {  	v0 =	vand.u32 $0xFFFFFC00, v39;
	[tilespmem:$0x1FDB0] =	vst v19  }
0x45: {  	v41 =	vand.u32 $0x7F, v8;
	[tilespmem:$0x1FE50] =	vst v0  }
0x46: {  	v53 =	vshll.u32 v26, $0x3;
	v22 =	vand.u32 $0x7F, v9;
	[tilespmem:$0x1FF90] =	vst v41  }
0x47: {  	v0 =	vand.u32 $0xFFFFFC00, v53;
	[tilespmem:$0x1FDF0] =	vst v22  }
0x48: {  	v5 =	vshll.u32 v7, $0x3;
	v55 =	vand.u32 $0x7F, v7;
	[tilespmem:$0x1FE90] =	vst v0  }
0x49: {  	v44 =	vand.u32 $0xFFFFFC00, v5;
	v5 =	vand.u32 $0x7F, v59;
	[tilespmem:$0x1FFB0] =	vst v55  }
0x4a: {  	[tilespmem:$0x1FD90] =	vst v5  }
0x4b: {  	v7 =	vld [tilespmem:$0x110];
	v5 =	vshll.u32 v4, $0x3;
	v4 =	vand.u32 $0x7F, v13;
	[tilespmem:$0x1FF80] =	vst v44  }
0x4c: {  	v20 =	vand.u32 $0xFFFFFC00, v5;
	[tilespmem:$0x1FDD0] =	vst v4;
	v4 =	vshll.u32 v9, $0x3;
	v5 =	vld [tilespmem:$0x130]  }
0x4d: {  	[tilespmem:$0x1FDC0] =	vst v20;
	v23 =	vand.u32 $0xFFFFFC00, v4;
	v4 =	vshll.u32 v8, $0x3;
	v8 =	vld [tilespmem:$0x170];
	[tilespmem:s17], [sflag:$0x1] =	stream.linear.gather [hbm4b:s9+s4], $0xA800, $0x38  }
0x4e: {  	[tilespmem:$0x1FE00] =	vst v23  }
0x4f: {  	v28 =	vand.u32 $0xFFFFFC00, v4;
	[tilespmem:s18], [sflag:$0x2] =	stream.linear.gather [hbm4b:s10+s4], $0xA800, $0x38;
	[tilespmem:$0x1F980] =	vst v63  }
0x50: {  	v4 =	vshll.u32 v7, $0x3;
	v33 =	vand.u32 $0x7F, v7;
	[tilespmem:$0x1FEC0] =	vst v28  }
0x51: {  	v57 =	vand.u32 $0xFFFFFC00, v4;
	[tilespmem:$0x1FF60] =	vst v33  }
0x52: {  	[tilespmem:$0x1FF70] =	vst v57;
	v35 =	vshll.u32 v5, $0x3;
	v36 =	vand.u32 $0x7F, v5  }
0x53: {  	[tilespmem:$0x1FE20] =	vst v36;
	v37 =	vand.u32 $0xFFFFFC00, v35  }
0x54: {  	v58 =	vshll.u32 v8, $0x3;
	v59 =	vand.u32 $0x7F, v8;
	[tilespmem:$0x1FE30] =	vst v37  }
0x55: {  	[tilespmem:$0x1FEA0] =	vst v59;
	v60 =	vand.u32 $0xFFFFFC00, v58  }
0x56: {  	s25 =	simm.s32 $0x0;
	[tilespmem:$0x1FEB0] =	vst v60  }
.LBB2_2:
0x57: {  	s26 =	simm.s32 $0x0;
	s31 =	simm.s32 $0x1  }
0x58: {  	v0 =	vmov s26;
	v2 =	vmov s31;
	s31 =	simm.s32 $0x2  }
0x59: {  	v47 =	vld [tilespmem:$0x1FD00];
	v1 =	vshll.u32 v0, $0x7;
	v0 =	vshrl.u32 v0, $0x3;
	v3 =	vmov s31  }
0x5a: {  	s31 =	simm.s32 $0x3;
	v7 =	vand.u32 $0x200, v1;
	v1 =	vshll.u32 v2, $0x7;
	v48 =	vmul.u32 $0x1800, v0  }
0x5b: {  	v2 =	vshrl.u32 v2, $0x3;
	v4 =	vshrl.u32 v3, $0x3;
	v5 =	vmov s31  }
0x5c: {  	v3 =	vshll.u32 v3, $0x7;
	v13 =	vand.u32 $0x280, v1;
	v19 =	vmul.u32 $0x1800, v2  }
0x5d: {  	v17 =	vmul.u32 $0x1800, v4;
	v9 =	vshrl.u32 v5, $0x3;
	v5 =	vshll.u32 v5, $0x7  }
0x5e: {  	v20 =	vand.u32 $0x300, v3;
	v1 =	vadd.s32 v47, v48;
	v14 =	vmul.u32 $0x1800, v9  }
0x5f: {  	_ =	swait.ge [sflag:s6], $0xA800;
	v18 =	vand.u32 $0x380, v5;
	v1 =	vor.u32 v7, v1;
	v8 =	vadd.s32 v47, v19  }
0x60: {  	p0 =	seq.s32 s25, $0x0;
	[sflag:s6] =	ssyncset.done $0x0;
	v1 =	vor.u32 v49, v1;
	v8 =	vor.u32 v13, v8;
	v11 =	vadd.s32 v47, v14  }
0x61: {  	s26 =	simm.s32 @!p0 $0x3;
	[sflag:s6] =	ssyncadd.s32 $0xFFFF5800;
	v10 =	vadd.s32 v47, v17;
	v3 =	vor.u32 v49, v8;
	v5 =	vor.u32 v18, v11  }
0x62: {  	_ =	swait.ge @!p0 [sflag:s26], $0x5400;
	v0 =	vmul.u32 $0xC00, v0;
	v8 =	vor.u32 v20, v10;
	v5 =	vor.u32 v49, v5  }
0x63: {  	[sflag:s26] =	ssyncset.done @!p0 $0x0;
	v2 =	vmul.u32 $0xC00, v2;
	v24 =	vld [tilespmem:$0x1FD10];
	v10 =	vor.u32 v49, v8  }
0x64: {  	[sflag:s26] =	ssyncadd.s32 @!p0 $0xFFFFAC00;
	v8 =	vor.u32 v7, v0;
	v0 =	vmul.u32 $0xC00, v4;
	v4 =	vmul.u32 $0xC00, v9  }
0x65: {  	v12 =	vor.u32 v13, v2;
	v2 =	vadd.s32 v51, v19;
	v11 =	vor.u32 v63, v8;
	v1 =	vld.idx.msk [tilespmem:v1+s17+$0x0], $0xffff  }
0x66: {  	v9 =	vor.u32 v20, v0;
	v0 =	vor.u32 v63, v12;
	v16 =	vor.u32 v18, v4;
	v3 =	vld.idx.msk [tilespmem:v3+s17+$0x0], $0xffff  }
0x67: {  	v2 =	vor.u32 v13, v2;
	v21 =	vor.u32 v63, v16;
	v4 =	vld.idx.msk [tilespmem:v5+s17+$0x0], $0xffff  }
0x68: {  	v2 =	vor.u32 v24, v2;
	v22 =	vor.u32 v63, v9;
	v5 =	vadd.s32 v51, v14;
	v10 =	vld.idx.msk [tilespmem:v10+s17+$0x0], $0xffff  }
0x69: {  	v23 =	vadd.s32 v51, v48;
	v15 =	vadd.s32 v51, v17;
	v5 =	vor.u32 v18, v5  }
0x6a: {  	v15 =	vor.u32 v20, v15;
	v5 =	vor.u32 v24, v5;
	[tilespmem:v11+s19+$0x0] =	vst.idx.msk $0xffff, v1  }
0x6b: {  	v1 =	vor.u32 v7, v23;
	v11 =	vor.u32 v24, v15;
	[tilespmem:v0+s19+$0x0] =	vst.idx.msk $0xffff, v3  }
0x6c: {  	v1 =	vor.u32 v24, v1;
	[tilespmem:v21+s19+$0x0] =	vst.idx.msk $0xffff, v4  }
0x6d: {  	v23 =	vor.u32 $0x10, v63;
	[tilespmem:v22+s19+$0x0] =	vst.idx.msk $0xffff, v10;
	v2 =	vld.idx.msk [tilespmem:v2+s17+$0x0], $0xffff  }
0x6e: {  	v10 =	vor.u32 v23, v12;
	v25 =	vld [tilespmem:$0x1FD20]  }
0x6f: {  	v15 =	vor.u32 v23, v16;
	v5 =	vld.idx.msk [tilespmem:v5+s17+$0x0], $0xffff;
	[tilespmem:$0x1FBA0] =	vst v23  }
0x70: {  	v22 =	vor.u32 v23, v9;
	v11 =	vld.idx.msk [tilespmem:v11+s17+$0x0], $0xffff  }
0x71: {  	v21 =	vor.u32 v23, v8;
	v1 =	vld.idx.msk [tilespmem:v1+s17+$0x0], $0xffff;
	_ =	sdelay $0x1  }
0x72: {  	v0 =	vadd.s32 v54, v19;
	v4 =	vadd.s32 v54, v14;
	[tilespmem:v10+s19+$0x0] =	vst.idx.msk $0xffff, v2  }
0x73: {  	v3 =	vadd.s32 v54, v17;
	v4 =	vor.u32 v18, v4;
	[tilespmem:v15+s19+$0x0] =	vst.idx.msk $0xffff, v5  }
0x74: {  	v0 =	vor.u32 v13, v0;
	v4 =	vor.u32 v25, v4;
	[tilespmem:v22+s19+$0x0] =	vst.idx.msk $0xffff, v11  }
0x75: {  	v3 =	vor.u32 v20, v3;
	v0 =	vor.u32 v25, v0;
	[tilespmem:v21+s19+$0x0] =	vst.idx.msk $0xffff, v1  }
0x76: {  	v23 =	vadd.s32 v54, v48;
	v3 =	vor.u32 v25, v3;
	v27 =	vld [tilespmem:$0x1FD30]  }
0x77: {  	v26 =	vadd.s32 v56, v17;
	v23 =	vor.u32 v7, v23  }
0x78: {  	v26 =	vor.u32 v20, v26;
	v23 =	vor.u32 v25, v23  }
0x79: {  	v24 =	vadd.s32 v56, v48;
	v15 =	vor.u32 $0x20, v63;
	v2 =	vld.idx.msk [tilespmem:v4+s17+$0x0], $0xffff;
	v4 =	vadd.s32 v56, v14  }
0x7a: {  	v25 =	vadd.s32 v56, v19;
	v5 =	vor.u32 v15, v16;
	v0 =	vld.idx.msk [tilespmem:v0+s17+$0x0], $0xffff;
	v4 =	vor.u32 v18, v4  }
0x7b: {  	v25 =	vor.u32 v13, v25;
	v10 =	vor.u32 v15, v12;
	v1 =	vld.idx.msk [tilespmem:v3+s17+$0x0], $0xffff;
	v3 =	vor.u32 v27, v4  }
0x7c: {  	v22 =	vor.u32 v7, v24;
	v4 =	vor.u32 v15, v9;
	v21 =	vor.u32 v27, v25  }
0x7d: {  	v11 =	vld.idx.msk [tilespmem:v23+s17+$0x0], $0xffff;
	[tilespmem:$0x1FBB0] =	vst v15;
	v15 =	vor.u32 v15, v8;
	v24 =	vor.u32 v27, v26;
	_ =	sdelay $0x1  }
0x7e: {  	v22 =	vor.u32 v27, v22;
	v25 =	vadd.s32 v61, v19;
	[tilespmem:v5+s19+$0x0] =	vst.idx.msk $0xffff, v2  }
0x7f: {  	v2 =	vor.u32 v13, v25;
	v25 =	vor.u32 $0x30, v63;
	[tilespmem:v10+s19+$0x0] =	vst.idx.msk $0xffff, v0;
	v0 =	vld.idx.msk [tilespmem:v3+s17+$0x0], $0xffff  }
0x80: {  	[tilespmem:v4+s19+$0x0] =	vst.idx.msk $0xffff, v1;
	v1 =	vor.u32 v25, v16;
	v4 =	vld.idx.msk [tilespmem:v21+s17+$0x0], $0xffff  }
0x81: {  	v26 =	vadd.s32 v61, v17;
	v10 =	vor.u32 v25, v12;
	[tilespmem:v15+s19+$0x0] =	vst.idx.msk $0xffff, v11;
	v11 =	vld.idx.msk [tilespmem:v24+s17+$0x0], $0xffff  }
0x82: {  	v5 =	vor.u32 v20, v26;
	v21 =	vor.u32 v25, v9;
	v26 =	vld [tilespmem:$0x1FD40];
	[tilespmem:$0x1FBC0] =	vst v25  }
0x83: {  	v15 =	vor.u32 v25, v8;
	v22 =	vld.idx.msk [tilespmem:v22+s17+$0x0], $0xffff;
	_ =	sdelay $0x1  }
0x84: {  	v3 =	vadd.s32 v61, v14;
	[tilespmem:v1+s19+$0x0] =	vst.idx.msk $0xffff, v0  }
0x85: {  	v3 =	vor.u32 v18, v3;
	[tilespmem:v10+s19+$0x0] =	vst.idx.msk $0xffff, v4  }
0x86: {  	v3 =	vor.u32 v26, v3;
	[tilespmem:v21+s19+$0x0] =	vst.idx.msk $0xffff, v11  }
0x87: {  	v23 =	vadd.s32 v61, v48;
	v2 =	vor.u32 v26, v2;
	[tilespmem:v15+s19+$0x0] =	vst.idx.msk $0xffff, v22  }
0x88: {  	v23 =	vor.u32 v7, v23;
	v5 =	vor.u32 v26, v5;
	v27 =	vld [tilespmem:$0x1FD50]  }
0x89: {  	v23 =	vor.u32 v26, v23;
	v26 =	vadd.s32 v62, v17  }
0x8a: {  	v0 =	vor.u32 v20, v26;
	v26 =	vor.u32 $0x40, v63  }
0x8b: {  	v25 =	vadd.s32 v62, v19;
	v1 =	vadd.s32 v62, v14;
	v4 =	vor.u32 v26, v16;
	v3 =	vld.idx.msk [tilespmem:v3+s17+$0x0], $0xffff  }
0x8c: {  	v25 =	vor.u32 v13, v25;
	v1 =	vor.u32 v18, v1;
	v10 =	vor.u32 v26, v12;
	v2 =	vld.idx.msk [tilespmem:v2+s17+$0x0], $0xffff  }
0x8d: {  	v21 =	vor.u32 v26, v9;
	v5 =	vld.idx.msk [tilespmem:v5+s17+$0x0], $0xffff;
	[tilespmem:$0x1FBD0] =	vst v26;
	v1 =	vor.u32 v27, v1  }
0x8e: {  	v11 =	vor.u32 v26, v8;
	v22 =	vld.idx.msk [tilespmem:v23+s17+$0x0], $0xffff;
	v15 =	vor.u32 v27, v25  }
0x8f: {  	v24 =	vadd.s32 v62, v48  }
0x90: {  	v23 =	vor.u32 v7, v24;
	v0 =	vor.u32 v27, v0;
	[tilespmem:v4+s19+$0x0] =	vst.idx.msk $0xffff, v3  }
0x91: {  	v23 =	vor.u32 v27, v23;
	[tilespmem:v10+s19+$0x0] =	vst.idx.msk $0xffff, v2  }
0x92: {  	v27 =	vor.u32 $0x50, v63;
	[tilespmem:v21+s19+$0x0] =	vst.idx.msk $0xffff, v5;
	v1 =	vld.idx.msk [tilespmem:v1+s17+$0x0], $0xffff  }
0x93: {  	v3 =	vor.u32 v27, v16;
	[tilespmem:v11+s19+$0x0] =	vst.idx.msk $0xffff, v22;
	v4 =	vld.idx.msk [tilespmem:v15+s17+$0x0], $0xffff  }
0x94: {  	v5 =	vor.u32 v27, v12;
	v30 =	vld [tilespmem:$0x1FD60]  }
0x95: {  	v10 =	vor.u32 v27, v9;
	v0 =	vld.idx.msk [tilespmem:v0+s17+$0x0], $0xffff  }
0x96: {  	v26 =	vadd.s32 v45, v17;
	v11 =	vld.idx.msk [tilespmem:v23+s17+$0x0], $0xffff;
	v15 =	vor.u32 v27, v8  }
0x97: {  	v24 =	vadd.s32 v45, v48;
	v26 =	vor.u32 v20, v26;
	v2 =	vadd.s32 v45, v14;
	[tilespmem:$0x1FBE0] =	vst v27  }
0x98: {  	v25 =	vadd.s32 v45, v19;
	v2 =	vor.u32 v18, v2;
	[tilespmem:v3+s19+$0x0] =	vst.idx.msk $0xffff, v1  }
0x99: {  	v25 =	vor.u32 v13, v25;
	v2 =	vor.u32 v30, v2;
	[tilespmem:v5+s19+$0x0] =	vst.idx.msk $0xffff, v4  }
0x9a: {  	v22 =	vor.u32 v7, v24;
	v21 =	vor.u32 v30, v25;
	[tilespmem:v10+s19+$0x0] =	vst.idx.msk $0xffff, v0  }
0x9b: {  	v24 =	vor.u32 v30, v26;
	v26 =	vadd.s32 v6, v17;
	[tilespmem:v15+s19+$0x0] =	vst.idx.msk $0xffff, v11  }
0x9c: {  	v22 =	vor.u32 v30, v22;
	v25 =	vadd.s32 v6, v19;
	v3 =	vor.u32 v20, v26;
	v26 =	vld [tilespmem:$0x1FD70]  }
0x9d: {  	v1 =	vor.u32 v13, v25;
	v25 =	vor.u32 $0x60, v63  }
0x9e: {  	v0 =	vor.u32 v25, v16;
	v2 =	vld.idx.msk [tilespmem:v2+s17+$0x0], $0xffff  }
0x9f: {  	v4 =	vadd.s32 v6, v14;
	v10 =	vor.u32 v25, v12;
	v5 =	vld.idx.msk [tilespmem:v21+s17+$0x0], $0xffff  }
0xa0: {  	v4 =	vor.u32 v18, v4;
	v11 =	vld.idx.msk [tilespmem:v24+s17+$0x0], $0xffff;
	[tilespmem:$0x1FBF0] =	vst v25;
	v21 =	vor.u32 v25, v9  }
0xa1: {  	v15 =	vor.u32 v25, v8;
	v4 =	vor.u32 v26, v4;
	v22 =	vld.idx.msk [tilespmem:v22+s17+$0x0], $0xffff;
	_ =	sdelay $0x1  }
0xa2: {  	v23 =	vadd.s32 v6, v48;
	v1 =	vor.u32 v26, v1;
	[tilespmem:v0+s19+$0x0] =	vst.idx.msk $0xffff, v2  }
0xa3: {  	v23 =	vor.u32 v7, v23;
	v3 =	vor.u32 v26, v3;
	[tilespmem:v10+s19+$0x0] =	vst.idx.msk $0xffff, v5  }
0xa4: {  	v23 =	vor.u32 v26, v23;
	v26 =	vadd.s32 v46, v17;
	[tilespmem:v21+s19+$0x0] =	vst.idx.msk $0xffff, v11  }
0xa5: {  	v0 =	vor.u32 v20, v26;
	v26 =	vor.u32 $0x70, v63;
	v4 =	vld.idx.msk [tilespmem:v4+s17+$0x0], $0xffff;
	[tilespmem:v15+s19+$0x0] =	vst.idx.msk $0xffff, v22  }
0xa6: {  	v5 =	vor.u32 v26, v16;
	v27 =	vld [tilespmem:$0x1FD80]  }
0xa7: {  	v1 =	vld.idx.msk [tilespmem:v1+s17+$0x0], $0xffff;
	v10 =	vor.u32 v26, v12  }
0xa8: {  	v3 =	vld.idx.msk [tilespmem:v3+s17+$0x0], $0xffff;
	v21 =	vor.u32 v26, v9;
	[tilespmem:$0x1FC00] =	vst v26  }
0xa9: {  	v2 =	vadd.s32 v46, v14;
	v11 =	vor.u32 v26, v8;
	v22 =	vld.idx.msk [tilespmem:v23+s17+$0x0], $0xffff  }
0xaa: {  	v25 =	vadd.s32 v46, v19;
	v2 =	vor.u32 v18, v2  }
0xab: {  	v25 =	vor.u32 v13, v25;
	[tilespmem:v5+s19+$0x0] =	vst.idx.msk $0xffff, v4;
	v2 =	vor.u32 v27, v2  }
0xac: {  	v24 =	vadd.s32 v46, v48;
	[tilespmem:v10+s19+$0x0] =	vst.idx.msk $0xffff, v1;
	v15 =	vor.u32 v27, v25  }
0xad: {  	v23 =	vor.u32 v7, v24;
	[tilespmem:v21+s19+$0x0] =	vst.idx.msk $0xffff, v3;
	v0 =	vor.u32 v27, v0  }
0xae: {  	v23 =	vor.u32 v27, v23;
	[tilespmem:v11+s19+$0x0] =	vst.idx.msk $0xffff, v22  }
0xaf: {  	v27 =	vor.u32 $0x400, v63;
	v30 =	vld [tilespmem:$0x1FDA0]  }
0xb0: {  	v26 =	vadd.s32 v44, v17;
	v25 =	vadd.s32 v44, v19;
	v4 =	vadd.s32 v27, v16;
	v1 =	vld.idx.msk [tilespmem:v2+s17+$0x0], $0xffff  }
0xb1: {  	v24 =	vadd.s32 v44, v48;
	v25 =	vor.u32 v13, v25;
	v3 =	vadd.s32 v27, v12;
	v5 =	vld.idx.msk [tilespmem:v15+s17+$0x0], $0xffff  }
0xb2: {  	v26 =	vor.u32 v20, v26;
	v10 =	vadd.s32 v27, v9;
	v21 =	vor.u32 v55, v25;
	v0 =	vld.idx.msk [tilespmem:v0+s17+$0x0], $0xffff  }
0xb3: {  	v22 =	vor.u32 v7, v24;
	v24 =	vor.u32 v55, v26;
	v11 =	vld.idx.msk [tilespmem:v23+s17+$0x0], $0xffff;
	v15 =	vadd.s32 v27, v8  }
0xb4: {  	v2 =	vadd.s32 v44, v14;
	[tilespmem:$0x1FC10] =	vst v27  }
0xb5: {  	v2 =	vor.u32 v18, v2;
	[tilespmem:v4+s19+$0x0] =	vst.idx.msk $0xffff, v1  }
0xb6: {  	v2 =	vor.u32 v55, v2;
	[tilespmem:v3+s19+$0x0] =	vst.idx.msk $0xffff, v5  }
0xb7: {  	v22 =	vor.u32 v55, v22;
	v25 =	vadd.s32 v30, v19;
	[tilespmem:v10+s19+$0x0] =	vst.idx.msk $0xffff, v0;
	v5 =	vld.idx.msk [tilespmem:v21+s17+$0x0], $0xffff  }
0xb8: {  	v1 =	vor.u32 v13, v25;
	v25 =	vor.u32 $0x410, v63;
	[tilespmem:v15+s19+$0x0] =	vst.idx.msk $0xffff, v11;
	v11 =	vld.idx.msk [tilespmem:v24+s17+$0x0], $0xffff  }
0xb9: {  	v10 =	vadd.s32 v25, v12;
	v53 =	vld [tilespmem:$0x1FD90]  }
0xba: {  	v21 =	vadd.s32 v25, v9;
	v60 =	vld [tilespmem:$0x1FDC0]  }
0xbb: {  	v0 =	vadd.s32 v25, v16;
	v2 =	vld.idx.msk [tilespmem:v2+s17+$0x0], $0xffff;
	[tilespmem:$0x1FC20] =	vst v25  }
0xbc: {  	v3 =	vadd.s32 v30, v14;
	v15 =	vadd.s32 v25, v8;
	v22 =	vld.idx.msk [tilespmem:v22+s17+$0x0], $0xffff  }
0xbd: {  	v23 =	vadd.s32 v30, v48;
	v3 =	vor.u32 v18, v3  }
0xbe: {  	v26 =	vadd.s32 v30, v17;
	v3 =	vor.u32 v53, v3;
	[tilespmem:v10+s19+$0x0] =	vst.idx.msk $0xffff, v5  }
0xbf: {  	v4 =	vor.u32 v20, v26;
	v1 =	vor.u32 v53, v1;
	[tilespmem:v21+s19+$0x0] =	vst.idx.msk $0xffff, v11  }
0xc0: {  	v23 =	vor.u32 v7, v23;
	v4 =	vor.u32 v53, v4;
	[tilespmem:v0+s19+$0x0] =	vst.idx.msk $0xffff, v2  }
0xc1: {  	v23 =	vor.u32 v53, v23;
	v26 =	vadd.s32 v60, v17;
	[tilespmem:v15+s19+$0x0] =	vst.idx.msk $0xffff, v22  }
0xc2: {  	v0 =	vor.u32 v20, v26;
	v26 =	vor.u32 $0x420, v63;
	v32 =	vld [tilespmem:$0x1FDB0]  }
0xc3: {  	v5 =	vadd.s32 v26, v16;
	v3 =	vld.idx.msk [tilespmem:v3+s17+$0x0], $0xffff  }
0xc4: {  	v10 =	vadd.s32 v26, v12;
	v1 =	vld.idx.msk [tilespmem:v1+s17+$0x0], $0xffff  }
0xc5: {  	v21 =	vadd.s32 v26, v9;
	v4 =	vld.idx.msk [tilespmem:v4+s17+$0x0], $0xffff;
	[tilespmem:$0x1FC30] =	vst v26  }
0xc6: {  	v2 =	vadd.s32 v60, v14;
	v11 =	vadd.s32 v26, v8;
	v22 =	vld.idx.msk [tilespmem:v23+s17+$0x0], $0xffff  }
0xc7: {  	v25 =	vadd.s32 v60, v19;
	v2 =	vor.u32 v18, v2  }
0xc8: {  	v25 =	vor.u32 v13, v25;
	v36 =	vld [tilespmem:$0x1FDE0];
	v2 =	vor.u32 v32, v2;
	[tilespmem:v5+s19+$0x0] =	vst.idx.msk $0xffff, v3  }
0xc9: {  	v24 =	vadd.s32 v60, v48;
	v15 =	vor.u32 v32, v25;
	[tilespmem:v10+s19+$0x0] =	vst.idx.msk $0xffff, v1  }
0xca: {  	v23 =	vor.u32 v7, v24;
	v0 =	vor.u32 v32, v0;
	[tilespmem:v21+s19+$0x0] =	vst.idx.msk $0xffff, v4  }
0xcb: {  	v23 =	vor.u32 v32, v23;
	[tilespmem:v11+s19+$0x0] =	vst.idx.msk $0xffff, v22  }
0xcc: {  	v37 =	vor.u32 $0x430, v63;
	v59 =	vld [tilespmem:$0x1FDD0]  }
0xcd: {  	v3 =	vadd.s32 v37, v16;
	v1 =	vld.idx.msk [tilespmem:v2+s17+$0x0], $0xffff  }
0xce: {  	v4 =	vadd.s32 v37, v12;
	v5 =	vld.idx.msk [tilespmem:v15+s17+$0x0], $0xffff  }
0xcf: {  	v10 =	vadd.s32 v37, v9;
	v0 =	vld.idx.msk [tilespmem:v0+s17+$0x0], $0xffff  }
0xd0: {  	v11 =	vld.idx.msk [tilespmem:v23+s17+$0x0], $0xffff;
	v15 =	vadd.s32 v37, v8  }
0xd1: {  	[tilespmem:$0x1FC40] =	vst v37  }
0xd2: {  	v39 =	vld [tilespmem:$0x1FE00];
	[tilespmem:v3+s19+$0x0] =	vst.idx.msk $0xffff, v1  }
0xd3: {  	v25 =	vadd.s32 v36, v19;
	v2 =	vadd.s32 v36, v14;
	[tilespmem:v4+s19+$0x0] =	vst.idx.msk $0xffff, v5  }
0xd4: {  	v26 =	vadd.s32 v36, v17;
	v2 =	vor.u32 v18, v2;
	[tilespmem:v10+s19+$0x0] =	vst.idx.msk $0xffff, v0  }
0xd5: {  	v25 =	vor.u32 v13, v25;
	v2 =	vor.u32 v59, v2;
	[tilespmem:v15+s19+$0x0] =	vst.idx.msk $0xffff, v11  }
0xd6: {  	v24 =	vadd.s32 v36, v48;
	v26 =	vor.u32 v20, v26;
	v21 =	vor.u32 v59, v25;
	v58 =	vld [tilespmem:$0x1FDF0]  }
0xd7: {  	v22 =	vor.u32 v7, v24;
	v24 =	vor.u32 v59, v26  }
0xd8: {  	v23 =	vadd.s32 v39, v48;
	v22 =	vor.u32 v59, v22;
	v25 =	vadd.s32 v39, v19  }
0xd9: {  	v1 =	vor.u32 v13, v25;
	v25 =	vor.u32 $0x440, v63;
	v4 =	vadd.s32 v39, v14  }
0xda: {  	v26 =	vadd.s32 v39, v17;
	v0 =	vadd.s32 v25, v16;
	v4 =	vor.u32 v18, v4;
	v2 =	vld.idx.msk [tilespmem:v2+s17+$0x0], $0xffff  }
0xdb: {  	v3 =	vor.u32 v20, v26;
	v10 =	vadd.s32 v25, v12;
	v5 =	vld.idx.msk [tilespmem:v21+s17+$0x0], $0xffff;
	v4 =	vor.u32 v58, v4  }
0xdc: {  	v11 =	vld.idx.msk [tilespmem:v24+s17+$0x0], $0xffff;
	[tilespmem:$0x1FC50] =	vst v25;
	v21 =	vadd.s32 v25, v9;
	v1 =	vor.u32 v58, v1  }
0xdd: {  	v15 =	vadd.s32 v25, v8;
	v25 =	vadd.s32 v43, v19;
	v22 =	vld.idx.msk [tilespmem:v22+s17+$0x0], $0xffff;
	v3 =	vor.u32 v58, v3  }
0xde: {  	v23 =	vor.u32 v7, v23;
	v26 =	vadd.s32 v43, v17;
	v25 =	vor.u32 v13, v25  }
0xdf: {  	v23 =	vor.u32 v58, v23;
	[tilespmem:v0+s19+$0x0] =	vst.idx.msk $0xffff, v2;
	v0 =	vor.u32 v20, v26;
	v26 =	vor.u32 $0x450, v63  }
0xe0: {  	[tilespmem:v10+s19+$0x0] =	vst.idx.msk $0xffff, v5;
	v2 =	vadd.s32 v43, v14;
	v5 =	vadd.s32 v26, v16;
	v4 =	vld.idx.msk [tilespmem:v4+s17+$0x0], $0xffff  }
0xe1: {  	[tilespmem:v21+s19+$0x0] =	vst.idx.msk $0xffff, v11;
	v2 =	vor.u32 v18, v2;
	v10 =	vadd.s32 v26, v12;
	v1 =	vld.idx.msk [tilespmem:v1+s17+$0x0], $0xffff  }
0xe2: {  	[tilespmem:v15+s19+$0x0] =	vst.idx.msk $0xffff, v22;
	v21 =	vadd.s32 v26, v9;
	v2 =	vor.u32 v42, v2;
	v3 =	vld.idx.msk [tilespmem:v3+s17+$0x0], $0xffff  }
0xe3: {  	v24 =	vadd.s32 v43, v48;
	v11 =	vadd.s32 v26, v8;
	v15 =	vor.u32 v42, v25;
	[tilespmem:$0x1FC60] =	vst v26  }
0xe4: {  	v0 =	vor.u32 v42, v0;
	v25 =	vadd.s32 v28, v19;
	v22 =	vld.idx.msk [tilespmem:v23+s17+$0x0], $0xffff;
	v23 =	vor.u32 v7, v24  }
0xe5: {  	v26 =	vadd.s32 v28, v17;
	v23 =	vor.u32 v42, v23;
	[tilespmem:v5+s19+$0x0] =	vst.idx.msk $0xffff, v4  }
0xe6: {  	v34 =	vor.u32 $0x460, v63;
	v25 =	vor.u32 v13, v25;
	v24 =	vadd.s32 v28, v48;
	[tilespmem:v10+s19+$0x0] =	vst.idx.msk $0xffff, v1  }
0xe7: {  	v26 =	vor.u32 v20, v26;
	v4 =	vadd.s32 v34, v16;
	[tilespmem:v21+s19+$0x0] =	vst.idx.msk $0xffff, v3;
	v1 =	vld.idx.msk [tilespmem:v2+s17+$0x0], $0xffff  }
0xe8: {  	v3 =	vadd.s32 v34, v12;
	v21 =	vadd.s32 v34, v8;
	v2 =	vadd.s32 v28, v14;
	v5 =	vld.idx.msk [tilespmem:v15+s17+$0x0], $0xffff  }
0xe9: {  	[tilespmem:v11+s19+$0x0] =	vst.idx.msk $0xffff, v22;
	v10 =	vld.idx.msk [tilespmem:v0+s17+$0x0], $0xffff;
	v11 =	vadd.s32 v34, v9;
	v22 =	vor.u32 v41, v25  }
0xea: {  	v0 =	vor.u32 v7, v24;
	v24 =	vor.u32 v41, v26;
	v2 =	vor.u32 v18, v2;
	v15 =	vld.idx.msk [tilespmem:v23+s17+$0x0], $0xffff  }
0xeb: {  	[tilespmem:$0x1FC70] =	vst v34;
	v2 =	vor.u32 v41, v2  }
0xec: {  	v25 =	vor.u32 v41, v0;
	v0 =	vadd.s32 v31, v19;
	[tilespmem:v4+s19+$0x0] =	vst.idx.msk $0xffff, v1  }
0xed: {  	v1 =	vor.u32 v13, v0;
	v0 =	vor.u32 $0x470, v63;
	[tilespmem:v3+s19+$0x0] =	vst.idx.msk $0xffff, v5  }
0xee: {  	[tilespmem:v11+s19+$0x0] =	vst.idx.msk $0xffff, v10;
	v10 =	vld.idx.msk [tilespmem:v22+s17+$0x0], $0xffff;
	v11 =	vadd.s32 v0, v12  }
0xef: {  	[tilespmem:v21+s19+$0x0] =	vst.idx.msk $0xffff, v15;
	v15 =	vld.idx.msk [tilespmem:v24+s17+$0x0], $0xffff;
	v22 =	vadd.s32 v0, v9  }
0xf0: {  	v5 =	vadd.s32 v0, v16;
	v2 =	vld.idx.msk [tilespmem:v2+s17+$0x0], $0xffff;
	[tilespmem:$0x1FC80] =	vst v0  }
0xf1: {  	v3 =	vadd.s32 v31, v14;
	v21 =	vadd.s32 v0, v8;
	v24 =	vld.idx.msk [tilespmem:v25+s17+$0x0], $0xffff  }
0xf2: {  	v27 =	vadd.s32 v57, v17;
	v26 =	vadd.s32 v31, v17;
	v3 =	vor.u32 v18, v3  }
0xf3: {  	v23 =	vadd.s32 v31, v48;
	v3 =	vor.u32 v29, v3;
	[tilespmem:v11+s19+$0x0] =	vst.idx.msk $0xffff, v10  }
0xf4: {  	v4 =	vor.u32 v20, v26;
	v1 =	vor.u32 v29, v1;
	[tilespmem:v22+s19+$0x0] =	vst.idx.msk $0xffff, v15  }
0xf5: {  	v23 =	vor.u32 v7, v23;
	v4 =	vor.u32 v29, v4;
	[tilespmem:v5+s19+$0x0] =	vst.idx.msk $0xffff, v2  }
0xf6: {  	v23 =	vor.u32 v29, v23;
	v26 =	vadd.s32 v57, v19;
	[tilespmem:v21+s19+$0x0] =	vst.idx.msk $0xffff, v24  }
0xf7: {  	v26 =	vor.u32 v13, v26;
	v0 =	vor.u32 $0x800, v63;
	v5 =	vadd.s32 v57, v14;
	v35 =	vld [tilespmem:$0x1FE10]  }
0xf8: {  	v25 =	vadd.s32 v57, v48;
	v10 =	vadd.s32 v0, v16;
	v5 =	vor.u32 v18, v5;
	v3 =	vld.idx.msk [tilespmem:v3+s17+$0x0], $0xffff  }
0xf9: {  	v11 =	vadd.s32 v0, v12;
	v15 =	vld.idx.msk [tilespmem:v1+s17+$0x0], $0xffff;
	v5 =	vor.u32 v33, v5;
	[tilespmem:$0x1FC90] =	vst v0  }
0xfa: {  	v22 =	vor.u32 v33, v26;
	v2 =	vor.u32 v20, v27;
	v24 =	vadd.s32 v0, v9;
	v4 =	vld.idx.msk [tilespmem:v4+s17+$0x0], $0xffff  }
0xfb: {  	v1 =	vor.u32 v7, v25;
	v21 =	vadd.s32 v0, v8;
	v0 =	vor.u32 v33, v2;
	v23 =	vld.idx.msk [tilespmem:v23+s17+$0x0], $0xffff  }
0xfc: {  	v26 =	vor.u32 v33, v1;
	v1 =	vadd.s32 v35, v19  }
0xfd: {  	[tilespmem:v10+s19+$0x0] =	vst.idx.msk $0xffff, v3;
	v29 =	vor.u32 v13, v1;
	v1 =	vor.u32 $0x810, v63  }
0xfe: {  	[tilespmem:v11+s19+$0x0] =	vst.idx.msk $0xffff, v15;
	v5 =	vld.idx.msk [tilespmem:v5+s17+$0x0], $0xffff;
	v11 =	vadd.s32 v1, v16  }
0xff: {  	v15 =	vld.idx.msk [tilespmem:v22+s17+$0x0], $0xffff;
	[tilespmem:v24+s19+$0x0] =	vst.idx.msk $0xffff, v4;
	v4 =	vadd.s32 v1, v12  }
0x100: {  	[tilespmem:v21+s19+$0x0] =	vst.idx.msk $0xffff, v23;
	v0 =	vld.idx.msk [tilespmem:v0+s17+$0x0], $0xffff;
	v23 =	vadd.s32 v1, v9;
	_ =	sdelay $0x1  }
0x101: {  	v3 =	vadd.s32 v35, v14;
	[tilespmem:$0x1FCA0] =	vst v1  }
0x102: {  	v3 =	vor.u32 v18, v3;
	v21 =	vadd.s32 v1, v8;
	v1 =	vld [tilespmem:$0x1FE30];
	[tilespmem:v11+s19+$0x0] =	vst.idx.msk $0xffff, v5  }
0x103: {  	v25 =	vadd.s32 v35, v48;
	v22 =	vor.u32 v40, v3;
	[tilespmem:v4+s19+$0x0] =	vst.idx.msk $0xffff, v15  }
0x104: {  	v3 =	vor.u32 v7, v25;
	v24 =	vld.idx.msk [tilespmem:v26+s17+$0x0], $0xffff;
	v26 =	vor.u32 v40, v29;
	[tilespmem:v23+s19+$0x0] =	vst.idx.msk $0xffff, v0  }
0x105: {  	s31 =	simm.s32 $0x4;
	v27 =	vadd.s32 v35, v17;
	v29 =	vor.u32 v40, v3;
	v3 =	vld [tilespmem:$0x1FE20]  }
0x106: {  	v28 =	vmov s31;
	v27 =	vor.u32 v20, v27  }
0x107: {  	v2 =	vmovc v30;
	v10 =	vshll.u32 v28, $0x7;
	v27 =	vor.u32 v40, v27;
	v40 =	vor.u32 $0x820, v63  }
0x108: {  	v25 =	vadd.s32 v1, v48;
	v30 =	vadd.s32 v1, v19;
	v5 =	vadd.s32 v1, v14;
	v4 =	vld.idx.msk [tilespmem:v22+s17+$0x0], $0xffff  }
0x109: {  	v11 =	vadd.s32 v40, v16;
	v5 =	vor.u32 v18, v5;
	v23 =	vld.idx.msk [tilespmem:v26+s17+$0x0], $0xffff;
	[tilespmem:v21+s19+$0x0] =	vst.idx.msk $0xffff, v24  }
0x10a: {  	v31 =	vadd.s32 v1, v17;
	v24 =	vadd.s32 v40, v12;
	v50 =	vld [tilespmem:$0x1FE50];
	v5 =	vor.u32 v3, v5  }
0x10b: {  	v15 =	vshrl.u32 v28, $0x3;
	v28 =	vadd.s32 v40, v9;
	v22 =	vor.u32 v13, v30  }
0x10c: {  	v0 =	vor.u32 v20, v31;
	v26 =	vld.idx.msk [tilespmem:v27+s17+$0x0], $0xffff;
	[tilespmem:$0x1FCB0] =	vst v40;
	v22 =	vor.u32 v3, v22  }
0x10d: {  	v27 =	vadd.s32 v40, v8;
	v21 =	vor.u32 v7, v25;
	v29 =	vld.idx.msk [tilespmem:v29+s17+$0x0], $0xffff;
	v30 =	vor.u32 v3, v0  }
0x10e: {  	v31 =	vor.u32 v3, v21;
	[tilespmem:v11+s19+$0x0] =	vst.idx.msk $0xffff, v4;
	v0 =	vor.u32 $0x830, v63  }
0x10f: {  	[tilespmem:v24+s19+$0x0] =	vst.idx.msk $0xffff, v23;
	v4 =	vadd.s32 v50, v14;
	v52 =	vadd.s32 v0, v16;
	v5 =	vld.idx.msk [tilespmem:v5+s17+$0x0], $0xffff  }
0x110: {  	v11 =	vadd.s32 v50, v19;
	v57 =	vor.u32 v18, v4;
	v4 =	vld [tilespmem:$0x1FE40]  }
0x111: {  	v35 =	vor.u32 v13, v11;
	[tilespmem:v28+s19+$0x0] =	vst.idx.msk $0xffff, v26;
	v11 =	vld.idx.msk [tilespmem:v22+s17+$0x0], $0xffff;
	v22 =	vadd.s32 v0, v12  }
0x112: {  	[tilespmem:v27+s19+$0x0] =	vst.idx.msk $0xffff, v29;
	v26 =	vld.idx.msk [tilespmem:v30+s17+$0x0], $0xffff  }
0x113: {  	v28 =	vld.idx.msk [tilespmem:v31+s17+$0x0], $0xffff;
	[tilespmem:$0x1FCC0] =	vst v0  }
0x114: {  	[tilespmem:v52+s19+$0x0] =	vst.idx.msk $0xffff, v5  }
0x115: {  	v25 =	vadd.s32 v50, v48;
	v33 =	vadd.s32 v50, v17;
	v40 =	vld [tilespmem:$0x1FE70]  }
0x116: {  	v30 =	vadd.s32 v0, v9;
	v23 =	vor.u32 v4, v57;
	[tilespmem:v22+s19+$0x0] =	vst.idx.msk $0xffff, v11  }
0x117: {  	v24 =	vor.u32 v20, v33;
	v29 =	vadd.s32 v0, v8;
	v27 =	vor.u32 v4, v35;
	v52 =	vld [tilespmem:$0x1FE60]  }
0x118: {  	s31 =	simm.s32 $0x5;
	v25 =	vor.u32 v7, v25;
	v24 =	vor.u32 v4, v24  }
0x119: {  	v50 =	vmov s31;
	v0 =	vor.u32 $0x840, v63;
	v25 =	vor.u32 v4, v25  }
0x11a: {  	v31 =	vadd.s32 v0, v16;
	v34 =	vadd.s32 v0, v12;
	v5 =	vadd.s32 v40, v14  }
0x11b: {  	v21 =	vmul.u32 $0xC00, v15;
	v35 =	vshll.u32 v50, $0x7;
	v23 =	vld.idx.msk [tilespmem:v23+s17+$0x0], $0xffff;
	[tilespmem:v30+s19+$0x0] =	vst.idx.msk $0xffff, v26;
	v5 =	vor.u32 v18, v5  }
0x11c: {  	v27 =	vld.idx.msk [tilespmem:v27+s17+$0x0], $0xffff;
	[tilespmem:v29+s19+$0x0] =	vst.idx.msk $0xffff, v28;
	v11 =	vadd.s32 v40, v17;
	v22 =	vor.u32 v52, v5  }
0x11d: {  	v29 =	vadd.s32 v0, v9;
	v28 =	vld.idx.msk [tilespmem:v24+s17+$0x0], $0xffff;
	v57 =	vadd.s32 v40, v48;
	v30 =	vor.u32 v20, v11  }
0x11e: {  	v11 =	vmul.u32 $0x1800, v15;
	v15 =	vld.idx.msk [tilespmem:v25+s17+$0x0], $0xffff;
	v25 =	vadd.s32 v0, v8;
	v5 =	vadd.s32 v40, v19  }
0x11f: {  	[tilespmem:$0x1FCD0] =	vst v0;
	v40 =	vor.u32 $0x850, v63;
	v30 =	vor.u32 v52, v30;
	v26 =	vor.u32 v13, v5  }
0x120: {  	[tilespmem:v31+s19+$0x0] =	vst.idx.msk $0xffff, v23;
	v23 =	vshrl.u32 v50, $0x3;
	v31 =	vor.u32 v52, v26;
	v26 =	vor.u32 v7, v57  }
0x121: {  	[tilespmem:v34+s19+$0x0] =	vst.idx.msk $0xffff, v27;
	v50 =	vadd.s32 v40, v16;
	v33 =	vor.u32 v52, v26;
	v22 =	vld.idx.msk [tilespmem:v22+s17+$0x0], $0xffff  }
0x122: {  	v0 =	vld [tilespmem:$0x1FE90]  }
0x123: {  	[tilespmem:v29+s19+$0x0] =	vst.idx.msk $0xffff, v28  }
0x124: {  	v30 =	vld.idx.msk [tilespmem:v30+s17+$0x0], $0xffff  }
0x125: {  	[tilespmem:v25+s19+$0x0] =	vst.idx.msk $0xffff, v15;
	v31 =	vld.idx.msk [tilespmem:v31+s17+$0x0], $0xffff  }
0x126: {  	v57 =	vadd.s32 v40, v8;
	v33 =	vld.idx.msk [tilespmem:v33+s17+$0x0], $0xffff;
	[tilespmem:v50+s19+$0x0] =	vst.idx.msk $0xffff, v22  }
0x127: {  	v1 =	vmov v32;
	v32 =	vadd.s32 v40, v9;
	v52 =	vadd.s32 v0, v19;
	v37 =	vld [tilespmem:$0x1FE80]  }
0x128: {  	v29 =	vor.u32 v13, v52;
	v22 =	vadd.s32 v40, v12;
	v52 =	vld [tilespmem:$0x1FEB0]  }
0x129: {  	v28 =	vadd.s32 v0, v17  }
0x12a: {  	v27 =	vadd.s32 v0, v48;
	v25 =	vor.u32 v20, v28;
	[tilespmem:$0x1FCE0] =	vst v40  }
0x12b: {  	v10 =	vand.u32 $0x200, v10;
	s31 =	simm.s32 $0x6;
	v28 =	vadd.s32 v0, v14;
	[tilespmem:v57+s19+$0x0] =	vst.idx.msk $0xffff, v33;
	v57 =	vadd.s32 v47, v11  }
0x12c: {  	v24 =	vmov s31;
	v28 =	vor.u32 v18, v28;
	[tilespmem:v32+s19+$0x0] =	vst.idx.msk $0xffff, v30;
	v34 =	vor.u32 v10, v57  }
0x12d: {  	v26 =	vshrl.u32 v24, $0x3;
	[tilespmem:v22+s19+$0x0] =	vst.idx.msk $0xffff, v31;
	v28 =	vor.u32 v37, v28;
	v19 =	vadd.s32 v52, v19  }
0x12e: {  	v40 =	vor.u32 v37, v29;
	v50 =	vadd.s32 v52, v48;
	v0 =	vadd.s32 v52, v17;
	v38 =	vld [tilespmem:$0x1FEA0]  }
0x12f: {  	v25 =	vor.u32 v37, v25;
	v19 =	vor.u32 v13, v19;
	v13 =	vor.u32 v7, v27  }
0x130: {  	v17 =	vadd.s32 v52, v14;
	v20 =	vor.u32 v20, v0;
	v37 =	vor.u32 v37, v13  }
0x131: {  	v0 =	vor.u32 $0x860, v63;
	v17 =	vor.u32 v18, v17;
	v7 =	vor.u32 v7, v50  }
0x132: {  	v5 =	vmovc v36;
	v13 =	vmul.u32 $0x1800, v23;
	v30 =	vadd.s32 v0, v16;
	v29 =	vadd.s32 v0, v12;
	v22 =	vld.idx.msk [tilespmem:v28+s17+$0x0], $0xffff  }
0x133: {  	s26 =	smul.u32 $0x70, s25;
	v15 =	vand.u32 $0x280, v35;
	v27 =	vadd.s32 v0, v8;
	v32 =	vor.u32 v38, v17;
	v17 =	vld.idx.msk [tilespmem:v40+s17+$0x0], $0xffff;
	[tilespmem:$0x1FCF0] =	vst v0  }
0x134: {  	v31 =	vadd.s32 v0, v9;
	v33 =	vadd.s32 v47, v13;
	v19 =	vor.u32 v38, v19;
	v25 =	vld.idx.msk [tilespmem:v25+s17+$0x0], $0xffff  }
0x135: {  	s30 =	simm.s32 $0x7;
	s29 =	simm.s32 $0x8;
	s28 =	sadd.s32 s5, s26;
	v14 =	vmul.u32 $0x1800, v26;
	v18 =	vor.u32 v38, v20;
	v20 =	vor.u32 v38, v7;
	v7 =	vmovc v39;
	v28 =	vld.idx.msk [tilespmem:v37+s17+$0x0], $0xffff  }
.LBB2_3:
0x136: {  	_ = 	snop  }
0x137: {  	v47 =	vld [tilespmem:$0x1FD00]  }
0x138: {  	v36 =	vmov s30;
	v40 =	vor.u32 $0x870, v63;
	[tilespmem:v30+s19+$0x0] =	vst.idx.msk $0xffff, v22  }
0x139: {  	v16 =	vadd.s32 v40, v16;
	v30 =	vshrl.u32 v36, $0x3;
	[tilespmem:v31+s19+$0x0] =	vst.idx.msk $0xffff, v25  }
0x13a: {  	v24 =	vshll.u32 v24, $0x7;
	v12 =	vadd.s32 v40, v12;
	[tilespmem:v29+s19+$0x0] =	vst.idx.msk $0xffff, v17;
	v29 =	vld.idx.msk [tilespmem:v32+s17+$0x0], $0xffff;
	v17 =	vmul.u32 $0x1800, v30  }
0x13b: {  	v9 =	vadd.s32 v40, v9;
	[tilespmem:v27+s19+$0x0] =	vst.idx.msk $0xffff, v28;
	v48 =	vld.idx.msk [tilespmem:v19+s17+$0x0], $0xffff;
	v19 =	vand.u32 $0x300, v24;
	v24 =	vshll.u32 v36, $0x7  }
0x13c: {  	v25 =	vld.idx.msk [tilespmem:v18+s17+$0x0], $0xffff;
	v35 =	vadd.s32 v47, v14;
	v27 =	vadd.s32 v47, v17;
	v18 =	vand.u32 $0x380, v24  }
0x13d: {  	v28 =	vor.u32 v19, v35;
	v24 =	vor.u32 v18, v27;
	v27 =	vadd.s32 v40, v8  }
0x13e: {  	v8 =	vor.u32 v10, v21;
	v21 =	vmul.u32 $0xC00, v23;
	v23 =	vor.u32 v49, v28;
	_ =	sdelay $0x1  }
0x13f: {  	v34 =	vor.u32 v49, v34;
	v50 =	vld [tilespmem:$0x1FD10];
	v22 =	vor.u32 v15, v33;
	[tilespmem:v16+s19+$0x0] =	vst.idx.msk $0xffff, v29;
	v16 =	vmul.u32 $0xC00, v26  }
0x140: {  	v22 =	vor.u32 v49, v22;
	v20 =	vld.idx.msk [tilespmem:v20+s17+$0x0], $0xffff;
	[tilespmem:v9+s19+$0x0] =	vst.idx.msk $0xffff, v25  }
0x141: {  	v24 =	vor.u32 v49, v24;
	[tilespmem:v12+s19+$0x0] =	vst.idx.msk $0xffff, v48;
	v9 =	vor.u32 v19, v16  }
0x142: {  	v12 =	vor.u32 v15, v21;
	v21 =	vmul.u32 $0xC00, v30;
	v23 =	vld.idx.msk [tilespmem:v23+s17+$0x0], $0xffff;
	v30 =	vor.u32 v63, v9  }
0x143: {  	v25 =	vadd.s32 v51, v13  }
0x144: {  	v26 =	vld.idx.msk [tilespmem:v34+s17+$0x0], $0xffff;
	v25 =	vor.u32 v15, v25  }
0x145: {  	v28 =	vor.u32 v63, v8;
	v22 =	vld.idx.msk [tilespmem:v22+s17+$0x0], $0xffff;
	v25 =	vor.u32 v50, v25;
	[tilespmem:v27+s19+$0x0] =	vst.idx.msk $0xffff, v20  }
0x146: {  	v20 =	vor.u32 v63, v12;
	v16 =	vor.u32 v18, v21;
	v27 =	vadd.s32 v51, v14;
	v24 =	vld.idx.msk [tilespmem:v24+s17+$0x0], $0xffff  }
0x147: {  	v29 =	vor.u32 v63, v16;
	v27 =	vor.u32 v19, v27;
	[tilespmem:v30+s19+$0x0] =	vst.idx.msk $0xffff, v23;
	v30 =	vld [tilespmem:$0x1FBA0]  }
0x148: {  	v27 =	vor.u32 v50, v27;
	_ =	sdelay $0x1  }
0x149: {  	v31 =	vadd.s32 v51, v11;
	v21 =	vadd.s32 v51, v17;
	[tilespmem:v28+s19+$0x0] =	vst.idx.msk $0xffff, v26  }
0x14a: {  	v0 =	vld [tilespmem:$0x1FD20];
	v21 =	vor.u32 v18, v21;
	v26 =	vor.u32 v10, v31;
	[tilespmem:v20+s19+$0x0] =	vst.idx.msk $0xffff, v22  }
0x14b: {  	v26 =	vor.u32 v50, v26;
	[tilespmem:v29+s19+$0x0] =	vst.idx.msk $0xffff, v24;
	v24 =	vld.idx.msk [tilespmem:v25+s17+$0x0], $0xffff;
	v25 =	vor.u32 v30, v12  }
0x14c: {  	v27 =	vld.idx.msk [tilespmem:v27+s17+$0x0], $0xffff;
	v28 =	vor.u32 v30, v16;
	v29 =	vor.u32 v30, v8;
	v30 =	vor.u32 v30, v9  }
0x14d: {  	v21 =	vor.u32 v50, v21;
	_ =	sdelay $0x1  }
0x14e: {  	v22 =	vadd.s32 v54, v14  }
0x14f: {  	v22 =	vor.u32 v19, v22;
	v26 =	vld.idx.msk [tilespmem:v26+s17+$0x0], $0xffff  }
0x150: {  	v23 =	vadd.s32 v54, v17;
	v22 =	vor.u32 v0, v22;
	[tilespmem:v30+s19+$0x0] =	vst.idx.msk $0xffff, v27;
	v30 =	vld [tilespmem:$0x1FBB0]  }
0x151: {  	v20 =	vadd.s32 v54, v13;
	v23 =	vor.u32 v18, v23;
	v21 =	vld.idx.msk [tilespmem:v21+s17+$0x0], $0xffff  }
0x152: {  	v31 =	vadd.s32 v54, v11;
	v20 =	vor.u32 v15, v20;
	v23 =	vor.u32 v0, v23  }
0x153: {  	v31 =	vor.u32 v10, v31;
	v20 =	vor.u32 v0, v20  }
0x154: {  	v31 =	vor.u32 v0, v31  }
0x155: {  	[tilespmem:v29+s19+$0x0] =	vst.idx.msk $0xffff, v26;
	v22 =	vld.idx.msk [tilespmem:v22+s17+$0x0], $0xffff;
	v29 =	vor.u32 v30, v9  }
0x156: {  	v0 =	vld [tilespmem:$0x1FD30];
	[tilespmem:v28+s19+$0x0] =	vst.idx.msk $0xffff, v21  }
0x157: {  	[tilespmem:v25+s19+$0x0] =	vst.idx.msk $0xffff, v24;
	v21 =	vld.idx.msk [tilespmem:v23+s17+$0x0], $0xffff  }
0x158: {  	v20 =	vld.idx.msk [tilespmem:v20+s17+$0x0], $0xffff;
	v24 =	vor.u32 v30, v16  }
0x159: {  	v36 =	vadd.s32 v56, v14;
	v26 =	vld.idx.msk [tilespmem:v31+s17+$0x0], $0xffff;
	v25 =	vor.u32 v30, v12  }
0x15a: {  	v34 =	vor.u32 v19, v36;
	v27 =	vor.u32 v30, v8;
	[tilespmem:v29+s19+$0x0] =	vst.idx.msk $0xffff, v22;
	v29 =	vld [tilespmem:$0x1FBC0]  }
0x15b: {  	v37 =	vor.u32 v0, v34;
	v23 =	vadd.s32 v56, v17  }
0x15c: {  	v52 =	vadd.s32 v56, v11;
	v57 =	vadd.s32 v56, v13;
	v23 =	vor.u32 v18, v23  }
0x15d: {  	v33 =	vor.u32 v15, v57;
	v23 =	vor.u32 v0, v23;
	[tilespmem:v24+s19+$0x0] =	vst.idx.msk $0xffff, v21  }
0x15e: {  	v28 =	vor.u32 v0, v33;
	v30 =	vor.u32 v10, v52;
	[tilespmem:v25+s19+$0x0] =	vst.idx.msk $0xffff, v20  }
0x15f: {  	v30 =	vor.u32 v0, v30;
	[tilespmem:v27+s19+$0x0] =	vst.idx.msk $0xffff, v26;
	v22 =	vor.u32 v29, v16  }
0x160: {  	v25 =	vld.idx.msk [tilespmem:v37+s17+$0x0], $0xffff;
	v24 =	vor.u32 v29, v12;
	v27 =	vor.u32 v29, v8;
	v29 =	vor.u32 v29, v9  }
0x161: {  	v0 =	vld [tilespmem:$0x1FD40]  }
0x162: {  	v20 =	vld.idx.msk [tilespmem:v23+s17+$0x0], $0xffff  }
0x163: {  	v23 =	vld.idx.msk [tilespmem:v28+s17+$0x0], $0xffff  }
0x164: {  	v39 =	vadd.s32 v61, v14;
	v26 =	vld.idx.msk [tilespmem:v30+s17+$0x0], $0xffff  }
0x165: {  	v34 =	vor.u32 v19, v39;
	[tilespmem:v29+s19+$0x0] =	vst.idx.msk $0xffff, v25;
	v29 =	vld [tilespmem:$0x1FBD0]  }
0x166: {  	[tilespmem:$0x1FB90] =	vst v40;
	v21 =	vadd.s32 v61, v17;
	v40 =	vor.u32 v0, v34  }
0x167: {  	v38 =	vadd.s32 v61, v13;
	v21 =	vor.u32 v18, v21  }
0x168: {  	v33 =	vor.u32 v15, v38;
	v31 =	vadd.s32 v61, v11;
	v21 =	vor.u32 v0, v21  }
0x169: {  	v28 =	vor.u32 v0, v33;
	v30 =	vor.u32 v10, v31;
	[tilespmem:v24+s19+$0x0] =	vst.idx.msk $0xffff, v23  }
0x16a: {  	v30 =	vor.u32 v0, v30;
	[tilespmem:v27+s19+$0x0] =	vst.idx.msk $0xffff, v26;
	v23 =	vor.u32 v29, v16  }
0x16b: {  	v25 =	vld.idx.msk [tilespmem:v40+s17+$0x0], $0xffff;
	v24 =	vor.u32 v29, v12;
	v27 =	vor.u32 v29, v8;
	v29 =	vor.u32 v29, v9  }
0x16c: {  	v0 =	vld [tilespmem:$0x1FD50];
	[tilespmem:v22+s19+$0x0] =	vst.idx.msk $0xffff, v20  }
0x16d: {  	v20 =	vld.idx.msk [tilespmem:v21+s17+$0x0], $0xffff  }
0x16e: {  	v22 =	vld.idx.msk [tilespmem:v28+s17+$0x0], $0xffff  }
0x16f: {  	v50 =	vadd.s32 v62, v14;
	v26 =	vld.idx.msk [tilespmem:v30+s17+$0x0], $0xffff  }
0x170: {  	v34 =	vor.u32 v19, v50;
	[tilespmem:v29+s19+$0x0] =	vst.idx.msk $0xffff, v25;
	v29 =	vld [tilespmem:$0x1FBE0]  }
0x171: {  	v52 =	vor.u32 v0, v34;
	v21 =	vadd.s32 v62, v17  }
0x172: {  	v48 =	vadd.s32 v62, v13;
	v31 =	vadd.s32 v62, v11;
	v21 =	vor.u32 v18, v21  }
0x173: {  	v33 =	vor.u32 v15, v48;
	v21 =	vor.u32 v0, v21;
	[tilespmem:v23+s19+$0x0] =	vst.idx.msk $0xffff, v20  }
0x174: {  	v28 =	vor.u32 v0, v33;
	v30 =	vor.u32 v10, v31;
	[tilespmem:v24+s19+$0x0] =	vst.idx.msk $0xffff, v22  }
0x175: {  	v30 =	vor.u32 v0, v30;
	[tilespmem:v27+s19+$0x0] =	vst.idx.msk $0xffff, v26;
	v23 =	vor.u32 v29, v16  }
0x176: {  	v25 =	vld.idx.msk [tilespmem:v52+s17+$0x0], $0xffff;
	v24 =	vor.u32 v29, v12;
	v27 =	vor.u32 v29, v8;
	v29 =	vor.u32 v29, v9  }
0x177: {  	v0 =	vld [tilespmem:$0x1FD60]  }
0x178: {  	v20 =	vld.idx.msk [tilespmem:v21+s17+$0x0], $0xffff  }
0x179: {  	v22 =	vld.idx.msk [tilespmem:v28+s17+$0x0], $0xffff  }
0x17a: {  	v36 =	vadd.s32 v45, v14;
	v26 =	vld.idx.msk [tilespmem:v30+s17+$0x0], $0xffff  }
0x17b: {  	v34 =	vor.u32 v19, v36;
	[tilespmem:v29+s19+$0x0] =	vst.idx.msk $0xffff, v25;
	v29 =	vld [tilespmem:$0x1FBF0]  }
0x17c: {  	v37 =	vor.u32 v0, v34;
	v21 =	vadd.s32 v45, v17  }
0x17d: {  	v57 =	vadd.s32 v45, v13;
	v31 =	vadd.s32 v45, v11;
	v21 =	vor.u32 v18, v21  }
0x17e: {  	v33 =	vor.u32 v15, v57;
	v21 =	vor.u32 v0, v21;
	[tilespmem:v23+s19+$0x0] =	vst.idx.msk $0xffff, v20  }
0x17f: {  	v28 =	vor.u32 v0, v33;
	v30 =	vor.u32 v10, v31;
	[tilespmem:v24+s19+$0x0] =	vst.idx.msk $0xffff, v22  }
0x180: {  	v30 =	vor.u32 v0, v30;
	[tilespmem:v27+s19+$0x0] =	vst.idx.msk $0xffff, v26;
	v23 =	vor.u32 v29, v16  }
0x181: {  	v25 =	vld.idx.msk [tilespmem:v37+s17+$0x0], $0xffff;
	v24 =	vor.u32 v29, v12;
	v27 =	vor.u32 v29, v8;
	v29 =	vor.u32 v29, v9  }
0x182: {  	v0 =	vld [tilespmem:$0x1FD70]  }
0x183: {  	v20 =	vld.idx.msk [tilespmem:v21+s17+$0x0], $0xffff  }
0x184: {  	v22 =	vld.idx.msk [tilespmem:v28+s17+$0x0], $0xffff  }
0x185: {  	v39 =	vadd.s32 v6, v14;
	v26 =	vld.idx.msk [tilespmem:v30+s17+$0x0], $0xffff  }
0x186: {  	v34 =	vor.u32 v19, v39;
	[tilespmem:v29+s19+$0x0] =	vst.idx.msk $0xffff, v25;
	v29 =	vld [tilespmem:$0x1FC00]  }
0x187: {  	v40 =	vor.u32 v0, v34;
	v21 =	vadd.s32 v6, v17  }
0x188: {  	v38 =	vadd.s32 v6, v13;
	v31 =	vadd.s32 v6, v11;
	v21 =	vor.u32 v18, v21  }
0x189: {  	v33 =	vor.u32 v15, v38;
	v21 =	vor.u32 v0, v21;
	[tilespmem:v23+s19+$0x0] =	vst.idx.msk $0xffff, v20  }
0x18a: {  	v28 =	vor.u32 v0, v33;
	v30 =	vor.u32 v10, v31;
	[tilespmem:v24+s19+$0x0] =	vst.idx.msk $0xffff, v22  }
0x18b: {  	v30 =	vor.u32 v0, v30;
	[tilespmem:v27+s19+$0x0] =	vst.idx.msk $0xffff, v26;
	v23 =	vor.u32 v29, v16  }
0x18c: {  	v25 =	vld.idx.msk [tilespmem:v40+s17+$0x0], $0xffff;
	v24 =	vor.u32 v29, v12;
	v27 =	vor.u32 v29, v8;
	v29 =	vor.u32 v29, v9  }
0x18d: {  	v0 =	vld [tilespmem:$0x1FD80]  }
0x18e: {  	v20 =	vld.idx.msk [tilespmem:v21+s17+$0x0], $0xffff  }
0x18f: {  	v22 =	vld.idx.msk [tilespmem:v28+s17+$0x0], $0xffff  }
0x190: {  	v50 =	vadd.s32 v46, v14;
	v26 =	vld.idx.msk [tilespmem:v30+s17+$0x0], $0xffff  }
0x191: {  	v34 =	vor.u32 v19, v50;
	[tilespmem:v29+s19+$0x0] =	vst.idx.msk $0xffff, v25;
	v29 =	vld [tilespmem:$0x1FC10]  }
0x192: {  	v52 =	vor.u32 v0, v34;
	v21 =	vadd.s32 v46, v17  }
0x193: {  	v48 =	vadd.s32 v46, v13;
	v31 =	vadd.s32 v46, v11;
	v21 =	vor.u32 v18, v21  }
0x194: {  	v33 =	vor.u32 v15, v48;
	v21 =	vor.u32 v0, v21;
	[tilespmem:v23+s19+$0x0] =	vst.idx.msk $0xffff, v20  }
0x195: {  	v28 =	vor.u32 v0, v33;
	v30 =	vor.u32 v10, v31;
	[tilespmem:v24+s19+$0x0] =	vst.idx.msk $0xffff, v22  }
0x196: {  	v30 =	vor.u32 v0, v30;
	[tilespmem:v27+s19+$0x0] =	vst.idx.msk $0xffff, v26;
	v23 =	vadd.s32 v29, v16  }
0x197: {  	v25 =	vld.idx.msk [tilespmem:v52+s17+$0x0], $0xffff;
	v24 =	vadd.s32 v29, v12;
	v27 =	vadd.s32 v29, v8;
	v29 =	vadd.s32 v29, v9;
	_ =	sdelay $0x1  }
0x198: {  	v20 =	vld.idx.msk [tilespmem:v21+s17+$0x0], $0xffff  }
0x199: {  	v22 =	vld.idx.msk [tilespmem:v28+s17+$0x0], $0xffff  }
0x19a: {  	v36 =	vadd.s32 v44, v14;
	v26 =	vld.idx.msk [tilespmem:v30+s17+$0x0], $0xffff  }
0x19b: {  	v34 =	vor.u32 v19, v36;
	[tilespmem:v29+s19+$0x0] =	vst.idx.msk $0xffff, v25;
	v29 =	vld [tilespmem:$0x1FC20]  }
0x19c: {  	v37 =	vor.u32 v55, v34;
	v21 =	vadd.s32 v44, v17  }
0x19d: {  	v57 =	vadd.s32 v44, v13;
	v31 =	vadd.s32 v44, v11;
	v21 =	vor.u32 v18, v21  }
0x19e: {  	v33 =	vor.u32 v15, v57;
	v21 =	vor.u32 v55, v21;
	[tilespmem:v23+s19+$0x0] =	vst.idx.msk $0xffff, v20  }
0x19f: {  	v28 =	vor.u32 v55, v33;
	v30 =	vor.u32 v10, v31;
	[tilespmem:v24+s19+$0x0] =	vst.idx.msk $0xffff, v22  }
0x1a0: {  	v30 =	vor.u32 v55, v30;
	[tilespmem:v27+s19+$0x0] =	vst.idx.msk $0xffff, v26;
	v23 =	vadd.s32 v29, v16  }
0x1a1: {  	v25 =	vld.idx.msk [tilespmem:v37+s17+$0x0], $0xffff;
	v24 =	vadd.s32 v29, v12;
	v27 =	vadd.s32 v29, v8;
	v29 =	vadd.s32 v29, v9;
	_ =	sdelay $0x1  }
0x1a2: {  	v20 =	vld.idx.msk [tilespmem:v21+s17+$0x0], $0xffff  }
0x1a3: {  	v22 =	vld.idx.msk [tilespmem:v28+s17+$0x0], $0xffff  }
0x1a4: {  	v39 =	vadd.s32 v2, v14;
	v26 =	vld.idx.msk [tilespmem:v30+s17+$0x0], $0xffff  }
0x1a5: {  	v34 =	vor.u32 v19, v39;
	[tilespmem:v29+s19+$0x0] =	vst.idx.msk $0xffff, v25;
	v29 =	vld [tilespmem:$0x1FC30]  }
0x1a6: {  	v40 =	vor.u32 v53, v34  }
0x1a7: {  	v38 =	vadd.s32 v2, v13;
	v21 =	vadd.s32 v2, v17  }
0x1a8: {  	v31 =	vadd.s32 v2, v11;
	v21 =	vor.u32 v18, v21;
	[tilespmem:v23+s19+$0x0] =	vst.idx.msk $0xffff, v20  }
0x1a9: {  	v33 =	vor.u32 v15, v38;
	v21 =	vor.u32 v53, v21;
	[tilespmem:v24+s19+$0x0] =	vst.idx.msk $0xffff, v22  }
0x1aa: {  	v28 =	vor.u32 v53, v33;
	[tilespmem:v27+s19+$0x0] =	vst.idx.msk $0xffff, v26;
	v23 =	vadd.s32 v29, v16  }
0x1ab: {  	v25 =	vld.idx.msk [tilespmem:v40+s17+$0x0], $0xffff;
	v24 =	vadd.s32 v29, v12;
	v27 =	vadd.s32 v29, v8;
	v29 =	vadd.s32 v29, v9  }
0x1ac: {  	v30 =	vor.u32 v10, v31  }
0x1ad: {  	v30 =	vor.u32 v53, v30  }
0x1ae: {  	v20 =	vld.idx.msk [tilespmem:v21+s17+$0x0], $0xffff;
	v21 =	vadd.s32 v60, v17  }
0x1af: {  	v50 =	vadd.s32 v60, v14;
	v48 =	vadd.s32 v60, v13;
	v22 =	vld.idx.msk [tilespmem:v28+s17+$0x0], $0xffff;
	v21 =	vor.u32 v18, v21  }
0x1b0: {  	v33 =	vor.u32 v15, v48;
	v21 =	vor.u32 v1, v21;
	[tilespmem:v29+s19+$0x0] =	vst.idx.msk $0xffff, v25;
	v29 =	vld [tilespmem:$0x1FC40]  }
0x1b1: {  	v34 =	vor.u32 v19, v50;
	v31 =	vadd.s32 v60, v11;
	v28 =	vor.u32 v1, v33  }
0x1b2: {  	v52 =	vor.u32 v1, v34;
	v26 =	vld.idx.msk [tilespmem:v30+s17+$0x0], $0xffff;
	v30 =	vor.u32 v10, v31  }
0x1b3: {  	v30 =	vor.u32 v1, v30  }
0x1b4: {  	v0 =	vld [tilespmem:$0x1FC50];
	[tilespmem:v23+s19+$0x0] =	vst.idx.msk $0xffff, v20  }
0x1b5: {  	[tilespmem:v24+s19+$0x0] =	vst.idx.msk $0xffff, v22;
	v20 =	vld.idx.msk [tilespmem:v21+s17+$0x0], $0xffff;
	v23 =	vadd.s32 v29, v16  }
0x1b6: {  	v22 =	vld.idx.msk [tilespmem:v28+s17+$0x0], $0xffff;
	v24 =	vadd.s32 v29, v12  }
0x1b7: {  	[tilespmem:v27+s19+$0x0] =	vst.idx.msk $0xffff, v26;
	v25 =	vld.idx.msk [tilespmem:v52+s17+$0x0], $0xffff;
	v27 =	vadd.s32 v29, v8;
	v29 =	vadd.s32 v29, v9  }
0x1b8: {  	v36 =	vadd.s32 v5, v14;
	v21 =	vadd.s32 v5, v17;
	v26 =	vld.idx.msk [tilespmem:v30+s17+$0x0], $0xffff  }
0x1b9: {  	v57 =	vadd.s32 v5, v13;
	v34 =	vor.u32 v19, v36;
	v21 =	vor.u32 v18, v21  }
0x1ba: {  	v33 =	vor.u32 v15, v57;
	v21 =	vor.u32 v59, v21;
	[tilespmem:v23+s19+$0x0] =	vst.idx.msk $0xffff, v20  }
0x1bb: {  	v31 =	vadd.s32 v5, v11;
	v28 =	vor.u32 v59, v33;
	[tilespmem:v24+s19+$0x0] =	vst.idx.msk $0xffff, v22  }
0x1bc: {  	v37 =	vor.u32 v59, v34;
	v30 =	vor.u32 v10, v31;
	[tilespmem:v29+s19+$0x0] =	vst.idx.msk $0xffff, v25  }
0x1bd: {  	v30 =	vor.u32 v59, v30;
	v23 =	vadd.s32 v0, v16;
	[tilespmem:v27+s19+$0x0] =	vst.idx.msk $0xffff, v26  }
0x1be: {  	v24 =	vadd.s32 v0, v12;
	v27 =	vadd.s32 v0, v8;
	v29 =	vadd.s32 v0, v9;
	v0 =	vld [tilespmem:$0x1FC60]  }
0x1bf: {  	v20 =	vld.idx.msk [tilespmem:v21+s17+$0x0], $0xffff;
	v21 =	vadd.s32 v7, v17  }
0x1c0: {  	v22 =	vld.idx.msk [tilespmem:v28+s17+$0x0], $0xffff;
	v21 =	vor.u32 v18, v21  }
0x1c1: {  	v39 =	vadd.s32 v7, v14;
	v25 =	vld.idx.msk [tilespmem:v37+s17+$0x0], $0xffff;
	v21 =	vor.u32 v58, v21  }
0x1c2: {  	v34 =	vor.u32 v19, v39;
	v26 =	vld.idx.msk [tilespmem:v30+s17+$0x0], $0xffff  }
0x1c3: {  	v38 =	vadd.s32 v7, v13;
	v40 =	vor.u32 v58, v34;
	v31 =	vadd.s32 v7, v11  }
0x1c4: {  	v33 =	vor.u32 v15, v38;
	v30 =	vor.u32 v10, v31;
	[tilespmem:v23+s19+$0x0] =	vst.idx.msk $0xffff, v20  }
0x1c5: {  	v28 =	vor.u32 v58, v33;
	v30 =	vor.u32 v58, v30;
	[tilespmem:v24+s19+$0x0] =	vst.idx.msk $0xffff, v22  }
0x1c6: {  	[tilespmem:v29+s19+$0x0] =	vst.idx.msk $0xffff, v25;
	v23 =	vadd.s32 v0, v16;
	v20 =	vld.idx.msk [tilespmem:v21+s17+$0x0], $0xffff;
	v21 =	vadd.s32 v43, v17  }
0x1c7: {  	[tilespmem:v27+s19+$0x0] =	vst.idx.msk $0xffff, v26;
	v24 =	vadd.s32 v0, v12;
	v21 =	vor.u32 v18, v21  }
0x1c8: {  	v27 =	vadd.s32 v0, v8;
	v29 =	vadd.s32 v0, v9;
	v0 =	vld [tilespmem:$0x1FEC0];
	v21 =	vor.u32 v42, v21;
	_ =	sdelay $0x1  }
0x1c9: {  	v22 =	vld.idx.msk [tilespmem:v28+s17+$0x0], $0xffff  }
0x1ca: {  	v25 =	vld.idx.msk [tilespmem:v40+s17+$0x0], $0xffff  }
0x1cb: {  	v31 =	vadd.s32 v43, v11;
	v26 =	vld.idx.msk [tilespmem:v30+s17+$0x0], $0xffff;
	[tilespmem:v23+s19+$0x0] =	vst.idx.msk $0xffff, v20  }
0x1cc: {  	v30 =	vor.u32 v10, v31;
	v31 =	vadd.s32 v0, v11;
	v20 =	vld.idx.msk [tilespmem:v21+s17+$0x0], $0xffff  }
0x1cd: {  	v57 =	vadd.s32 v0, v13;
	v36 =	vadd.s32 v0, v14;
	v21 =	vadd.s32 v0, v17;
	v0 =	vld [tilespmem:$0x1FC70]  }
0x1ce: {  	v50 =	vadd.s32 v43, v14;
	v48 =	vadd.s32 v43, v13  }
0x1cf: {  	v34 =	vor.u32 v19, v50;
	v33 =	vor.u32 v15, v48  }
0x1d0: {  	v52 =	vor.u32 v42, v34;
	v28 =	vor.u32 v42, v33;
	[tilespmem:v24+s19+$0x0] =	vst.idx.msk $0xffff, v22  }
0x1d1: {  	v30 =	vor.u32 v42, v30;
	[tilespmem:v29+s19+$0x0] =	vst.idx.msk $0xffff, v25;
	v21 =	vor.u32 v18, v21  }
0x1d2: {  	[tilespmem:v27+s19+$0x0] =	vst.idx.msk $0xffff, v26;
	v21 =	vor.u32 v41, v21;
	v23 =	vadd.s32 v0, v16  }
0x1d3: {  	v24 =	vadd.s32 v0, v12;
	v27 =	vadd.s32 v0, v8;
	v29 =	vadd.s32 v0, v9;
	v0 =	vld [tilespmem:$0x1FED0]  }
0x1d4: {  	v40 =	vld [tilespmem:$0x1FEE0]  }
0x1d5: {  	v22 =	vld.idx.msk [tilespmem:v28+s17+$0x0], $0xffff  }
0x1d6: {  	v25 =	vld.idx.msk [tilespmem:v52+s17+$0x0], $0xffff  }
0x1d7: {  	v26 =	vld.idx.msk [tilespmem:v30+s17+$0x0], $0xffff;
	[tilespmem:v23+s19+$0x0] =	vst.idx.msk $0xffff, v20  }
0x1d8: {  	v30 =	vor.u32 v10, v31;
	v31 =	vadd.s32 v0, v11;
	v20 =	vld.idx.msk [tilespmem:v21+s17+$0x0], $0xffff  }
0x1d9: {  	v38 =	vadd.s32 v0, v13;
	v39 =	vadd.s32 v0, v14;
	v21 =	vadd.s32 v0, v17;
	v0 =	vld [tilespmem:$0x1FC80];
	_ =	sdelay $0x1  }
0x1da: {  	v33 =	vor.u32 v15, v57;
	v34 =	vor.u32 v19, v36  }
0x1db: {  	v28 =	vor.u32 v41, v33;
	v37 =	vor.u32 v41, v34;
	[tilespmem:v24+s19+$0x0] =	vst.idx.msk $0xffff, v22  }
0x1dc: {  	v30 =	vor.u32 v41, v30;
	[tilespmem:v29+s19+$0x0] =	vst.idx.msk $0xffff, v25;
	v21 =	vor.u32 v18, v21  }
0x1dd: {  	[tilespmem:v27+s19+$0x0] =	vst.idx.msk $0xffff, v26;
	v21 =	vor.u32 v40, v21;
	v23 =	vadd.s32 v0, v16  }
0x1de: {  	v24 =	vadd.s32 v0, v12;
	v27 =	vadd.s32 v0, v8;
	v29 =	vadd.s32 v0, v9;
	v0 =	vld [tilespmem:$0x1FF70];
	_ =	sdelay $0x1  }
0x1df: {  	v22 =	vld.idx.msk [tilespmem:v28+s17+$0x0], $0xffff  }
0x1e0: {  	v25 =	vld.idx.msk [tilespmem:v37+s17+$0x0], $0xffff  }
0x1e1: {  	v33 =	vor.u32 v15, v38;
	v34 =	vor.u32 v19, v39;
	v26 =	vld.idx.msk [tilespmem:v30+s17+$0x0], $0xffff;
	[tilespmem:v23+s19+$0x0] =	vst.idx.msk $0xffff, v20  }
0x1e2: {  	v30 =	vor.u32 v10, v31;
	v28 =	vor.u32 v40, v33;
	v31 =	vadd.s32 v0, v11;
	v20 =	vld.idx.msk [tilespmem:v21+s17+$0x0], $0xffff  }
0x1e3: {  	v50 =	vadd.s32 v0, v13;
	v52 =	vadd.s32 v0, v14;
	v21 =	vadd.s32 v0, v17;
	v0 =	vld [tilespmem:$0x1FC90]  }
0x1e4: {  	v48 =	vor.u32 v40, v34  }
0x1e5: {  	v57 =	vld [tilespmem:$0x1FF60];
	v30 =	vor.u32 v40, v30;
	_ =	sdelay $0x1  }
0x1e6: {  	[tilespmem:v24+s19+$0x0] =	vst.idx.msk $0xffff, v22  }
0x1e7: {  	[tilespmem:v29+s19+$0x0] =	vst.idx.msk $0xffff, v25;
	v22 =	vld.idx.msk [tilespmem:v28+s17+$0x0], $0xffff;
	v23 =	vadd.s32 v0, v16  }
0x1e8: {  	[tilespmem:v27+s19+$0x0] =	vst.idx.msk $0xffff, v26;
	v33 =	vor.u32 v15, v50;
	v25 =	vld.idx.msk [tilespmem:v48+s17+$0x0], $0xffff;
	v24 =	vadd.s32 v0, v12  }
0x1e9: {  	v26 =	vld.idx.msk [tilespmem:v30+s17+$0x0], $0xffff;
	v30 =	vor.u32 v10, v31;
	v28 =	vor.u32 v57, v33;
	v27 =	vadd.s32 v0, v8  }
0x1ea: {  	v30 =	vor.u32 v57, v30;
	v29 =	vadd.s32 v0, v9;
	v0 =	vld [tilespmem:$0x1FCA0];
	_ =	sdelay $0x1  }
0x1eb: {  	[tilespmem:v23+s19+$0x0] =	vst.idx.msk $0xffff, v20  }
0x1ec: {  	v40 =	vld [tilespmem:$0x1FE10];
	[tilespmem:v24+s19+$0x0] =	vst.idx.msk $0xffff, v22  }
0x1ed: {  	v34 =	vor.u32 v19, v52;
	[tilespmem:v27+s19+$0x0] =	vst.idx.msk $0xffff, v26;
	v23 =	vld.idx.msk [tilespmem:v28+s17+$0x0], $0xffff  }
0x1ee: {  	v48 =	vor.u32 v57, v34;
	[tilespmem:v29+s19+$0x0] =	vst.idx.msk $0xffff, v25;
	v24 =	vadd.s32 v0, v16;
	v27 =	vld.idx.msk [tilespmem:v30+s17+$0x0], $0xffff  }
0x1ef: {  	v25 =	vadd.s32 v0, v12;
	v28 =	vadd.s32 v0, v8;
	v30 =	vadd.s32 v0, v9;
	v0 =	vld [tilespmem:$0x1FE30];
	_ =	sdelay $0x1  }
0x1f0: {  	v21 =	vor.u32 v18, v21  }
0x1f1: {  	v50 =	vadd.s32 v40, v13;
	v52 =	vadd.s32 v40, v14;
	v21 =	vor.u32 v57, v21;
	v57 =	vld [tilespmem:$0x1FF30]  }
0x1f2: {  	v31 =	vadd.s32 v40, v11;
	v33 =	vor.u32 v15, v50;
	v34 =	vor.u32 v19, v52  }
0x1f3: {  	v22 =	vadd.s32 v40, v17;
	v26 =	vld.idx.msk [tilespmem:v48+s17+$0x0], $0xffff;
	v40 =	vadd.s32 v0, v11;
	v50 =	vadd.s32 v0, v13  }
0x1f4: {  	v52 =	vadd.s32 v0, v14;
	[tilespmem:v25+s19+$0x0] =	vst.idx.msk $0xffff, v23;
	v23 =	vadd.s32 v0, v17;
	v0 =	vld [tilespmem:$0x1FCB0];
	_ =	sdelay $0x1  }
0x1f5: {  	v29 =	vor.u32 v57, v33;
	v21 =	vld.idx.msk [tilespmem:v21+s17+$0x0], $0xffff  }
0x1f6: {  	v31 =	vor.u32 v10, v31;
	v22 =	vor.u32 v18, v22  }
0x1f7: {  	v31 =	vor.u32 v57, v31;
	v22 =	vor.u32 v57, v22;
	[tilespmem:v30+s19+$0x0] =	vst.idx.msk $0xffff, v26  }
0x1f8: {  	v48 =	vor.u32 v57, v34;
	[tilespmem:v28+s19+$0x0] =	vst.idx.msk $0xffff, v27;
	v25 =	vadd.s32 v0, v16  }
0x1f9: {  	v27 =	vadd.s32 v0, v12;
	v30 =	vadd.s32 v0, v8;
	v57 =	vadd.s32 v0, v9;
	v0 =	vld [tilespmem:$0x1FE50]  }
0x1fa: {  	[tilespmem:v24+s19+$0x0] =	vst.idx.msk $0xffff, v21;
	v24 =	vld.idx.msk [tilespmem:v29+s17+$0x0], $0xffff;
	_ =	sdelay $0x1  }
0x1fb: {  	v22 =	vld.idx.msk [tilespmem:v22+s17+$0x0], $0xffff;
	v23 =	vor.u32 v18, v23  }
0x1fc: {  	v34 =	vor.u32 v15, v50;
	v28 =	vld.idx.msk [tilespmem:v48+s17+$0x0], $0xffff;
	v32 =	vor.u32 v10, v40;
	v23 =	vor.u32 v3, v23  }
0x1fd: {  	v29 =	vld.idx.msk [tilespmem:v31+s17+$0x0], $0xffff;
	v31 =	vor.u32 v3, v34;
	v40 =	vadd.s32 v0, v11;
	v37 =	vadd.s32 v0, v13  }
0x1fe: {  	v38 =	vadd.s32 v0, v14;
	[tilespmem:v27+s19+$0x0] =	vst.idx.msk $0xffff, v24;
	v24 =	vadd.s32 v0, v17;
	v0 =	vld [tilespmem:$0x1FCC0];
	_ =	sdelay $0x2  }
0x1ff: {  	v36 =	vor.u32 v19, v52;
	[tilespmem:v25+s19+$0x0] =	vst.idx.msk $0xffff, v22  }
0x200: {  	v36 =	vor.u32 v3, v36;
	v23 =	vld.idx.msk [tilespmem:v23+s17+$0x0], $0xffff;
	v24 =	vor.u32 v18, v24  }
0x201: {  	[tilespmem:v57+s19+$0x0] =	vst.idx.msk $0xffff, v28;
	v25 =	vld.idx.msk [tilespmem:v31+s17+$0x0], $0xffff;
	v24 =	vor.u32 v4, v24;
	v27 =	vadd.s32 v0, v16  }
0x202: {  	v28 =	vadd.s32 v0, v12;
	v31 =	vadd.s32 v0, v8;
	v48 =	vadd.s32 v0, v9;
	v0 =	vld [tilespmem:$0x1FE70];
	_ =	sdelay $0x2  }
0x203: {  	[tilespmem:v30+s19+$0x0] =	vst.idx.msk $0xffff, v29  }
0x204: {  	v29 =	vld.idx.msk [tilespmem:v36+s17+$0x0], $0xffff;
	[tilespmem:v27+s19+$0x0] =	vst.idx.msk $0xffff, v23  }
0x205: {  	v32 =	vor.u32 v3, v32;
	v50 =	vadd.s32 v0, v11;
	[tilespmem:v28+s19+$0x0] =	vst.idx.msk $0xffff, v25;
	v25 =	vld.idx.msk [tilespmem:v24+s17+$0x0], $0xffff  }
0x206: {  	v57 =	vadd.s32 v0, v13;
	v39 =	vadd.s32 v0, v14;
	v24 =	vadd.s32 v0, v17;
	v0 =	vld [tilespmem:$0x1FCD0];
	_ =	sdelay $0x2  }
0x207: {  	v37 =	vor.u32 v15, v37;
	v38 =	vor.u32 v19, v38  }
0x208: {  	v30 =	vld.idx.msk [tilespmem:v32+s17+$0x0], $0xffff;
	v34 =	vor.u32 v10, v40;
	v32 =	vor.u32 v4, v37;
	v52 =	vor.u32 v4, v38  }
0x209: {  	v3 =	vld [tilespmem:$0x1FE60];
	v34 =	vor.u32 v4, v34;
	[tilespmem:v48+s19+$0x0] =	vst.idx.msk $0xffff, v29;
	v28 =	vadd.s32 v0, v16  }
0x20a: {  	s30 =	sadd.s32 $0x1, s29;
	v29 =	vadd.s32 v0, v12;
	v33 =	vadd.s32 v0, v8;
	v48 =	vadd.s32 v0, v9;
	v0 =	vld [tilespmem:$0x1FE90]  }
0x20b: {  	v26 =	vmov s30  }
0x20c: {  	v22 =	vshll.u32 v26, $0x7  }
0x20d: {  	v23 =	vshrl.u32 v26, $0x3;
	v39 =	vor.u32 v19, v39;
	v27 =	vld.idx.msk [tilespmem:v32+s17+$0x0], $0xffff;
	v26 =	vor.u32 v18, v24  }
0x20e: {  	[tilespmem:v31+s19+$0x0] =	vst.idx.msk $0xffff, v30;
	v30 =	vld.idx.msk [tilespmem:v52+s17+$0x0], $0xffff;
	v52 =	vor.u32 v3, v39;
	v31 =	vor.u32 v3, v26  }
0x20f: {  	v32 =	vld.idx.msk [tilespmem:v34+s17+$0x0], $0xffff;
	v26 =	vor.u32 v10, v50;
	v36 =	vadd.s32 v0, v11;
	v40 =	vadd.s32 v0, v13  }
0x210: {  	v50 =	vadd.s32 v0, v14;
	[tilespmem:v28+s19+$0x0] =	vst.idx.msk $0xffff, v25;
	v25 =	vadd.s32 v0, v17;
	v0 =	vld [tilespmem:$0x1FCE0];
	_ =	sdelay $0x2  }
0x211: {  	v38 =	vor.u32 v15, v57;
	[tilespmem:v29+s19+$0x0] =	vst.idx.msk $0xffff, v27  }
0x212: {  	v34 =	vor.u32 v3, v38;
	[tilespmem:v48+s19+$0x0] =	vst.idx.msk $0xffff, v30;
	v48 =	vld [tilespmem:$0x1FE80]  }
0x213: {  	v35 =	vmov s29;
	v57 =	vor.u32 v3, v26;
	[tilespmem:v33+s19+$0x0] =	vst.idx.msk $0xffff, v32;
	v30 =	vld.idx.msk [tilespmem:v52+s17+$0x0], $0xffff;
	v28 =	vadd.s32 v0, v16  }
0x214: {  	v29 =	vadd.s32 v0, v12;
	v32 =	vadd.s32 v0, v8;
	v52 =	vadd.s32 v0, v9;
	v0 =	vld [tilespmem:$0x1FEB0]  }
0x215: {  	v20 =	vshll.u32 v35, $0x7  }
0x216: {  	v35 =	vshrl.u32 v35, $0x3;
	v4 =	vmovc v41;
	v3 =	vmovc v43;
	v43 =	vmov v42;
	v42 =	vand.u32 $0x280, v22;
	v22 =	vld.idx.msk [tilespmem:v31+s17+$0x0], $0xffff  }
0x217: {  	v40 =	vor.u32 v15, v40;
	v41 =	vor.u32 v19, v50;
	v27 =	vld.idx.msk [tilespmem:v34+s17+$0x0], $0xffff;
	v25 =	vor.u32 v18, v25  }
0x218: {  	v31 =	vld.idx.msk [tilespmem:v57+s17+$0x0], $0xffff;
	v36 =	vor.u32 v10, v36;
	v25 =	vor.u32 v48, v25;
	v33 =	vor.u32 v48, v40  }
0x219: {  	v57 =	vor.u32 v48, v41;
	v40 =	vor.u32 v48, v36;
	v37 =	vadd.s32 v0, v11  }
0x21a: {  	v20 =	vand.u32 $0x200, v20;
	s30 =	sadd.s32 $0x2, s29;
	v48 =	vadd.s32 v0, v13;
	v14 =	vadd.s32 v0, v14;
	[tilespmem:v52+s19+$0x0] =	vst.idx.msk $0xffff, v30;
	v52 =	vld [tilespmem:$0x1FEA0]  }
0x21b: {  	v24 =	vmov s30;
	[tilespmem:v28+s19+$0x0] =	vst.idx.msk $0xffff, v22;
	v50 =	vor.u32 v19, v14;
	v19 =	vadd.s32 v0, v17;
	v0 =	vld [tilespmem:$0x1FCF0]  }
0x21c: {  	v21 =	vmul.u32 $0xC00, v35;
	v35 =	vmul.u32 $0x1800, v35;
	v26 =	vshrl.u32 v24, $0x3;
	[tilespmem:v29+s19+$0x0] =	vst.idx.msk $0xffff, v27  }
0x21d: {  	p1 =	slt.u32 s29, $0x34;
	v41 =	vmov v4;
	v13 =	vmul.u32 $0x1800, v23;
	[tilespmem:v32+s19+$0x0] =	vst.idx.msk $0xffff, v31;
	v15 =	vor.u32 v15, v48;
	v22 =	vld.idx.msk [tilespmem:v25+s17+$0x0], $0xffff  }
.Ltmp2:
0x21e: {  	v11 =	vmovc v35;
	v14 =	vmul.u32 $0x1800, v26;
	v25 =	vld.idx.msk [tilespmem:v57+s17+$0x0], $0xffff;
	v57 =	vor.u32 v10, v37;
	v18 =	vor.u32 v18, v19;
	(pc) =	sbr.rel @p1 .LBB2_3-.Ltmp2, $4  }
0x21f: {  	v17 =	vld.idx.msk [tilespmem:v33+s17+$0x0], $0xffff;
	v33 =	vadd.s32 v47, v13;
	v32 =	vor.u32 v52, v18;
	v19 =	vor.u32 v52, v15  }
0x220: {  	v28 =	vld.idx.msk [tilespmem:v40+s17+$0x0], $0xffff;
	v18 =	vor.u32 v52, v50;
	v30 =	vadd.s32 v0, v16;
	v29 =	vadd.s32 v0, v12  }
0x221: {  	v4 =	vld [tilespmem:$0x1FE40];
	v10 =	vmovc v20;
	v27 =	vadd.s32 v0, v8;
	v31 =	vadd.s32 v0, v9;
	v0 =	vadd.s32 v47, v11  }
0x222: {  	s30 =	sadd.s32 $0x3, s29;
	s29 =	sadd.s32 $0x4, s29;
	v20 =	vor.u32 v52, v57;
	v15 =	vmovc v42;
	v42 =	vmovc v43;
	v43 =	vmov v3;
	v3 =	vld [tilespmem:$0x1FE20];
	v34 =	vor.u32 v10, v0  }
0x223: {  	_ =	sdelay $0x3  }
0x224: {  	[tilespmem:v30+s19+$0x0] =	vst.idx.msk $0xffff, v22  }
0x225: {  	v39 =	vld [tilespmem:$0x1FB90];
	_ =	sdelay $0x1  }
0x226: {  	v38 =	vld [tilespmem:$0x1FD00]  }
0x227: {  	v35 =	vmov s30  }
0x228: {  	v34 =	vor.u32 v49, v34;
	v33 =	vor.u32 v15, v33;
	v30 =	vshrl.u32 v35, $0x3  }
0x229: {  	v32 =	vld.idx.msk [tilespmem:v32+s17+$0x0], $0xffff;
	[tilespmem:v29+s19+$0x0] =	vst.idx.msk $0xffff, v17;
	v22 =	vmul.u32 $0x1800, v30;
	v37 =	vadd.s32 v39, v16  }
0x22a: {  	v17 =	vshll.u32 v35, $0x7;
	[tilespmem:v31+s19+$0x0] =	vst.idx.msk $0xffff, v25;
	v31 =	vor.u32 v49, v33;
	v16 =	vshll.u32 v24, $0x7  }
0x22b: {  	v29 =	vadd.s32 v38, v22;
	v24 =	vand.u32 $0x380, v17;
	v12 =	vadd.s32 v39, v12  }
0x22c: {  	v36 =	vadd.s32 v38, v14;
	v25 =	vand.u32 $0x300, v16;
	[tilespmem:$0x1FB30] =	vst v12;
	v12 =	vor.u32 v24, v29  }
0x22d: {  	v23 =	vmul.u32 $0xC00, v23;
	[tilespmem:v27+s19+$0x0] =	vst.idx.msk $0xffff, v28;
	v17 =	vor.u32 v25, v36;
	v27 =	vor.u32 v49, v12  }
0x22e: {  	v28 =	vor.u32 v49, v17;
	[tilespmem:v37+s19+$0x0] =	vst.idx.msk $0xffff, v32  }
0x22f: {  	v12 =	vor.u32 v10, v21;
	v17 =	vor.u32 v15, v23;
	v23 =	vmul.u32 $0xC00, v30;
	v0 =	vld [tilespmem:$0x1FD10]  }
0x230: {  	v21 =	vmul.u32 $0xC00, v26;
	v29 =	vld.idx.msk [tilespmem:v34+s17+$0x0], $0xffff;
	v26 =	vor.u32 v63, v12  }
0x231: {  	v31 =	vld.idx.msk [tilespmem:v31+s17+$0x0], $0xffff;
	v52 =	vor.u32 v63, v17;
	v23 =	vor.u32 v24, v23  }
0x232: {  	v53 =	vadd.s32 v51, v22;
	v21 =	vor.u32 v25, v21;
	v40 =	vor.u32 v63, v23;
	v27 =	vld.idx.msk [tilespmem:v27+s17+$0x0], $0xffff  }
0x233: {  	v33 =	vor.u32 v24, v53;
	v47 =	vor.u32 v63, v21;
	v28 =	vld.idx.msk [tilespmem:v28+s17+$0x0], $0xffff  }
0x234: {  	v33 =	vor.u32 v0, v33  }
0x235: {  	[tilespmem:v26+s19+$0x0] =	vst.idx.msk $0xffff, v29  }
0x236: {  	[tilespmem:v52+s19+$0x0] =	vst.idx.msk $0xffff, v31  }
0x237: {  	[tilespmem:v40+s19+$0x0] =	vst.idx.msk $0xffff, v27  }
0x238: {  	v30 =	vadd.s32 v51, v13;
	[tilespmem:v47+s19+$0x0] =	vst.idx.msk $0xffff, v28  }
0x239: {  	v30 =	vor.u32 v15, v30;
	v28 =	vld.idx.msk [tilespmem:v33+s17+$0x0], $0xffff  }
0x23a: {  	v30 =	vor.u32 v0, v30;
	v53 =	vld [tilespmem:$0x1FBA0];
	_ =	sdelay $0x3  }
0x23b: {  	v57 =	vadd.s32 v51, v14;
	v48 =	vadd.s32 v51, v11  }
0x23c: {  	v34 =	vor.u32 v25, v57;
	v26 =	vor.u32 v10, v48;
	v30 =	vld.idx.msk [tilespmem:v30+s17+$0x0], $0xffff;
	v57 =	vor.u32 v53, v23  }
0x23d: {  	v29 =	vor.u32 v0, v34;
	v26 =	vor.u32 v0, v26;
	v0 =	vld [tilespmem:$0x1FD20];
	v47 =	vor.u32 v53, v17;
	_ =	sdelay $0x2  }
0x23e: {  	v50 =	vadd.s32 v54, v13;
	v27 =	vadd.s32 v54, v22  }
0x23f: {  	v31 =	vor.u32 v15, v50;
	v27 =	vor.u32 v24, v27;
	[tilespmem:v57+s19+$0x0] =	vst.idx.msk $0xffff, v28  }
0x240: {  	v52 =	vadd.s32 v54, v14;
	v29 =	vld.idx.msk [tilespmem:v29+s17+$0x0], $0xffff;
	v27 =	vor.u32 v0, v27;
	[tilespmem:v47+s19+$0x0] =	vst.idx.msk $0xffff, v30  }
0x241: {  	v32 =	vor.u32 v25, v52;
	v35 =	vor.u32 v53, v21;
	v31 =	vor.u32 v0, v31;
	v57 =	vld [tilespmem:$0x1FBB0]  }
0x242: {  	v26 =	vld.idx.msk [tilespmem:v26+s17+$0x0], $0xffff;
	v50 =	vor.u32 v53, v12;
	v32 =	vor.u32 v0, v32;
	_ =	sdelay $0x2  }
0x243: {  	v27 =	vld.idx.msk [tilespmem:v27+s17+$0x0], $0xffff  }
0x244: {  	v48 =	vadd.s32 v54, v11;
	v31 =	vld.idx.msk [tilespmem:v31+s17+$0x0], $0xffff;
	[tilespmem:v35+s19+$0x0] =	vst.idx.msk $0xffff, v29;
	v30 =	vor.u32 v57, v23  }
0x245: {  	v36 =	vor.u32 v10, v48;
	[tilespmem:v50+s19+$0x0] =	vst.idx.msk $0xffff, v26;
	v26 =	vld.idx.msk [tilespmem:v32+s17+$0x0], $0xffff;
	v29 =	vor.u32 v57, v17  }
0x246: {  	v36 =	vor.u32 v0, v36;
	v0 =	vld [tilespmem:$0x1FD30];
	v48 =	vor.u32 v57, v21  }
0x247: {  	v53 =	vadd.s32 v56, v13  }
0x248: {  	v16 =	vmovc v39;
	v52 =	vadd.s32 v56, v11;
	v40 =	vadd.s32 v56, v14;
	v39 =	vor.u32 v15, v53  }
0x249: {  	v28 =	vor.u32 v25, v40;
	v47 =	vadd.s32 v56, v22;
	[tilespmem:v30+s19+$0x0] =	vst.idx.msk $0xffff, v27  }
0x24a: {  	v40 =	vor.u32 v10, v52;
	v33 =	vor.u32 v24, v47;
	[tilespmem:v29+s19+$0x0] =	vst.idx.msk $0xffff, v31  }
0x24b: {  	v53 =	vor.u32 v57, v12;
	v33 =	vor.u32 v0, v33;
	[tilespmem:v48+s19+$0x0] =	vst.idx.msk $0xffff, v26  }
0x24c: {  	v57 =	vor.u32 v0, v39;
	v28 =	vor.u32 v0, v28;
	v37 =	vor.u32 v0, v40;
	v0 =	vld [tilespmem:$0x1FBC0]  }
0x24d: {  	v50 =	vld.idx.msk [tilespmem:v36+s17+$0x0], $0xffff;
	_ =	sdelay $0x3  }
0x24e: {  	v26 =	vld.idx.msk [tilespmem:v33+s17+$0x0], $0xffff;
	v31 =	vor.u32 v0, v23  }
0x24f: {  	[tilespmem:v53+s19+$0x0] =	vst.idx.msk $0xffff, v50;
	v32 =	vld.idx.msk [tilespmem:v57+s17+$0x0], $0xffff;
	v33 =	vor.u32 v0, v17  }
0x250: {  	v48 =	vld [tilespmem:$0x1FD40];
	_ =	sdelay $0x2  }
0x251: {  	v52 =	vadd.s32 v61, v13;
	v29 =	vadd.s32 v61, v22;
	[tilespmem:v31+s19+$0x0] =	vst.idx.msk $0xffff, v26  }
0x252: {  	v30 =	vor.u32 v15, v52;
	v29 =	vor.u32 v24, v29;
	[tilespmem:v33+s19+$0x0] =	vst.idx.msk $0xffff, v32  }
0x253: {  	v34 =	vor.u32 v0, v12;
	v53 =	vor.u32 v0, v21;
	v29 =	vor.u32 v48, v29;
	v0 =	vld [tilespmem:$0x1FBD0]  }
0x254: {  	v28 =	vld.idx.msk [tilespmem:v28+s17+$0x0], $0xffff;
	v30 =	vor.u32 v48, v30;
	_ =	sdelay $0x2  }
0x255: {  	v37 =	vld.idx.msk [tilespmem:v37+s17+$0x0], $0xffff  }
0x256: {  	v47 =	vadd.s32 v61, v11;
	v27 =	vadd.s32 v61, v14;
	v29 =	vld.idx.msk [tilespmem:v29+s17+$0x0], $0xffff;
	v31 =	vor.u32 v0, v23  }
0x257: {  	v57 =	vor.u32 v10, v47;
	v30 =	vld.idx.msk [tilespmem:v30+s17+$0x0], $0xffff;
	[tilespmem:v53+s19+$0x0] =	vst.idx.msk $0xffff, v28;
	v28 =	vor.u32 v0, v17  }
0x258: {  	v27 =	vor.u32 v25, v27;
	v36 =	vor.u32 v48, v57;
	v57 =	vld [tilespmem:$0x1FD50]  }
0x259: {  	v27 =	vor.u32 v48, v27  }
0x25a: {  	v52 =	vadd.s32 v62, v14;
	[tilespmem:v34+s19+$0x0] =	vst.idx.msk $0xffff, v37  }
0x25b: {  	v50 =	vadd.s32 v62, v13;
	v26 =	vadd.s32 v62, v22;
	[tilespmem:v31+s19+$0x0] =	vst.idx.msk $0xffff, v29  }
0x25c: {  	v39 =	vor.u32 v15, v50;
	v26 =	vor.u32 v24, v26;
	[tilespmem:v28+s19+$0x0] =	vst.idx.msk $0xffff, v30  }
0x25d: {  	v33 =	vor.u32 v0, v21;
	v35 =	vor.u32 v0, v12;
	v26 =	vor.u32 v57, v26;
	v0 =	vld [tilespmem:$0x1FBE0]  }
0x25e: {  	v47 =	vadd.s32 v62, v11;
	v40 =	vor.u32 v25, v52;
	v27 =	vld.idx.msk [tilespmem:v27+s17+$0x0], $0xffff;
	v32 =	vor.u32 v57, v39  }
0x25f: {  	v53 =	vor.u32 v10, v47;
	v34 =	vld.idx.msk [tilespmem:v36+s17+$0x0], $0xffff;
	v47 =	vor.u32 v57, v40;
	_ =	sdelay $0x2  }
0x260: {  	v26 =	vld.idx.msk [tilespmem:v26+s17+$0x0], $0xffff;
	v28 =	vor.u32 v0, v23  }
0x261: {  	v31 =	vld.idx.msk [tilespmem:v32+s17+$0x0], $0xffff;
	[tilespmem:v33+s19+$0x0] =	vst.idx.msk $0xffff, v27;
	v27 =	vor.u32 v0, v17  }
0x262: {  	v52 =	vadd.s32 v45, v13;
	[tilespmem:v35+s19+$0x0] =	vst.idx.msk $0xffff, v34;
	v32 =	vld.idx.msk [tilespmem:v47+s17+$0x0], $0xffff;
	v33 =	vor.u32 v0, v21  }
0x263: {  	v39 =	vor.u32 v15, v52;
	v52 =	vld [tilespmem:$0x1FD60]  }
0x264: {  	v36 =	vor.u32 v57, v53  }
0x265: {  	[tilespmem:v28+s19+$0x0] =	vst.idx.msk $0xffff, v26  }
0x266: {  	v30 =	vadd.s32 v45, v22;
	[tilespmem:v27+s19+$0x0] =	vst.idx.msk $0xffff, v31  }
0x267: {  	v30 =	vor.u32 v24, v30;
	[tilespmem:v33+s19+$0x0] =	vst.idx.msk $0xffff, v32  }
0x268: {  	v35 =	vor.u32 v0, v12;
	v30 =	vor.u32 v52, v30;
	v0 =	vld [tilespmem:$0x1FBF0]  }
0x269: {  	v34 =	vld.idx.msk [tilespmem:v36+s17+$0x0], $0xffff;
	v36 =	vor.u32 v52, v39;
	_ =	sdelay $0x2  }
0x26a: {  	v53 =	vadd.s32 v45, v14  }
0x26b: {  	v29 =	vor.u32 v25, v53;
	v30 =	vld.idx.msk [tilespmem:v30+s17+$0x0], $0xffff;
	v31 =	vor.u32 v0, v23  }
0x26c: {  	v53 =	vadd.s32 v6, v13;
	[tilespmem:v35+s19+$0x0] =	vst.idx.msk $0xffff, v34;
	v32 =	vld.idx.msk [tilespmem:v36+s17+$0x0], $0xffff;
	v33 =	vor.u32 v0, v17  }
0x26d: {  	v28 =	vor.u32 v15, v53;
	v53 =	vld [tilespmem:$0x1FD70]  }
0x26e: {  	v29 =	vor.u32 v52, v29  }
0x26f: {  	v50 =	vadd.s32 v45, v11  }
0x270: {  	v47 =	vor.u32 v10, v50;
	v27 =	vadd.s32 v6, v22;
	[tilespmem:v31+s19+$0x0] =	vst.idx.msk $0xffff, v30  }
0x271: {  	v37 =	vor.u32 v52, v47;
	v27 =	vor.u32 v24, v27;
	[tilespmem:v33+s19+$0x0] =	vst.idx.msk $0xffff, v32  }
0x272: {  	v34 =	vor.u32 v0, v12;
	v35 =	vor.u32 v0, v21;
	v27 =	vor.u32 v53, v27;
	v0 =	vld [tilespmem:$0x1FC00]  }
0x273: {  	v29 =	vld.idx.msk [tilespmem:v29+s17+$0x0], $0xffff;
	v28 =	vor.u32 v53, v28;
	_ =	sdelay $0x1  }
0x274: {  	v50 =	vadd.s32 v6, v11  }
0x275: {  	v47 =	vor.u32 v10, v50;
	v37 =	vld.idx.msk [tilespmem:v37+s17+$0x0], $0xffff  }
0x276: {  	v26 =	vadd.s32 v6, v14;
	v36 =	vor.u32 v53, v47;
	v27 =	vld.idx.msk [tilespmem:v27+s17+$0x0], $0xffff;
	v31 =	vor.u32 v0, v23  }
0x277: {  	v47 =	vadd.s32 v46, v14;
	v28 =	vld.idx.msk [tilespmem:v28+s17+$0x0], $0xffff;
	[tilespmem:v35+s19+$0x0] =	vst.idx.msk $0xffff, v29;
	v29 =	vor.u32 v0, v17  }
0x278: {  	v26 =	vor.u32 v25, v26;
	v40 =	vor.u32 v25, v47;
	v47 =	vld [tilespmem:$0x1FD80]  }
0x279: {  	v26 =	vor.u32 v53, v26  }
0x27a: {  	[tilespmem:v34+s19+$0x0] =	vst.idx.msk $0xffff, v37  }
0x27b: {  	v50 =	vadd.s32 v46, v13;
	v30 =	vadd.s32 v46, v22;
	[tilespmem:v31+s19+$0x0] =	vst.idx.msk $0xffff, v27  }
0x27c: {  	v39 =	vor.u32 v15, v50;
	v30 =	vor.u32 v24, v30;
	[tilespmem:v29+s19+$0x0] =	vst.idx.msk $0xffff, v28  }
0x27d: {  	v33 =	vor.u32 v0, v21;
	v35 =	vor.u32 v0, v12;
	v30 =	vor.u32 v47, v30;
	v0 =	vld [tilespmem:$0x1FC10]  }
0x27e: {  	v26 =	vld.idx.msk [tilespmem:v26+s17+$0x0], $0xffff;
	v32 =	vor.u32 v47, v39  }
0x27f: {  	v37 =	vor.u32 v47, v40;
	_ =	sdelay $0x1  }
0x280: {  	v34 =	vld.idx.msk [tilespmem:v36+s17+$0x0], $0xffff  }
0x281: {  	v38 =	vadd.s32 v46, v11;
	v28 =	vld.idx.msk [tilespmem:v30+s17+$0x0], $0xffff;
	v29 =	vadd.s32 v0, v23  }
0x282: {  	v50 =	vor.u32 v10, v38;
	v31 =	vld.idx.msk [tilespmem:v32+s17+$0x0], $0xffff;
	[tilespmem:v33+s19+$0x0] =	vst.idx.msk $0xffff, v26;
	v26 =	vadd.s32 v0, v17  }
0x283: {  	v36 =	vor.u32 v47, v50;
	v32 =	vld.idx.msk [tilespmem:v37+s17+$0x0], $0xffff;
	v33 =	vadd.s32 v0, v21;
	_ =	sdelay $0x1  }
0x284: {  	[tilespmem:v35+s19+$0x0] =	vst.idx.msk $0xffff, v34  }
0x285: {  	v30 =	vadd.s32 v44, v22;
	[tilespmem:v29+s19+$0x0] =	vst.idx.msk $0xffff, v28  }
0x286: {  	v47 =	vadd.s32 v44, v13;
	v30 =	vor.u32 v24, v30;
	[tilespmem:v26+s19+$0x0] =	vst.idx.msk $0xffff, v31  }
0x287: {  	v39 =	vor.u32 v15, v47;
	v34 =	vld.idx.msk [tilespmem:v36+s17+$0x0], $0xffff;
	v30 =	vor.u32 v55, v30;
	[tilespmem:v33+s19+$0x0] =	vst.idx.msk $0xffff, v32  }
0x288: {  	v36 =	vor.u32 v55, v39;
	v35 =	vadd.s32 v0, v12;
	v0 =	vld [tilespmem:$0x1FC20];
	_ =	sdelay $0x3  }
0x289: {  	v30 =	vld.idx.msk [tilespmem:v30+s17+$0x0], $0xffff  }
0x28a: {  	v50 =	vadd.s32 v44, v14;
	[tilespmem:v35+s19+$0x0] =	vst.idx.msk $0xffff, v34;
	v32 =	vld.idx.msk [tilespmem:v36+s17+$0x0], $0xffff;
	v31 =	vadd.s32 v0, v23  }
0x28b: {  	v38 =	vadd.s32 v44, v11;
	v27 =	vor.u32 v25, v50;
	v34 =	vld [tilespmem:$0x1FD90];
	v33 =	vadd.s32 v0, v17  }
0x28c: {  	v47 =	vor.u32 v10, v38;
	v50 =	vadd.s32 v2, v11;
	v27 =	vor.u32 v55, v27;
	v35 =	vld [tilespmem:$0x1FD90]  }
0x28d: {  	v37 =	vor.u32 v55, v47;
	v47 =	vadd.s32 v2, v13;
	v28 =	vadd.s32 v2, v14  }
0x28e: {  	v26 =	vor.u32 v25, v28;
	v28 =	vadd.s32 v2, v22;
	v36 =	vor.u32 v10, v50;
	v50 =	vld [tilespmem:$0x1FD90]  }
0x28f: {  	v29 =	vor.u32 v15, v47;
	v28 =	vor.u32 v24, v28;
	v47 =	vld [tilespmem:$0x1FD90];
	[tilespmem:v31+s19+$0x0] =	vst.idx.msk $0xffff, v30  }
0x290: {  	v28 =	vor.u32 v34, v28;
	[tilespmem:v33+s19+$0x0] =	vst.idx.msk $0xffff, v32  }
0x291: {  	v34 =	vadd.s32 v0, v12;
	v29 =	vor.u32 v35, v29;
	v35 =	vadd.s32 v0, v21;
	v0 =	vld [tilespmem:$0x1FC30]  }
0x292: {  	v27 =	vld.idx.msk [tilespmem:v27+s17+$0x0], $0xffff;
	_ =	sdelay $0x2  }
0x293: {  	v37 =	vld.idx.msk [tilespmem:v37+s17+$0x0], $0xffff  }
0x294: {  	v28 =	vld.idx.msk [tilespmem:v28+s17+$0x0], $0xffff;
	v31 =	vadd.s32 v0, v23  }
0x295: {  	v29 =	vld.idx.msk [tilespmem:v29+s17+$0x0], $0xffff;
	[tilespmem:v35+s19+$0x0] =	vst.idx.msk $0xffff, v27;
	v27 =	vadd.s32 v0, v17;
	_ =	sdelay $0x1  }
0x296: {  	v55 =	vadd.s32 v60, v13;
	v26 =	vor.u32 v50, v26  }
0x297: {  	v39 =	vor.u32 v15, v55;
	[tilespmem:v34+s19+$0x0] =	vst.idx.msk $0xffff, v37  }
0x298: {  	v36 =	vor.u32 v47, v36;
	v30 =	vadd.s32 v60, v22;
	[tilespmem:v31+s19+$0x0] =	vst.idx.msk $0xffff, v28  }
0x299: {  	v50 =	vadd.s32 v60, v14;
	v30 =	vor.u32 v24, v30;
	[tilespmem:v27+s19+$0x0] =	vst.idx.msk $0xffff, v29  }
0x29a: {  	v30 =	vor.u32 v1, v30;
	v33 =	vadd.s32 v0, v21;
	v35 =	vadd.s32 v0, v12;
	v0 =	vld [tilespmem:$0x1FC40]  }
0x29b: {  	v40 =	vor.u32 v25, v50;
	v32 =	vor.u32 v1, v39;
	v26 =	vld.idx.msk [tilespmem:v26+s17+$0x0], $0xffff  }
0x29c: {  	v38 =	vadd.s32 v60, v11;
	v60 =	vor.u32 v1, v40;
	_ =	sdelay $0x1  }
0x29d: {  	v34 =	vld.idx.msk [tilespmem:v36+s17+$0x0], $0xffff  }
0x29e: {  	v27 =	vld.idx.msk [tilespmem:v30+s17+$0x0], $0xffff;
	v29 =	vadd.s32 v0, v23  }
0x29f: {  	v31 =	vld.idx.msk [tilespmem:v32+s17+$0x0], $0xffff;
	[tilespmem:v33+s19+$0x0] =	vst.idx.msk $0xffff, v26;
	v26 =	vadd.s32 v0, v17  }
0x2a0: {  	v32 =	vld.idx.msk [tilespmem:v60+s17+$0x0], $0xffff;
	v33 =	vadd.s32 v0, v21;
	_ =	sdelay $0x1  }
0x2a1: {  	[tilespmem:v35+s19+$0x0] =	vst.idx.msk $0xffff, v34  }
0x2a2: {  	v55 =	vor.u32 v10, v38;
	[tilespmem:v29+s19+$0x0] =	vst.idx.msk $0xffff, v27  }
0x2a3: {  	v50 =	vadd.s32 v5, v13;
	v30 =	vadd.s32 v5, v22;
	[tilespmem:v26+s19+$0x0] =	vst.idx.msk $0xffff, v31  }
0x2a4: {  	v36 =	vor.u32 v1, v55;
	v30 =	vor.u32 v24, v30;
	[tilespmem:v33+s19+$0x0] =	vst.idx.msk $0xffff, v32  }
0x2a5: {  	v39 =	vor.u32 v15, v50;
	v30 =	vor.u32 v59, v30;
	v35 =	vadd.s32 v0, v12;
	v0 =	vld [tilespmem:$0x1FC50]  }
0x2a6: {  	v60 =	vor.u32 v59, v39;
	_ =	sdelay $0x2  }
0x2a7: {  	v34 =	vld.idx.msk [tilespmem:v36+s17+$0x0], $0xffff  }
0x2a8: {  	v30 =	vld.idx.msk [tilespmem:v30+s17+$0x0], $0xffff;
	v31 =	vadd.s32 v0, v23  }
0x2a9: {  	v47 =	vadd.s32 v5, v11;
	v55 =	vadd.s32 v5, v14;
	v32 =	vld.idx.msk [tilespmem:v60+s17+$0x0], $0xffff;
	v33 =	vadd.s32 v0, v17  }
0x2aa: {  	v47 =	vor.u32 v10, v47;
	v28 =	vor.u32 v25, v55  }
0x2ab: {  	v37 =	vor.u32 v59, v47;
	v28 =	vor.u32 v59, v28  }
0x2ac: {  	v55 =	vadd.s32 v7, v13;
	v27 =	vadd.s32 v7, v14;
	[tilespmem:v35+s19+$0x0] =	vst.idx.msk $0xffff, v34  }
0x2ad: {  	v26 =	vor.u32 v25, v27;
	v27 =	vadd.s32 v7, v22;
	[tilespmem:v31+s19+$0x0] =	vst.idx.msk $0xffff, v30  }
0x2ae: {  	v29 =	vor.u32 v15, v55;
	v27 =	vor.u32 v24, v27;
	[tilespmem:v33+s19+$0x0] =	vst.idx.msk $0xffff, v32  }
0x2af: {  	v27 =	vor.u32 v58, v27;
	v34 =	vadd.s32 v0, v12;
	v59 =	vadd.s32 v0, v21;
	v0 =	vld [tilespmem:$0x1FC60]  }
0x2b0: {  	v28 =	vld.idx.msk [tilespmem:v28+s17+$0x0], $0xffff;
	v29 =	vor.u32 v58, v29;
	_ =	sdelay $0x2  }
0x2b1: {  	v37 =	vld.idx.msk [tilespmem:v37+s17+$0x0], $0xffff  }
0x2b2: {  	v50 =	vadd.s32 v7, v11;
	v27 =	vld.idx.msk [tilespmem:v27+s17+$0x0], $0xffff;
	v31 =	vadd.s32 v0, v23  }
0x2b3: {  	v26 =	vor.u32 v58, v26;
	v29 =	vld.idx.msk [tilespmem:v29+s17+$0x0], $0xffff;
	[tilespmem:v59+s19+$0x0] =	vst.idx.msk $0xffff, v28;
	v28 =	vadd.s32 v0, v17  }
0x2b4: {  	v60 =	vor.u32 v10, v50  }
0x2b5: {  	v55 =	vadd.s32 v43, v14;
	v36 =	vor.u32 v58, v60  }
0x2b6: {  	v50 =	vadd.s32 v43, v13;
	v30 =	vadd.s32 v43, v22;
	[tilespmem:v34+s19+$0x0] =	vst.idx.msk $0xffff, v37  }
0x2b7: {  	v40 =	vor.u32 v25, v55;
	v30 =	vor.u32 v24, v30;
	v55 =	vld [tilespmem:$0x1FEC0];
	[tilespmem:v31+s19+$0x0] =	vst.idx.msk $0xffff, v27  }
0x2b8: {  	v39 =	vor.u32 v15, v50;
	v30 =	vor.u32 v42, v30;
	v26 =	vld.idx.msk [tilespmem:v26+s17+$0x0], $0xffff;
	[tilespmem:v28+s19+$0x0] =	vst.idx.msk $0xffff, v29  }
0x2b9: {  	v32 =	vor.u32 v42, v39;
	v33 =	vadd.s32 v0, v21;
	v35 =	vadd.s32 v0, v12;
	v0 =	vld [tilespmem:$0x1FC70]  }
0x2ba: {  	v60 =	vor.u32 v42, v40;
	v34 =	vld.idx.msk [tilespmem:v36+s17+$0x0], $0xffff;
	_ =	sdelay $0x2  }
0x2bb: {  	v28 =	vld.idx.msk [tilespmem:v30+s17+$0x0], $0xffff  }
0x2bc: {  	v47 =	vadd.s32 v43, v11;
	v31 =	vld.idx.msk [tilespmem:v32+s17+$0x0], $0xffff;
	[tilespmem:v33+s19+$0x0] =	vst.idx.msk $0xffff, v26;
	v29 =	vadd.s32 v0, v23  }
0x2bd: {  	v59 =	vor.u32 v10, v47;
	[tilespmem:v35+s19+$0x0] =	vst.idx.msk $0xffff, v34;
	v32 =	vld.idx.msk [tilespmem:v60+s17+$0x0], $0xffff;
	v26 =	vadd.s32 v0, v17  }
0x2be: {  	v36 =	vor.u32 v42, v59;
	v33 =	vadd.s32 v0, v21;
	v35 =	vadd.s32 v0, v12;
	v0 =	vld [tilespmem:$0x1FED0]  }
0x2bf: {  	v47 =	vadd.s32 v55, v11;
	v50 =	vadd.s32 v55, v13;
	v59 =	vadd.s32 v55, v14  }
0x2c0: {  	v39 =	vor.u32 v15, v50;
	v50 =	vor.u32 v10, v47;
	v30 =	vadd.s32 v55, v22  }
0x2c1: {  	v27 =	vor.u32 v25, v59;
	v30 =	vor.u32 v24, v30;
	[tilespmem:v29+s19+$0x0] =	vst.idx.msk $0xffff, v28  }
0x2c2: {  	v60 =	vor.u32 v41, v39;
	v30 =	vor.u32 v41, v30;
	[tilespmem:v26+s19+$0x0] =	vst.idx.msk $0xffff, v31  }
0x2c3: {  	v34 =	vld.idx.msk [tilespmem:v36+s17+$0x0], $0xffff;
	v59 =	vadd.s32 v0, v11;
	v28 =	vadd.s32 v0, v14;
	[tilespmem:v33+s19+$0x0] =	vst.idx.msk $0xffff, v32  }
0x2c4: {  	v47 =	vadd.s32 v0, v13;
	v26 =	vor.u32 v25, v28;
	v28 =	vadd.s32 v0, v22;
	v0 =	vld [tilespmem:$0x1FC80];
	_ =	sdelay $0x3  }
0x2c5: {  	v30 =	vld.idx.msk [tilespmem:v30+s17+$0x0], $0xffff  }
0x2c6: {  	[tilespmem:v35+s19+$0x0] =	vst.idx.msk $0xffff, v34;
	v32 =	vld.idx.msk [tilespmem:v60+s17+$0x0], $0xffff;
	v31 =	vadd.s32 v0, v23  }
0x2c7: {  	v27 =	vor.u32 v41, v27;
	v60 =	vld [tilespmem:$0x1FEE0];
	v33 =	vadd.s32 v0, v17;
	_ =	sdelay $0x2  }
0x2c8: {  	v37 =	vor.u32 v41, v50;
	v28 =	vor.u32 v24, v28  }
0x2c9: {  	v34 =	vadd.s32 v0, v12;
	v35 =	vadd.s32 v0, v21;
	v0 =	vld [tilespmem:$0x1FF70];
	[tilespmem:v31+s19+$0x0] =	vst.idx.msk $0xffff, v30  }
0x2ca: {  	v27 =	vld.idx.msk [tilespmem:v27+s17+$0x0], $0xffff;
	v50 =	vor.u32 v10, v59;
	v28 =	vor.u32 v60, v28;
	[tilespmem:v33+s19+$0x0] =	vst.idx.msk $0xffff, v32  }
0x2cb: {  	v29 =	vor.u32 v15, v47;
	v36 =	vor.u32 v60, v50;
	v50 =	vld [tilespmem:$0x1FC90]  }
0x2cc: {  	v29 =	vor.u32 v60, v29;
	_ =	sdelay $0x1  }
0x2cd: {  	v37 =	vld.idx.msk [tilespmem:v37+s17+$0x0], $0xffff;
	v26 =	vor.u32 v60, v26  }
0x2ce: {  	v38 =	vadd.s32 v0, v11;
	v59 =	vadd.s32 v0, v13;
	v28 =	vld.idx.msk [tilespmem:v28+s17+$0x0], $0xffff;
	[tilespmem:v35+s19+$0x0] =	vst.idx.msk $0xffff, v27  }
0x2cf: {  	v47 =	vadd.s32 v0, v14;
	v30 =	vadd.s32 v0, v22;
	v0 =	vld [tilespmem:$0x1FF60];
	v31 =	vadd.s32 v50, v23  }
0x2d0: {  	v29 =	vld.idx.msk [tilespmem:v29+s17+$0x0], $0xffff;
	v27 =	vadd.s32 v50, v17;
	_ =	sdelay $0x1  }
0x2d1: {  	v39 =	vor.u32 v15, v59;
	v40 =	vor.u32 v25, v47  }
0x2d2: {  	v30 =	vor.u32 v24, v30;
	[tilespmem:v34+s19+$0x0] =	vst.idx.msk $0xffff, v37;
	v26 =	vld.idx.msk [tilespmem:v26+s17+$0x0], $0xffff;
	v33 =	vadd.s32 v50, v21  }
0x2d3: {  	v35 =	vadd.s32 v50, v12;
	v50 =	vld [tilespmem:$0x1FE10];
	v30 =	vor.u32 v0, v30;
	[tilespmem:v31+s19+$0x0] =	vst.idx.msk $0xffff, v28  }
0x2d4: {  	v59 =	vor.u32 v10, v38;
	v34 =	vld.idx.msk [tilespmem:v36+s17+$0x0], $0xffff;
	v32 =	vor.u32 v0, v39;
	[tilespmem:v27+s19+$0x0] =	vst.idx.msk $0xffff, v29  }
0x2d5: {  	v37 =	vor.u32 v0, v40;
	v36 =	vor.u32 v0, v59;
	v0 =	vld [tilespmem:$0x1FCA0];
	_ =	sdelay $0x2  }
0x2d6: {  	v27 =	vld.idx.msk [tilespmem:v30+s17+$0x0], $0xffff;
	[tilespmem:v33+s19+$0x0] =	vst.idx.msk $0xffff, v26  }
0x2d7: {  	v59 =	vadd.s32 v50, v14;
	v31 =	vld.idx.msk [tilespmem:v32+s17+$0x0], $0xffff;
	[tilespmem:v35+s19+$0x0] =	vst.idx.msk $0xffff, v34  }
0x2d8: {  	v28 =	vor.u32 v25, v59;
	v59 =	vld [tilespmem:$0x1FF30];
	v29 =	vadd.s32 v0, v23  }
0x2d9: {  	v32 =	vld.idx.msk [tilespmem:v37+s17+$0x0], $0xffff;
	v26 =	vadd.s32 v0, v17  }
0x2da: {  	v33 =	vadd.s32 v0, v21;
	v35 =	vadd.s32 v0, v12;
	v0 =	vld [tilespmem:$0x1FE30]  }
0x2db: {  	v47 =	vadd.s32 v50, v13;
	v30 =	vadd.s32 v50, v22  }
0x2dc: {  	v38 =	vadd.s32 v50, v11;
	v39 =	vor.u32 v15, v47;
	v30 =	vor.u32 v24, v30  }
0x2dd: {  	v47 =	vor.u32 v10, v38;
	v30 =	vor.u32 v59, v30;
	[tilespmem:v29+s19+$0x0] =	vst.idx.msk $0xffff, v27  }
0x2de: {  	v34 =	vld.idx.msk [tilespmem:v36+s17+$0x0], $0xffff;
	v36 =	vor.u32 v59, v39;
	v37 =	vor.u32 v59, v47;
	[tilespmem:v26+s19+$0x0] =	vst.idx.msk $0xffff, v31  }
0x2df: {  	v50 =	vadd.s32 v0, v11;
	v27 =	vadd.s32 v0, v14;
	[tilespmem:v33+s19+$0x0] =	vst.idx.msk $0xffff, v32  }
0x2e0: {  	v47 =	vadd.s32 v0, v13;
	v26 =	vor.u32 v25, v27;
	v27 =	vadd.s32 v0, v22;
	v0 =	vld [tilespmem:$0x1FCB0];
	_ =	sdelay $0x3  }
0x2e1: {  	v30 =	vld.idx.msk [tilespmem:v30+s17+$0x0], $0xffff  }
0x2e2: {  	[tilespmem:v35+s19+$0x0] =	vst.idx.msk $0xffff, v34;
	v32 =	vld.idx.msk [tilespmem:v36+s17+$0x0], $0xffff;
	v31 =	vadd.s32 v0, v23  }
0x2e3: {  	v33 =	vadd.s32 v0, v17;
	v34 =	vadd.s32 v0, v12;
	v35 =	vadd.s32 v0, v21;
	v0 =	vld [tilespmem:$0x1FE50];
	_ =	sdelay $0x1  }
0x2e4: {  	v28 =	vor.u32 v59, v28  }
0x2e5: {  	v29 =	vor.u32 v15, v47;
	v50 =	vor.u32 v10, v50  }
0x2e6: {  	v27 =	vor.u32 v24, v27;
	v36 =	vor.u32 v3, v50;
	[tilespmem:v31+s19+$0x0] =	vst.idx.msk $0xffff, v30  }
0x2e7: {  	v27 =	vor.u32 v3, v27;
	v38 =	vadd.s32 v0, v11;
	[tilespmem:v33+s19+$0x0] =	vst.idx.msk $0xffff, v32  }
0x2e8: {  	v47 =	vadd.s32 v0, v13;
	v50 =	vadd.s32 v0, v14;
	v30 =	vadd.s32 v0, v22;
	v0 =	vld [tilespmem:$0x1FCC0]  }
0x2e9: {  	v28 =	vld.idx.msk [tilespmem:v28+s17+$0x0], $0xffff;
	v29 =	vor.u32 v3, v29;
	_ =	sdelay $0x2  }
0x2ea: {  	v37 =	vld.idx.msk [tilespmem:v37+s17+$0x0], $0xffff  }
0x2eb: {  	v27 =	vld.idx.msk [tilespmem:v27+s17+$0x0], $0xffff;
	v31 =	vadd.s32 v0, v23  }
0x2ec: {  	v26 =	vor.u32 v3, v26;
	v29 =	vld.idx.msk [tilespmem:v29+s17+$0x0], $0xffff;
	[tilespmem:v35+s19+$0x0] =	vst.idx.msk $0xffff, v28;
	v28 =	vadd.s32 v0, v17;
	_ =	sdelay $0x2  }
0x2ed: {  	[tilespmem:v34+s19+$0x0] =	vst.idx.msk $0xffff, v37  }
0x2ee: {  	v40 =	vor.u32 v25, v50;
	v30 =	vor.u32 v24, v30;
	v50 =	vld [tilespmem:$0x1FE70];
	[tilespmem:v31+s19+$0x0] =	vst.idx.msk $0xffff, v27  }
0x2ef: {  	v39 =	vor.u32 v15, v47;
	v30 =	vor.u32 v4, v30;
	v26 =	vld.idx.msk [tilespmem:v26+s17+$0x0], $0xffff;
	[tilespmem:v28+s19+$0x0] =	vst.idx.msk $0xffff, v29  }
0x2f0: {  	v32 =	vor.u32 v4, v39;
	v33 =	vadd.s32 v0, v21;
	v35 =	vadd.s32 v0, v12;
	v0 =	vld [tilespmem:$0x1FCD0]  }
0x2f1: {  	v34 =	vld.idx.msk [tilespmem:v36+s17+$0x0], $0xffff;
	v37 =	vor.u32 v4, v40;
	_ =	sdelay $0x2  }
0x2f2: {  	v47 =	vor.u32 v10, v38;
	v28 =	vld.idx.msk [tilespmem:v30+s17+$0x0], $0xffff  }
0x2f3: {  	v36 =	vor.u32 v4, v47;
	v31 =	vld.idx.msk [tilespmem:v32+s17+$0x0], $0xffff;
	[tilespmem:v33+s19+$0x0] =	vst.idx.msk $0xffff, v26;
	v29 =	vadd.s32 v0, v23  }
0x2f4: {  	v47 =	vadd.s32 v50, v14;
	[tilespmem:v35+s19+$0x0] =	vst.idx.msk $0xffff, v34;
	v32 =	vld.idx.msk [tilespmem:v37+s17+$0x0], $0xffff;
	v26 =	vadd.s32 v0, v17  }
0x2f5: {  	v27 =	vor.u32 v25, v47;
	v47 =	vld [tilespmem:$0x1FE60];
	v33 =	vadd.s32 v0, v21;
	_ =	sdelay $0x2  }
0x2f6: {  	v30 =	vadd.s32 v50, v22;
	v35 =	vadd.s32 v0, v12;
	v0 =	vld [tilespmem:$0x1FE90];
	[tilespmem:v29+s19+$0x0] =	vst.idx.msk $0xffff, v28  }
0x2f7: {  	v39 =	vadd.s32 v50, v13;
	v30 =	vor.u32 v24, v30;
	[tilespmem:v26+s19+$0x0] =	vst.idx.msk $0xffff, v31  }
0x2f8: {  	v39 =	vor.u32 v15, v39;
	v34 =	vld.idx.msk [tilespmem:v36+s17+$0x0], $0xffff;
	v30 =	vor.u32 v47, v30;
	[tilespmem:v33+s19+$0x0] =	vst.idx.msk $0xffff, v32  }
0x2f9: {  	v38 =	vadd.s32 v50, v11;
	v36 =	vor.u32 v47, v39;
	v50 =	vld [tilespmem:$0x1FCE0]  }
0x2fa: {  	v27 =	vor.u32 v47, v27  }
0x2fb: {  	v40 =	vor.u32 v10, v38  }
0x2fc: {  	v37 =	vor.u32 v47, v40  }
0x2fd: {  	v38 =	vadd.s32 v0, v11;
	v30 =	vld.idx.msk [tilespmem:v30+s17+$0x0], $0xffff  }
0x2fe: {  	v47 =	vadd.s32 v0, v13;
	v28 =	vadd.s32 v0, v14;
	v32 =	vld.idx.msk [tilespmem:v36+s17+$0x0], $0xffff;
	v31 =	vadd.s32 v50, v23  }
0x2ff: {  	v29 =	vor.u32 v15, v47;
	[tilespmem:v35+s19+$0x0] =	vst.idx.msk $0xffff, v34;
	v27 =	vld.idx.msk [tilespmem:v27+s17+$0x0], $0xffff;
	v33 =	vadd.s32 v50, v17  }
0x300: {  	v26 =	vor.u32 v25, v28;
	v28 =	vadd.s32 v0, v22;
	v0 =	vld [tilespmem:$0x1FE80];
	v47 =	vadd.s32 v50, v21  }
0x301: {  	v37 =	vld.idx.msk [tilespmem:v37+s17+$0x0], $0xffff;
	v40 =	vadd.s32 v50, v12;
	_ =	sdelay $0x1  }
0x302: {  	v50 =	vor.u32 v10, v38;
	v38 =	vld [tilespmem:$0x1FEB0];
	[tilespmem:v31+s19+$0x0] =	vst.idx.msk $0xffff, v30  }
0x303: {  	v28 =	vor.u32 v24, v28;
	[tilespmem:v33+s19+$0x0] =	vst.idx.msk $0xffff, v32  }
0x304: {  	v28 =	vor.u32 v0, v28;
	v29 =	vor.u32 v0, v29;
	v30 =	vld [tilespmem:$0x1FCF0];
	[tilespmem:v47+s19+$0x0] =	vst.idx.msk $0xffff, v27  }
0x305: {  	v26 =	vor.u32 v0, v26;
	v36 =	vor.u32 v0, v50;
	v0 =	vld [tilespmem:$0x1FEA0];
	[tilespmem:v40+s19+$0x0] =	vst.idx.msk $0xffff, v37  }
0x306: {  	v9 =	vadd.s32 v16, v9;
	v31 =	vmov v16;
	v16 =	vld [tilespmem:$0x1FB30];
	_ =	sdelay $0x1  }
0x307: {  	v13 =	vadd.s32 v38, v13  }
0x308: {  	v14 =	vadd.s32 v38, v14;
	v13 =	vor.u32 v15, v13;
	v15 =	vld.idx.msk [tilespmem:v19+s17+$0x0], $0xffff;
	v19 =	vadd.s32 v38, v22  }
0x309: {  	v14 =	vor.u32 v25, v14;
	v22 =	vld.idx.msk [tilespmem:v28+s17+$0x0], $0xffff;
	v19 =	vor.u32 v24, v19;
	v25 =	vadd.s32 v30, v23  }
0x30a: {  	v24 =	vld.idx.msk [tilespmem:v29+s17+$0x0], $0xffff;
	v27 =	vadd.s32 v30, v17;
	v19 =	vor.u32 v0, v19  }
0x30b: {  	v11 =	vadd.s32 v38, v11;
	v26 =	vld.idx.msk [tilespmem:v26+s17+$0x0], $0xffff;
	v28 =	vadd.s32 v30, v21;
	v13 =	vor.u32 v0, v13  }
0x30c: {  	v10 =	vor.u32 v10, v11;
	v29 =	vld.idx.msk [tilespmem:v36+s17+$0x0], $0xffff;
	v30 =	vadd.s32 v30, v12;
	v11 =	vor.u32 v0, v14  }
0x30d: {  	v14 =	vld.idx.msk [tilespmem:v18+s17+$0x0], $0xffff;
	v10 =	vor.u32 v0, v10;
	[tilespmem:v16+s19+$0x0] =	vst.idx.msk $0xffff, v15  }
0x30e: {  	v8 =	vadd.s32 v31, v8;
	v15 =	vld.idx.msk [tilespmem:v20+s17+$0x0], $0xffff;
	[tilespmem:v25+s19+$0x0] =	vst.idx.msk $0xffff, v22  }
0x30f: {  	v18 =	vadd.s32 v31, v23;
	[tilespmem:v27+s19+$0x0] =	vst.idx.msk $0xffff, v24;
	v16 =	vld.idx.msk [tilespmem:v19+s17+$0x0], $0xffff  }
0x310: {  	v17 =	vadd.s32 v31, v17;
	[tilespmem:v28+s19+$0x0] =	vst.idx.msk $0xffff, v26;
	v13 =	vld.idx.msk [tilespmem:v13+s17+$0x0], $0xffff  }
0x311: {  	[tilespmem:v30+s19+$0x0] =	vst.idx.msk $0xffff, v29;
	v11 =	vld.idx.msk [tilespmem:v11+s17+$0x0], $0xffff;
	v19 =	vadd.s32 v31, v21  }
0x312: {  	[tilespmem:v9+s19+$0x0] =	vst.idx.msk $0xffff, v14;
	v9 =	vld.idx.msk [tilespmem:v10+s17+$0x0], $0xffff;
	v10 =	vadd.s32 v31, v12  }
0x313: {  	[tilespmem:v8+s19+$0x0] =	vst.idx.msk $0xffff, v15  }
0x314: {  	s28 =	sshrl.u32 s28, $0x3;
	p1 =	seq.s32 s25, $0xD;
	[tilespmem:v18+s19+$0x0] =	vst.idx.msk $0xffff, v16  }
0x315: {  	s28 =	smul.u32 $0x180, s28;
	s29 =	sadd.s32 @!p1 s26, s11;
	[tilespmem:v17+s19+$0x0] =	vst.idx.msk $0xffff, v13  }
0x316: {  	s29 =	sshrl.u32 @!p1 s29, $0x3;
	[tilespmem:v19+s19+$0x0] =	vst.idx.msk $0xffff, v11  }
0x317: {  	s30 =	simm.s32 $0x0;
	s28 =	sadd.s32 s3, s28;
	s29 =	smul.u32 @!p1 $0x300, s29;
	[tilespmem:v10+s19+$0x0] =	vst.idx.msk $0xffff, v9  }
0x318: {  	[hbm4b:s28+s4] =	stream.linear.scatter [tilespmem:s19], [sflag:$0x3], $0x5400, $0x38;
	[tilespmem:$0x1F980] =	vst v63  }
0x319: {  	v8 =	vmov s30;
	s30 =	simm.s32 @!p1 $0x180;
	s28 =	sadd.s32 @!p1 s1, s29;
	s29 =	simm.s32 @!p1 $0x0  }
0x31a: {  	v0 =	vld [tilespmem:$0x1FD00];
	[tilespmem:s30], [sflag:$0x1] =	stream.linear.gather @!p1 [hbm4b:s28+s29], $0xA800, $0x38  }
0x31b: {  	_ =	swait.ge [sflag:s20], $0xA800  }
0x31c: {  	v9 =	vshrl.u32 v8, $0x3;
	v28 =	vld [tilespmem:$0x1FFD0]  }
0x31d: {  	v14 =	vmul.u32 $0x1800, v9;
	[sflag:s20] =	ssyncset.done $0x0  }
0x31e: {  	v8 =	vshll.u32 v8, $0x7;
	s29 =	simm.s32 @!p0 $0x4;
	[sflag:s20] =	ssyncadd.s32 $0xFFFF5800  }
0x31f: {  	v17 =	vand.u32 $0x200, v8;
	v8 =	vadd.s32 v0, v14;
	_ =	swait.ge @!p0 [sflag:s29], $0x5400  }
0x320: {  	v8 =	vor.u32 v17, v8;
	v29 =	vld [tilespmem:$0x1FFE0]  }
0x321: {  	v31 =	vld [tilespmem:$0x1FFF0];
	v8 =	vor.u32 v28, v8  }
0x322: {  	v9 =	vmul.u32 $0xC00, v9;
	v30 =	vld [tilespmem:$0x1FD10]  }
0x323: {  	s28 =	simm.s32 $0x3  }
0x324: {  	v18 =	vor.u32 v17, v9;
	v10 =	vmov s28;
	[sflag:s29] =	ssyncset.done @!p0 $0x0  }
0x325: {  	v13 =	vor.u32 v63, v18;
	v12 =	vshrl.u32 v10, $0x3;
	[sflag:s29] =	ssyncadd.s32 @!p0 $0xFFFFAC00;
	v9 =	vadd.s32 v29, v14  }
0x326: {  	v10 =	vshll.u32 v10, $0x7;
	v22 =	vmul.u32 $0x1800, v12;
	v9 =	vor.u32 v17, v9;
	v16 =	vld.idx.msk [tilespmem:v8+s18+$0x0], $0xffff  }
0x327: {  	s28 =	simm.s32 $0x2;
	v19 =	vand.u32 $0x380, v10;
	v11 =	vadd.s32 v31, v14;
	v9 =	vor.u32 v30, v9  }
0x328: {  	v10 =	vor.u32 v17, v11;
	v11 =	vmul.u32 $0xC00, v12;
	v12 =	vmov s28;
	s28 =	simm.s32 $0x1  }
0x329: {  	v33 =	vld [tilespmem:$0x1FBA0];
	v8 =	vadd.s32 v0, v22;
	v21 =	vshrl.u32 v12, $0x3;
	v23 =	vmov s28  }
0x32a: {  	v32 =	vld [tilespmem:$0x1FD20];
	v8 =	vor.u32 v19, v8;
	v50 =	vor.u32 v19, v11;
	v24 =	vshrl.u32 v23, $0x3  }
0x32b: {  	v47 =	vmul.u32 $0x1800, v21;
	v20 =	vor.u32 v28, v8;
	v11 =	vmul.u32 $0x1800, v24;
	[tilespmem:v13+s21+$0x0] =	vst.idx.msk $0xffff, v16  }
0x32c: {  	v12 =	vshll.u32 v12, $0x7;
	v9 =	vld.idx.msk [tilespmem:v9+s18+$0x0], $0xffff  }
0x32d: {  	v25 =	vadd.s32 v0, v11;
	v13 =	vshll.u32 v23, $0x7;
	v23 =	vadd.s32 v0, v47;
	v0 =	vld [tilespmem:$0x1FF50]  }
0x32e: {  	v15 =	vor.u32 v33, v18;
	v12 =	vand.u32 $0x300, v12;
	v40 =	vld [tilespmem:$0x1FBB0]  }
0x32f: {  	v10 =	vor.u32 v32, v10;
	v23 =	vor.u32 v12, v23  }
0x330: {  	v16 =	vor.u32 v63, v50;
	v13 =	vand.u32 $0x280, v13;
	v20 =	vld.idx.msk [tilespmem:v20+s18+$0x0], $0xffff;
	v23 =	vor.u32 v28, v23  }
0x331: {  	v36 =	vld [tilespmem:$0x1FD30];
	v25 =	vor.u32 v13, v25  }
0x332: {  	v25 =	vor.u32 v28, v25;
	v28 =	vadd.s32 v29, v22  }
0x333: {  	v21 =	vmul.u32 $0xC00, v21;
	v26 =	vadd.s32 v0, v14;
	v27 =	vor.u32 v40, v18;
	[tilespmem:v15+s21+$0x0] =	vst.idx.msk $0xffff, v9  }
0x334: {  	v9 =	vor.u32 v19, v28;
	v15 =	vmul.u32 $0xC00, v24;
	v26 =	vor.u32 v17, v26;
	v24 =	vld.idx.msk [tilespmem:v10+s18+$0x0], $0xffff  }
0x335: {  	v28 =	vor.u32 v30, v9;
	v9 =	vor.u32 v12, v21;
	[tilespmem:v16+s21+$0x0] =	vst.idx.msk $0xffff, v20;
	v16 =	vld.idx.msk [tilespmem:v23+s18+$0x0], $0xffff  }
0x336: {  	v21 =	vadd.s32 v29, v47;
	v23 =	vadd.s32 v29, v11;
	v26 =	vor.u32 v36, v26;
	v37 =	vld [tilespmem:$0x1FBC0]  }
0x337: {  	v20 =	vor.u32 v63, v9;
	v10 =	vor.u32 v13, v15;
	v21 =	vor.u32 v12, v21  }
0x338: {  	v15 =	vld.idx.msk [tilespmem:v25+s18+$0x0], $0xffff;
	v23 =	vor.u32 v13, v23;
	v25 =	vor.u32 v63, v10;
	v21 =	vor.u32 v30, v21  }
0x339: {  	v29 =	vadd.s32 v61, v14;
	v23 =	vor.u32 v30, v23  }
0x33a: {  	v8 =	vmov v31;
	v31 =	vadd.s32 v31, v22;
	v29 =	vor.u32 v17, v29;
	[tilespmem:v27+s21+$0x0] =	vst.idx.msk $0xffff, v24  }
0x33b: {  	v28 =	vld.idx.msk [tilespmem:v28+s18+$0x0], $0xffff;
	v24 =	vor.u32 v33, v50;
	v27 =	vor.u32 v19, v31;
	v30 =	vor.u32 v37, v18  }
0x33c: {  	[tilespmem:v20+s21+$0x0] =	vst.idx.msk $0xffff, v16;
	v16 =	vor.u32 v32, v27;
	v20 =	vld.idx.msk [tilespmem:v26+s18+$0x0], $0xffff;
	v26 =	vor.u32 v48, v29  }
0x33d: {  	v27 =	vor.u32 v33, v9;
	v29 =	vor.u32 v33, v10;
	[tilespmem:v25+s21+$0x0] =	vst.idx.msk $0xffff, v15;
	v25 =	vld.idx.msk [tilespmem:v21+s18+$0x0], $0xffff  }
0x33e: {  	v15 =	vadd.s32 v8, v47;
	v21 =	vadd.s32 v8, v11;
	v8 =	vadd.s32 v38, v14;
	v23 =	vld.idx.msk [tilespmem:v23+s18+$0x0], $0xffff  }
0x33f: {  	[tilespmem:$0x1FB40] =	vst v8  }
0x340: {  	v39 =	vadd.s32 v0, v22;
	[tilespmem:v24+s21+$0x0] =	vst.idx.msk $0xffff, v28  }
0x341: {  	v15 =	vor.u32 v12, v15;
	v31 =	vor.u32 v13, v21;
	v35 =	vld [tilespmem:$0x1FBD0];
	[tilespmem:v30+s21+$0x0] =	vst.idx.msk $0xffff, v20  }
0x342: {  	v15 =	vor.u32 v32, v15;
	v28 =	vadd.s32 v62, v14;
	[tilespmem:v27+s21+$0x0] =	vst.idx.msk $0xffff, v25  }
0x343: {  	v31 =	vor.u32 v32, v31;
	v28 =	vor.u32 v17, v28;
	[tilespmem:v29+s21+$0x0] =	vst.idx.msk $0xffff, v23  }
0x344: {  	v27 =	vor.u32 v57, v28;
	v28 =	vadd.s32 v0, v11;
	v23 =	vadd.s32 v0, v47;
	v0 =	vld [tilespmem:$0x1FE90];
	_ =	sdelay $0x1  }
0x345: {  	v16 =	vld.idx.msk [tilespmem:v16+s18+$0x0], $0xffff;
	v20 =	vor.u32 v40, v50  }
0x346: {  	v26 =	vld.idx.msk [tilespmem:v26+s18+$0x0], $0xffff;
	v24 =	vor.u32 v35, v18  }
0x347: {  	v30 =	vor.u32 v19, v39;
	v29 =	vor.u32 v40, v9;
	v15 =	vld.idx.msk [tilespmem:v15+s18+$0x0], $0xffff  }
0x348: {  	v25 =	vor.u32 v36, v30;
	v30 =	vld.idx.msk [tilespmem:v31+s18+$0x0], $0xffff;
	v31 =	vor.u32 v40, v10;
	v0 =	vadd.s32 v0, v14  }
0x349: {  	[tilespmem:$0x1FB60] =	vst v0  }
0x34a: {  	v28 =	vor.u32 v13, v28;
	v23 =	vor.u32 v12, v23;
	[tilespmem:v20+s21+$0x0] =	vst.idx.msk $0xffff, v16  }
0x34b: {  	v28 =	vor.u32 v36, v28;
	v40 =	vor.u32 v36, v23;
	v36 =	vld [tilespmem:$0x1FBE0];
	[tilespmem:v24+s21+$0x0] =	vst.idx.msk $0xffff, v26  }
0x34c: {  	[tilespmem:v29+s21+$0x0] =	vst.idx.msk $0xffff, v15  }
0x34d: {  	[tilespmem:v31+s21+$0x0] =	vst.idx.msk $0xffff, v30  }
0x34e: {  	v0 =	vld [tilespmem:$0x1FE70];
	_ =	sdelay $0x1  }
0x34f: {  	v25 =	vld.idx.msk [tilespmem:v25+s18+$0x0], $0xffff;
	v26 =	vor.u32 v37, v50  }
0x350: {  	v31 =	vor.u32 v37, v9;
	v29 =	vld.idx.msk [tilespmem:v40+s18+$0x0], $0xffff  }
0x351: {  	v28 =	vld.idx.msk [tilespmem:v28+s18+$0x0], $0xffff;
	v40 =	vor.u32 v37, v10  }
0x352: {  	v27 =	vld.idx.msk [tilespmem:v27+s18+$0x0], $0xffff;
	v16 =	vor.u32 v36, v18;
	v0 =	vadd.s32 v0, v14  }
0x353: {  	v39 =	vadd.s32 v61, v22;
	v20 =	vadd.s32 v45, v14;
	[tilespmem:$0x1FB70] =	vst v0  }
0x354: {  	v24 =	vor.u32 v19, v39;
	v20 =	vor.u32 v17, v20;
	[tilespmem:v26+s21+$0x0] =	vst.idx.msk $0xffff, v25  }
0x355: {  	v15 =	vor.u32 v48, v24;
	v24 =	vadd.s32 v61, v47;
	v8 =	vld [tilespmem:$0x1FBF0];
	[tilespmem:v31+s21+$0x0] =	vst.idx.msk $0xffff, v29  }
0x356: {  	v20 =	vor.u32 v52, v20;
	v24 =	vor.u32 v12, v24;
	[tilespmem:v40+s21+$0x0] =	vst.idx.msk $0xffff, v28  }
0x357: {  	v30 =	vadd.s32 v61, v11;
	v37 =	vor.u32 v48, v24;
	[tilespmem:v16+s21+$0x0] =	vst.idx.msk $0xffff, v27  }
0x358: {  	v30 =	vor.u32 v13, v30;
	v0 =	vld [tilespmem:$0x1FE50]  }
0x359: {  	v30 =	vor.u32 v48, v30  }
0x35a: {  	v15 =	vld.idx.msk [tilespmem:v15+s18+$0x0], $0xffff;
	v16 =	vor.u32 v35, v50  }
0x35b: {  	v20 =	vld.idx.msk [tilespmem:v20+s18+$0x0], $0xffff;
	v26 =	vor.u32 v8, v18  }
0x35c: {  	v39 =	vor.u32 v35, v9;
	v25 =	vadd.s32 v6, v14;
	v28 =	vld.idx.msk [tilespmem:v37+s18+$0x0], $0xffff  }
0x35d: {  	v38 =	vadd.s32 v62, v22;
	v25 =	vor.u32 v17, v25;
	v0 =	vadd.s32 v0, v14  }
0x35e: {  	v31 =	vadd.s32 v62, v11;
	v27 =	vor.u32 v19, v38;
	v30 =	vld.idx.msk [tilespmem:v30+s18+$0x0], $0xffff;
	[tilespmem:$0x1FB50] =	vst v0  }
0x35f: {  	v40 =	vor.u32 v35, v10;
	v27 =	vor.u32 v57, v27;
	[tilespmem:v16+s21+$0x0] =	vst.idx.msk $0xffff, v15  }
0x360: {  	v29 =	vor.u32 v53, v25;
	v25 =	vadd.s32 v62, v47;
	v23 =	vld [tilespmem:$0x1FC00];
	[tilespmem:v26+s21+$0x0] =	vst.idx.msk $0xffff, v20  }
0x361: {  	v38 =	vadd.s32 v45, v22;
	v25 =	vor.u32 v12, v25;
	[tilespmem:v39+s21+$0x0] =	vst.idx.msk $0xffff, v28  }
0x362: {  	v31 =	vor.u32 v13, v31;
	v48 =	vor.u32 v57, v25;
	v26 =	vor.u32 v19, v38;
	v38 =	vld [tilespmem:$0x1FD80]  }
0x363: {  	v31 =	vor.u32 v57, v31  }
0x364: {  	v16 =	vadd.s32 v46, v14;
	v27 =	vld.idx.msk [tilespmem:v27+s18+$0x0], $0xffff;
	v20 =	vor.u32 v36, v50  }
0x365: {  	v16 =	vor.u32 v17, v16  }
0x366: {  	v39 =	vadd.s32 v45, v11;
	v26 =	vor.u32 v52, v26;
	v28 =	vld.idx.msk [tilespmem:v29+s18+$0x0], $0xffff;
	v15 =	vor.u32 v23, v18  }
0x367: {  	[tilespmem:v40+s21+$0x0] =	vst.idx.msk $0xffff, v30;
	v30 =	vld.idx.msk [tilespmem:v48+s18+$0x0], $0xffff;
	v40 =	vor.u32 v36, v9;
	v29 =	vor.u32 v38, v16  }
0x368: {  	v34 =	vor.u32 v36, v10;
	v32 =	vor.u32 v13, v39;
	v31 =	vld.idx.msk [tilespmem:v31+s18+$0x0], $0xffff;
	v16 =	vadd.s32 v45, v47  }
0x369: {  	v0 =	vld [tilespmem:$0x1FE30];
	v32 =	vor.u32 v52, v32;
	[tilespmem:v20+s21+$0x0] =	vst.idx.msk $0xffff, v27;
	v16 =	vor.u32 v12, v16  }
0x36a: {  	v48 =	vor.u32 v52, v16;
	v16 =	vld [tilespmem:$0x1FC10]  }
0x36b: {  	v26 =	vld.idx.msk [tilespmem:v26+s18+$0x0], $0xffff;
	[tilespmem:v15+s21+$0x0] =	vst.idx.msk $0xffff, v28  }
0x36c: {  	[tilespmem:v40+s21+$0x0] =	vst.idx.msk $0xffff, v30;
	v28 =	vor.u32 v8, v50;
	v29 =	vld.idx.msk [tilespmem:v29+s18+$0x0], $0xffff  }
0x36d: {  	v57 =	vadd.s32 v6, v22;
	v39 =	vld [tilespmem:$0x1FFB0];
	[tilespmem:v34+s21+$0x0] =	vst.idx.msk $0xffff, v31  }
0x36e: {  	v27 =	vadd.s32 v44, v14;
	v15 =	vor.u32 v19, v57;
	v32 =	vld.idx.msk [tilespmem:v32+s18+$0x0], $0xffff  }
0x36f: {  	v40 =	vadd.s32 v6, v11;
	v30 =	vor.u32 v53, v15;
	v24 =	vld [tilespmem:$0x1FE10];
	v20 =	vadd.s32 v16, v18  }
0x370: {  	v35 =	vor.u32 v8, v10;
	v27 =	vor.u32 v17, v27;
	v33 =	vor.u32 v13, v40;
	v57 =	vld [tilespmem:$0x1FD90]  }
0x371: {  	v33 =	vor.u32 v53, v33;
	v15 =	vadd.s32 v6, v47;
	v31 =	vld.idx.msk [tilespmem:v48+s18+$0x0], $0xffff;
	[tilespmem:v28+s21+$0x0] =	vst.idx.msk $0xffff, v26  }
0x372: {  	v34 =	vor.u32 v8, v9;
	v15 =	vor.u32 v12, v15;
	v27 =	vor.u32 v39, v27;
	v21 =	vld [tilespmem:$0x1FC20]  }
0x373: {  	v48 =	vor.u32 v53, v15  }
0x374: {  	v30 =	vld.idx.msk [tilespmem:v30+s18+$0x0], $0xffff;
	[tilespmem:v20+s21+$0x0] =	vst.idx.msk $0xffff, v29;
	v29 =	vor.u32 v23, v50  }
0x375: {  	v40 =	vadd.s32 v46, v22;
	[tilespmem:v35+s21+$0x0] =	vst.idx.msk $0xffff, v32  }
0x376: {  	v20 =	vor.u32 v19, v40;
	v33 =	vld.idx.msk [tilespmem:v33+s18+$0x0], $0xffff  }
0x377: {  	[tilespmem:v34+s21+$0x0] =	vst.idx.msk $0xffff, v31;
	v31 =	vor.u32 v38, v20;
	v26 =	vadd.s32 v21, v18;
	v27 =	vld.idx.msk [tilespmem:v27+s18+$0x0], $0xffff  }
0x378: {  	v36 =	vor.u32 v23, v10;
	v35 =	vor.u32 v23, v9;
	v20 =	vadd.s32 v46, v47;
	v32 =	vld.idx.msk [tilespmem:v48+s18+$0x0], $0xffff  }
0x379: {  	v28 =	vadd.s32 v2, v14;
	v23 =	vld [tilespmem:$0x1FF70];
	v20 =	vor.u32 v12, v20;
	[tilespmem:v29+s21+$0x0] =	vst.idx.msk $0xffff, v30  }
0x37a: {  	v28 =	vor.u32 v17, v28;
	v48 =	vadd.s32 v46, v11;
	v37 =	vor.u32 v38, v20;
	v40 =	vld [tilespmem:$0x1FC30]  }
0x37b: {  	v28 =	vor.u32 v57, v28;
	v34 =	vor.u32 v13, v48;
	v48 =	vld [tilespmem:$0x1FDC0]  }
0x37c: {  	v31 =	vld.idx.msk [tilespmem:v31+s18+$0x0], $0xffff;
	[tilespmem:v26+s21+$0x0] =	vst.idx.msk $0xffff, v27;
	v26 =	vadd.s32 v16, v50  }
0x37d: {  	[tilespmem:v35+s21+$0x0] =	vst.idx.msk $0xffff, v32  }
0x37e: {  	v53 =	vadd.s32 v44, v22;
	v34 =	vor.u32 v38, v34;
	[tilespmem:v36+s21+$0x0] =	vst.idx.msk $0xffff, v33  }
0x37f: {  	v36 =	vadd.s32 v16, v9;
	v27 =	vor.u32 v19, v53;
	v33 =	vld.idx.msk [tilespmem:v37+s18+$0x0], $0xffff;
	v53 =	vadd.s32 v44, v11  }
0x380: {  	v27 =	vor.u32 v39, v27;
	v28 =	vld.idx.msk [tilespmem:v28+s18+$0x0], $0xffff;
	v29 =	vadd.s32 v40, v18;
	v30 =	vadd.s32 v48, v14  }
0x381: {  	v35 =	vor.u32 v13, v53;
	v53 =	vld [tilespmem:$0x1FED0];
	v30 =	vor.u32 v17, v30;
	[tilespmem:v26+s21+$0x0] =	vst.idx.msk $0xffff, v31  }
0x382: {  	v32 =	vadd.s32 v44, v47;
	v30 =	vor.u32 v1, v30;
	v8 =	vld [tilespmem:$0x1FC40]  }
0x383: {  	v32 =	vor.u32 v12, v32;
	v37 =	vadd.s32 v16, v10  }
0x384: {  	v34 =	vld.idx.msk [tilespmem:v34+s18+$0x0], $0xffff;
	v32 =	vor.u32 v39, v32;
	v35 =	vor.u32 v39, v35;
	[tilespmem:v36+s21+$0x0] =	vst.idx.msk $0xffff, v33  }
0x385: {  	v39 =	vadd.s32 v2, v22;
	v27 =	vld.idx.msk [tilespmem:v27+s18+$0x0], $0xffff;
	[tilespmem:v29+s21+$0x0] =	vst.idx.msk $0xffff, v28;
	v28 =	vadd.s32 v21, v50  }
0x386: {  	v29 =	vor.u32 v19, v39;
	v15 =	vld [tilespmem:$0x1FDD0]  }
0x387: {  	v29 =	vor.u32 v57, v29;
	v30 =	vld.idx.msk [tilespmem:v30+s18+$0x0], $0xffff;
	v26 =	vadd.s32 v8, v18  }
0x388: {  	v31 =	vadd.s32 v5, v14  }
0x389: {  	v31 =	vor.u32 v17, v31;
	v33 =	vadd.s32 v2, v47;
	v32 =	vld.idx.msk [tilespmem:v32+s18+$0x0], $0xffff;
	[tilespmem:v37+s21+$0x0] =	vst.idx.msk $0xffff, v34  }
0x38a: {  	v36 =	vadd.s32 v21, v9;
	v33 =	vor.u32 v12, v33;
	v35 =	vld.idx.msk [tilespmem:v35+s18+$0x0], $0xffff;
	[tilespmem:v28+s21+$0x0] =	vst.idx.msk $0xffff, v27  }
0x38b: {  	v33 =	vor.u32 v57, v33;
	v37 =	vadd.s32 v21, v10;
	v31 =	vor.u32 v15, v31;
	v21 =	vld [tilespmem:$0x1FC50]  }
0x38c: {  	v34 =	vadd.s32 v2, v11;
	[tilespmem:v26+s21+$0x0] =	vst.idx.msk $0xffff, v30;
	v26 =	vld.idx.msk [tilespmem:v29+s18+$0x0], $0xffff;
	v29 =	vadd.s32 v40, v50  }
0x38d: {  	v34 =	vor.u32 v13, v34  }
0x38e: {  	v39 =	vadd.s32 v48, v22;
	v34 =	vor.u32 v57, v34;
	v28 =	vadd.s32 v7, v14  }
0x38f: {  	v28 =	vor.u32 v17, v28;
	[tilespmem:v36+s21+$0x0] =	vst.idx.msk $0xffff, v32;
	v30 =	vor.u32 v19, v39  }
0x390: {  	[tilespmem:v37+s21+$0x0] =	vst.idx.msk $0xffff, v35;
	v30 =	vor.u32 v1, v30;
	v27 =	vadd.s32 v21, v18;
	v31 =	vld.idx.msk [tilespmem:v31+s18+$0x0], $0xffff  }
0x391: {  	v25 =	vadd.s32 v0, v14;
	v28 =	vor.u32 v58, v28;
	v32 =	vld.idx.msk [tilespmem:v33+s18+$0x0], $0xffff;
	[tilespmem:v29+s21+$0x0] =	vst.idx.msk $0xffff, v26  }
0x392: {  	v33 =	vadd.s32 v48, v47;
	v35 =	vadd.s32 v40, v9;
	v48 =	vadd.s32 v48, v11;
	v0 =	vld [tilespmem:$0x1FC60]  }
0x393: {  	v37 =	vadd.s32 v40, v10;
	v33 =	vor.u32 v12, v33;
	v36 =	vor.u32 v13, v48;
	v34 =	vld.idx.msk [tilespmem:v34+s18+$0x0], $0xffff  }
0x394: {  	v33 =	vor.u32 v1, v33;
	v36 =	vor.u32 v1, v36  }
0x395: {  	v29 =	vadd.s32 v5, v22;
	v30 =	vld.idx.msk [tilespmem:v30+s18+$0x0], $0xffff;
	[tilespmem:v27+s21+$0x0] =	vst.idx.msk $0xffff, v31;
	v27 =	vadd.s32 v8, v50  }
0x396: {  	v48 =	vadd.s32 v43, v14;
	v29 =	vor.u32 v19, v29  }
0x397: {  	[tilespmem:v35+s21+$0x0] =	vst.idx.msk $0xffff, v32;
	v29 =	vor.u32 v15, v29;
	v28 =	vld.idx.msk [tilespmem:v28+s18+$0x0], $0xffff;
	v26 =	vadd.s32 v0, v18  }
0x398: {  	v32 =	vadd.s32 v5, v47;
	v35 =	vadd.s32 v5, v11;
	[tilespmem:v37+s21+$0x0] =	vst.idx.msk $0xffff, v34  }
0x399: {  	v32 =	vor.u32 v12, v32;
	v40 =	vor.u32 v13, v35;
	v35 =	vld.idx.msk [tilespmem:v36+s18+$0x0], $0xffff;
	v36 =	vadd.s32 v8, v10  }
0x39a: {  	v33 =	vld.idx.msk [tilespmem:v33+s18+$0x0], $0xffff;
	v31 =	vor.u32 v17, v48;
	v48 =	vadd.s32 v8, v9;
	[tilespmem:v27+s21+$0x0] =	vst.idx.msk $0xffff, v30  }
0x39b: {  	v32 =	vor.u32 v15, v32;
	v34 =	vor.u32 v15, v40;
	v31 =	vor.u32 v42, v31;
	v15 =	vld [tilespmem:$0x1FC70]  }
0x39c: {  	v52 =	vadd.s32 v24, v14;
	v29 =	vld.idx.msk [tilespmem:v29+s18+$0x0], $0xffff;
	[tilespmem:v26+s21+$0x0] =	vst.idx.msk $0xffff, v28;
	v26 =	vadd.s32 v21, v50  }
0x39d: {  	v20 =	vadd.s32 v23, v14;
	v38 =	vadd.s32 v53, v14;
	v14 =	vadd.s32 v55, v14  }
0x39e: {  	v14 =	vor.u32 v17, v14  }
0x39f: {  	v30 =	vadd.s32 v7, v22;
	[tilespmem:v48+s21+$0x0] =	vst.idx.msk $0xffff, v33;
	v48 =	vor.u32 v41, v14  }
0x3a0: {  	[tilespmem:v36+s21+$0x0] =	vst.idx.msk $0xffff, v35;
	v28 =	vor.u32 v19, v30;
	v31 =	vld.idx.msk [tilespmem:v31+s18+$0x0], $0xffff;
	v27 =	vadd.s32 v15, v18  }
0x3a1: {  	v14 =	vadd.s32 v7, v47;
	v32 =	vld.idx.msk [tilespmem:v32+s18+$0x0], $0xffff;
	v28 =	vor.u32 v58, v28;
	[tilespmem:v26+s21+$0x0] =	vst.idx.msk $0xffff, v29  }
0x3a2: {  	v37 =	vadd.s32 v21, v9;
	v40 =	vadd.s32 v7, v11;
	v14 =	vor.u32 v12, v14;
	v8 =	vld [tilespmem:$0x1FC80]  }
0x3a3: {  	v36 =	vadd.s32 v21, v10;
	v35 =	vor.u32 v13, v40;
	v34 =	vld.idx.msk [tilespmem:v34+s18+$0x0], $0xffff;
	v40 =	vor.u32 v58, v14;
	_ =	sdelay $0x1  }
0x3a4: {  	[tilespmem:v27+s21+$0x0] =	vst.idx.msk $0xffff, v31;
	v27 =	vadd.s32 v43, v22  }
0x3a5: {  	v26 =	vor.u32 v58, v35;
	v28 =	vld.idx.msk [tilespmem:v28+s18+$0x0], $0xffff;
	v31 =	vadd.s32 v0, v50;
	v27 =	vor.u32 v19, v27  }
0x3a6: {  	[tilespmem:v37+s21+$0x0] =	vst.idx.msk $0xffff, v32;
	v33 =	vld.idx.msk [tilespmem:v48+s18+$0x0], $0xffff;
	v27 =	vor.u32 v42, v27;
	v29 =	vadd.s32 v8, v18  }
0x3a7: {  	[tilespmem:v36+s21+$0x0] =	vst.idx.msk $0xffff, v34;
	v36 =	vadd.s32 v0, v9;
	v34 =	vld.idx.msk [tilespmem:v40+s18+$0x0], $0xffff;
	_ =	sdelay $0x1  }
0x3a8: {  	v16 =	vld [tilespmem:$0x1FF50]  }
0x3a9: {  	v26 =	vld.idx.msk [tilespmem:v26+s18+$0x0], $0xffff;
	[tilespmem:v31+s21+$0x0] =	vst.idx.msk $0xffff, v28  }
0x3aa: {  	v48 =	vor.u32 v17, v38;
	v28 =	vadd.s32 v0, v10;
	v27 =	vld.idx.msk [tilespmem:v27+s18+$0x0], $0xffff;
	[tilespmem:v29+s21+$0x0] =	vst.idx.msk $0xffff, v33  }
0x3ab: {  	v32 =	vor.u32 v60, v48;
	v33 =	vadd.s32 v15, v50;
	v40 =	vld [tilespmem:$0x1FC90];
	[tilespmem:v36+s21+$0x0] =	vst.idx.msk $0xffff, v34  }
0x3ac: {  	s28 =	simm.s32 $0x4;
	v20 =	vor.u32 v17, v20;
	v58 =	vadd.s32 v43, v47;
	v21 =	vld [tilespmem:$0x1FF60]  }
0x3ad: {  	v30 =	vmov s28;
	v35 =	vor.u32 v12, v58;
	v48 =	vadd.s32 v43, v11  }
0x3ae: {  	v58 =	vadd.s32 v55, v22;
	v35 =	vor.u32 v42, v35;
	v31 =	vor.u32 v13, v48  }
0x3af: {  	v39 =	vshrl.u32 v30, $0x3;
	v38 =	vor.u32 v19, v58;
	v31 =	vor.u32 v42, v31;
	[tilespmem:v28+s21+$0x0] =	vst.idx.msk $0xffff, v26  }
0x3b0: {  	v48 =	vor.u32 v41, v38;
	v32 =	vld.idx.msk [tilespmem:v32+s18+$0x0], $0xffff;
	[tilespmem:v33+s21+$0x0] =	vst.idx.msk $0xffff, v27;
	v29 =	vadd.s32 v40, v18  }
0x3b1: {  	v58 =	vadd.s32 v55, v47;
	v26 =	vadd.s32 v55, v11;
	v55 =	vld [tilespmem:$0x1FCA0];
	v20 =	vor.u32 v21, v20  }
0x3b2: {  	v14 =	vmul.u32 $0x1800, v39  }
0x3b3: {  	v42 =	vadd.s32 v15, v9;
	v35 =	vld.idx.msk [tilespmem:v35+s18+$0x0], $0xffff  }
0x3b4: {  	v43 =	vadd.s32 v15, v10;
	v37 =	vadd.s32 v16, v14;
	v31 =	vld.idx.msk [tilespmem:v31+s18+$0x0], $0xffff  }
0x3b5: {  	v28 =	vor.u32 v12, v58;
	v34 =	vld.idx.msk [tilespmem:v48+s18+$0x0], $0xffff;
	v48 =	vadd.s32 v8, v50;
	[tilespmem:v29+s21+$0x0] =	vst.idx.msk $0xffff, v32  }
0x3b6: {  	v26 =	vor.u32 v13, v26;
	v28 =	vor.u32 v41, v28;
	v33 =	vadd.s32 v55, v18;
	v20 =	vld.idx.msk [tilespmem:v20+s18+$0x0], $0xffff  }
0x3b7: {  	v15 =	vor.u32 v17, v52;
	v58 =	vadd.s32 v53, v11;
	v26 =	vor.u32 v41, v26  }
0x3b8: {  	[tilespmem:v42+s21+$0x0] =	vst.idx.msk $0xffff, v35;
	v35 =	vor.u32 v59, v15;
	v15 =	vadd.s32 v53, v47  }
0x3b9: {  	[tilespmem:v43+s21+$0x0] =	vst.idx.msk $0xffff, v31;
	v31 =	vadd.s32 v8, v9;
	v29 =	vadd.s32 v53, v22  }
0x3ba: {  	v30 =	vshll.u32 v30, $0x7;
	v15 =	vor.u32 v12, v15;
	v29 =	vor.u32 v19, v29;
	v16 =	vld [tilespmem:$0x1FFF0];
	[tilespmem:v48+s21+$0x0] =	vst.idx.msk $0xffff, v34  }
0x3bb: {  	v28 =	vld.idx.msk [tilespmem:v28+s18+$0x0], $0xffff;
	v48 =	vor.u32 v13, v58;
	v29 =	vor.u32 v60, v29;
	[tilespmem:v33+s21+$0x0] =	vst.idx.msk $0xffff, v20  }
0x3bc: {  	v42 =	vor.u32 v60, v15;
	v15 =	vand.u32 $0x200, v30;
	v30 =	vor.u32 v60, v48;
	v60 =	vld [tilespmem:$0x1FCB0]  }
0x3bd: {  	v43 =	vadd.s32 v8, v10;
	v26 =	vld.idx.msk [tilespmem:v26+s18+$0x0], $0xffff;
	_ =	sdelay $0x2  }
0x3be: {  	v52 =	vadd.s32 v23, v22;
	v53 =	vadd.s32 v40, v50;
	v29 =	vld.idx.msk [tilespmem:v29+s18+$0x0], $0xffff  }
0x3bf: {  	v34 =	vor.u32 v19, v52;
	v35 =	vld.idx.msk [tilespmem:v35+s18+$0x0], $0xffff;
	[tilespmem:v31+s21+$0x0] =	vst.idx.msk $0xffff, v28;
	v20 =	vadd.s32 v60, v18  }
0x3c0: {  	v28 =	vor.u32 v21, v34;
	[tilespmem:v43+s21+$0x0] =	vst.idx.msk $0xffff, v26;
	v34 =	vld.idx.msk [tilespmem:v42+s18+$0x0], $0xffff;
	v42 =	vadd.s32 v40, v9  }
0x3c1: {  	v43 =	vadd.s32 v40, v10;
	v30 =	vld.idx.msk [tilespmem:v30+s18+$0x0], $0xffff;
	_ =	sdelay $0x1  }
0x3c2: {  	v8 =	vmov v21;
	v36 =	vadd.s32 v16, v14;
	v16 =	vor.u32 v17, v25;
	v21 =	vld [tilespmem:$0x1FFE0];
	[tilespmem:v53+s21+$0x0] =	vst.idx.msk $0xffff, v29  }
0x3c3: {  	v58 =	vadd.s32 v23, v47;
	v31 =	vor.u32 v3, v16;
	v48 =	vld [tilespmem:$0x1FD00];
	[tilespmem:v20+s21+$0x0] =	vst.idx.msk $0xffff, v35  }
0x3c4: {  	v26 =	vor.u32 v12, v58;
	v20 =	vmov v55;
	v35 =	vadd.s32 v55, v50;
	v55 =	vld [tilespmem:$0x1FCC0];
	[tilespmem:v42+s21+$0x0] =	vst.idx.msk $0xffff, v34  }
0x3c5: {  	v26 =	vor.u32 v8, v26;
	v0 =	vld [tilespmem:$0x1FB90];
	[tilespmem:v43+s21+$0x0] =	vst.idx.msk $0xffff, v30  }
0x3c6: {  	v40 =	vld [tilespmem:$0x1FCF0];
	_ =	sdelay $0x1  }
0x3c7: {  	v28 =	vld.idx.msk [tilespmem:v28+s18+$0x0], $0xffff  }
0x3c8: {  	v27 =	vmul.u32 $0xC00, v39;
	v31 =	vld.idx.msk [tilespmem:v31+s18+$0x0], $0xffff;
	v38 =	vadd.s32 v55, v18  }
0x3c9: {  	v58 =	vadd.s32 v20, v9;
	v30 =	vld.idx.msk [tilespmem:v26+s18+$0x0], $0xffff  }
0x3ca: {  	v16 =	vor.u32 v15, v27;
	v27 =	vadd.s32 v21, v14;
	v21 =	vadd.s32 v40, v18  }
0x3cb: {  	v52 =	vadd.s32 v23, v11;
	v23 =	vld [tilespmem:$0x1FB50];
	[tilespmem:$0x1FB80] =	vst v21  }
0x3cc: {  	v53 =	vadd.s32 v24, v22;
	v21 =	vld [tilespmem:$0x1FB40];
	[tilespmem:v35+s21+$0x0] =	vst.idx.msk $0xffff, v28  }
0x3cd: {  	v33 =	vor.u32 v13, v52;
	v34 =	vor.u32 v19, v53;
	v53 =	vld [tilespmem:$0x1FCE0];
	[tilespmem:v38+s21+$0x0] =	vst.idx.msk $0xffff, v31  }
0x3ce: {  	v33 =	vor.u32 v8, v33;
	[tilespmem:v58+s21+$0x0] =	vst.idx.msk $0xffff, v30  }
0x3cf: {  	v41 =	vadd.s32 v20, v10;
	v20 =	vld [tilespmem:$0x1FB60];
	_ =	sdelay $0x2  }
0x3d0: {  	v34 =	vor.u32 v59, v34  }
0x3d1: {  	v25 =	vor.u32 v17, v23;
	v31 =	vld.idx.msk [tilespmem:v33+s18+$0x0], $0xffff  }
0x3d2: {  	v28 =	vadd.s32 v24, v47;
	v38 =	vadd.s32 v24, v11;
	v23 =	vor.u32 v17, v20;
	v20 =	vld [tilespmem:$0x1FB70]  }
0x3d3: {  	v0 =	vadd.s32 v0, v18;
	v28 =	vor.u32 v12, v28;
	v33 =	vor.u32 v13, v38  }
0x3d4: {  	v28 =	vor.u32 v59, v28;
	v33 =	vor.u32 v59, v33;
	v59 =	vmov v0;
	v0 =	vld [tilespmem:$0x1FE30]  }
0x3d5: {  	v34 =	vld.idx.msk [tilespmem:v34+s18+$0x0], $0xffff  }
0x3d6: {  	v42 =	vadd.s32 v60, v50;
	v25 =	vor.u32 v4, v25;
	v38 =	vld [tilespmem:$0x1FCD0]  }
0x3d7: {  	v21 =	vor.u32 v17, v21;
	v17 =	vor.u32 v17, v20;
	v20 =	vld [tilespmem:$0x1FBB0];
	[tilespmem:v41+s21+$0x0] =	vst.idx.msk $0xffff, v31  }
0x3d8: {  	v8 =	vmov v60;
	v31 =	vadd.s32 v60, v9;
	v60 =	vld [tilespmem:$0x1FFD0]  }
0x3d9: {  	v30 =	vadd.s32 v0, v22  }
0x3da: {  	v29 =	vadd.s32 v48, v14;
	v39 =	vadd.s32 v53, v18;
	v24 =	vor.u32 v19, v30  }
0x3db: {  	v25 =	vld.idx.msk [tilespmem:v25+s18+$0x0], $0xffff;
	v18 =	vadd.s32 v38, v18;
	v24 =	vor.u32 v3, v24;
	[tilespmem:v42+s21+$0x0] =	vst.idx.msk $0xffff, v34  }
0x3dc: {  	v29 =	vor.u32 v15, v29;
	v30 =	vor.u32 v20, v16;
	v20 =	vld [tilespmem:$0x1FBA0]  }
0x3dd: {  	v28 =	vld.idx.msk [tilespmem:v28+s18+$0x0], $0xffff;
	v29 =	vor.u32 v60, v29;
	_ =	sdelay $0x1  }
0x3de: {  	v52 =	vld.idx.msk [tilespmem:v33+s18+$0x0], $0xffff  }
0x3df: {  	v41 =	vadd.s32 v8, v10;
	v24 =	vld.idx.msk [tilespmem:v24+s18+$0x0], $0xffff;
	[tilespmem:v18+s21+$0x0] =	vst.idx.msk $0xffff, v25  }
0x3e0: {  	v43 =	vadd.s32 v0, v47;
	v42 =	vadd.s32 v55, v50;
	v34 =	vor.u32 v20, v16;
	v20 =	vld [tilespmem:$0x1FE60]  }
0x3e1: {  	v58 =	vor.u32 v12, v43;
	v43 =	vor.u32 v63, v16;
	[tilespmem:v31+s21+$0x0] =	vst.idx.msk $0xffff, v28;
	v29 =	vld.idx.msk [tilespmem:v29+s18+$0x0], $0xffff  }
0x3e2: {  	v18 =	vadd.s32 v0, v11;
	v0 =	vld [tilespmem:$0x1FE50]  }
0x3e3: {  	v25 =	vor.u32 v3, v58  }
0x3e4: {  	[tilespmem:v41+s21+$0x0] =	vst.idx.msk $0xffff, v52  }
0x3e5: {  	[tilespmem:v42+s21+$0x0] =	vst.idx.msk $0xffff, v24  }
0x3e6: {  	v52 =	vld [tilespmem:$0x1FEA0];
	v17 =	vor.u32 v20, v17;
	[tilespmem:v43+s21+$0x0] =	vst.idx.msk $0xffff, v29  }
0x3e7: {  	v28 =	vadd.s32 v0, v22;
	v58 =	vadd.s32 v0, v47;
	v24 =	vadd.s32 v0, v11;
	v0 =	vld [tilespmem:$0x1FE70]  }
0x3e8: {  	v25 =	vld.idx.msk [tilespmem:v25+s18+$0x0], $0xffff;
	v41 =	vadd.s32 v55, v9;
	_ =	sdelay $0x1  }
0x3e9: {  	v18 =	vor.u32 v13, v18  }
0x3ea: {  	v18 =	vor.u32 v3, v18;
	v28 =	vor.u32 v19, v28;
	v26 =	vld [tilespmem:$0x1FE80]  }
0x3eb: {  	v28 =	vor.u32 v4, v28;
	v17 =	vld.idx.msk [tilespmem:v17+s18+$0x0], $0xffff;
	v29 =	vadd.s32 v0, v22  }
0x3ec: {  	v32 =	vor.u32 v12, v58;
	v33 =	vld [tilespmem:$0x1FD30];
	[tilespmem:v41+s21+$0x0] =	vst.idx.msk $0xffff, v25;
	v29 =	vor.u32 v19, v29  }
0x3ed: {  	v32 =	vor.u32 v4, v32;
	v25 =	vor.u32 v20, v29;
	v29 =	vld [tilespmem:$0x1FD20];
	_ =	sdelay $0x1  }
0x3ee: {  	v8 =	vmov v55;
	v18 =	vld.idx.msk [tilespmem:v18+s18+$0x0], $0xffff;
	v55 =	vor.u32 v52, v21  }
0x3ef: {  	v21 =	vadd.s32 v8, v10;
	v24 =	vor.u32 v13, v24;
	v28 =	vld.idx.msk [tilespmem:v28+s18+$0x0], $0xffff;
	[tilespmem:v39+s21+$0x0] =	vst.idx.msk $0xffff, v17  }
0x3f0: {  	v31 =	vor.u32 v15, v36;
	v42 =	vadd.s32 v38, v50;
	v24 =	vor.u32 v4, v24;
	v17 =	vld [tilespmem:$0x1FD10]  }
0x3f1: {  	v43 =	vadd.s32 v38, v9;
	v35 =	vor.u32 v29, v31;
	v31 =	vld.idx.msk [tilespmem:v32+s18+$0x0], $0xffff;
	_ =	sdelay $0x2  }
0x3f2: {  	v27 =	vor.u32 v15, v27;
	[tilespmem:v21+s21+$0x0] =	vst.idx.msk $0xffff, v18  }
0x3f3: {  	v37 =	vor.u32 v15, v37;
	v24 =	vld.idx.msk [tilespmem:v24+s18+$0x0], $0xffff;
	[tilespmem:v42+s21+$0x0] =	vst.idx.msk $0xffff, v28;
	v27 =	vor.u32 v17, v27  }
0x3f4: {  	s28 =	simm.s32 $0x7;
	v33 =	vor.u32 v33, v37;
	v37 =	vadd.s32 v38, v10;
	v25 =	vld.idx.msk [tilespmem:v25+s18+$0x0], $0xffff;
	[tilespmem:v43+s21+$0x0] =	vst.idx.msk $0xffff, v31  }
0x3f5: {  	v38 =	vadd.s32 v53, v50;
	v18 =	vadd.s32 v0, v47;
	v29 =	vmov s28;
	v8 =	vld [tilespmem:$0x1FE90]  }
0x3f6: {  	v21 =	vadd.s32 v0, v11;
	v18 =	vor.u32 v12, v18;
	v17 =	vshrl.u32 v29, $0x3;
	v0 =	vld [tilespmem:$0x1FEB0]  }
0x3f7: {  	v21 =	vor.u32 v13, v21;
	v29 =	vshll.u32 v29, $0x7;
	v28 =	vmul.u32 $0xC00, v17  }
0x3f8: {  	v58 =	vor.u32 v20, v18;
	v18 =	vmul.u32 $0x1800, v17;
	v17 =	vand.u32 $0x380, v29;
	v39 =	vld.idx.msk [tilespmem:v27+s18+$0x0], $0xffff  }
0x3f9: {  	v23 =	vor.u32 v26, v23;
	v29 =	vor.u32 v20, v21;
	v21 =	vor.u32 v17, v28  }
0x3fa: {  	v32 =	vadd.s32 v48, v18;
	[tilespmem:v37+s21+$0x0] =	vst.idx.msk $0xffff, v24;
	v31 =	vadd.s32 v8, v22  }
0x3fb: {  	[tilespmem:v38+s21+$0x0] =	vst.idx.msk $0xffff, v25;
	v22 =	vadd.s32 v0, v22;
	v28 =	vor.u32 v19, v31  }
0x3fc: {  	v27 =	vmovc v26;
	v48 =	vor.u32 v26, v28;
	v26 =	vor.u32 v19, v22;
	v22 =	vadd.s32 v8, v11  }
0x3fd: {  	v24 =	vadd.s32 v8, v47;
	[tilespmem:v34+s21+$0x0] =	vst.idx.msk $0xffff, v39;
	v8 =	vmov v27;
	v22 =	vor.u32 v13, v22  }
0x3fe: {  	v25 =	vor.u32 v8, v22;
	v8 =	vld [tilespmem:$0x1FB80];
	_ =	sdelay $0x1  }
0x3ff: {  	v58 =	vld.idx.msk [tilespmem:v58+s18+$0x0], $0xffff;
	v19 =	vadd.s32 v53, v9  }
0x400: {  	v23 =	vld.idx.msk [tilespmem:v23+s18+$0x0], $0xffff;
	_ =	sdelay $0x1  }
0x401: {  	s28 =	simm.s32 $0x6;
	v36 =	vor.u32 v63, v21;
	v24 =	vor.u32 v12, v24;
	v31 =	vadd.s32 v53, v10  }
0x402: {  	v28 =	vadd.s32 v40, v50;
	v27 =	vor.u32 v27, v24;
	v22 =	vmov s28  }
0x403: {  	v24 =	vor.u32 v17, v32;
	v32 =	vld.idx.msk [tilespmem:v29+s18+$0x0], $0xffff;
	v37 =	vshrl.u32 v22, $0x3;
	[tilespmem:v19+s21+$0x0] =	vst.idx.msk $0xffff, v58  }
0x404: {  	v38 =	vor.u32 v60, v24;
	v29 =	vld.idx.msk [tilespmem:v48+s18+$0x0], $0xffff;
	v19 =	vmul.u32 $0x1800, v37;
	[tilespmem:v8+s21+$0x0] =	vst.idx.msk $0xffff, v23;
	v23 =	vshll.u32 v22, $0x7  }
0x405: {  	s30 =	simm.s32 $0x5;
	s29 =	simm.s32 $0x8;
	s28 =	sadd.s32 s26, s7;
	v22 =	vor.u32 v52, v26;
	v26 =	vadd.s32 v0, v47;
	v23 =	vand.u32 $0x300, v23;
	v24 =	vld.idx.msk [tilespmem:v55+s18+$0x0], $0xffff  }
.LBB2_5:
0x406: {  	v1 =	vld [tilespmem:$0x1FCF0]  }
0x407: {  	v4 =	vld [tilespmem:$0x1FEB0]  }
0x408: {  	v48 =	vld [tilespmem:$0x1FD00]  }
0x409: {  	v27 =	vld.idx.msk [tilespmem:v27+s18+$0x0], $0xffff  }
0x40a: {  	v0 =	vld [tilespmem:$0x1FEA0]  }
0x40b: {  	v34 =	vmov s30;
	v3 =	vor.u32 v12, v26;
	v12 =	vmov v23;
	v23 =	vld.idx.msk [tilespmem:v38+s18+$0x0], $0xffff  }
0x40c: {  	v5 =	vld [tilespmem:$0x1FBA0];
	v26 =	vshrl.u32 v34, $0x3;
	[tilespmem:v31+s21+$0x0] =	vst.idx.msk $0xffff, v32  }
0x40d: {  	v31 =	vadd.s32 v1, v9;
	v25 =	vld.idx.msk [tilespmem:v25+s18+$0x0], $0xffff;
	v52 =	vadd.s32 v4, v11;
	v58 =	vadd.s32 v48, v19  }
0x40e: {  	[tilespmem:v28+s21+$0x0] =	vst.idx.msk $0xffff, v29;
	v11 =	vmul.u32 $0x1800, v26;
	v53 =	vadd.s32 v1, v10;
	v29 =	vor.u32 v12, v58;
	v58 =	vld [tilespmem:$0x1FB90]  }
0x40f: {  	v55 =	vshll.u32 v34, $0x7;
	v39 =	vor.u32 v0, v3;
	v22 =	vld.idx.msk [tilespmem:v22+s18+$0x0], $0xffff;
	v13 =	vor.u32 v13, v52  }
0x410: {  	v3 =	vld [tilespmem:$0x1FBC0];
	v40 =	vor.u32 v0, v13;
	v28 =	vadd.s32 v48, v11;
	v13 =	vand.u32 $0x280, v55  }
0x411: {  	v41 =	vadd.s32 v51, v18;
	v42 =	vadd.s32 v51, v19;
	v1 =	vld [tilespmem:$0x1FD20];
	v28 =	vor.u32 v13, v28  }
0x412: {  	v47 =	vmov v49;
	v29 =	vor.u32 v49, v29;
	v28 =	vor.u32 v49, v28;
	v49 =	vld [tilespmem:$0x1FD10];
	[tilespmem:v31+s21+$0x0] =	vst.idx.msk $0xffff, v27  }
0x413: {  	[tilespmem:v53+s21+$0x0] =	vst.idx.msk $0xffff, v25;
	v60 =	vadd.s32 v58, v50;
	v50 =	vmov v21;
	v21 =	vld.idx.msk [tilespmem:v35+s18+$0x0], $0xffff  }
0x414: {  	v26 =	vmul.u32 $0xC00, v26;
	v27 =	vmul.u32 $0xC00, v37;
	v25 =	vld.idx.msk [tilespmem:v39+s18+$0x0], $0xffff;
	[tilespmem:v59+s21+$0x0] =	vst.idx.msk $0xffff, v24;
	v24 =	vadd.s32 v58, v9  }
0x415: {  	[tilespmem:v36+s21+$0x0] =	vst.idx.msk $0xffff, v23;
	v0 =	vld [tilespmem:$0x1FD40];
	v31 =	vor.u32 v17, v41;
	v23 =	vadd.s32 v58, v10  }
0x416: {  	v10 =	vor.u32 v13, v26;
	v26 =	vadd.s32 v51, v11;
	v20 =	vld.idx.msk [tilespmem:v40+s18+$0x0], $0xffff;
	v9 =	vor.u32 v12, v27  }
0x417: {  	v59 =	vadd.s32 v61, v14;
	v27 =	vld.idx.msk [tilespmem:v29+s18+$0x0], $0xffff;
	v43 =	vor.u32 v63, v10;
	v29 =	vor.u32 v63, v9  }
0x418: {  	v52 =	vld [tilespmem:$0x1FD30];
	v26 =	vor.u32 v13, v26;
	v31 =	vor.u32 v49, v31;
	[tilespmem:v60+s21+$0x0] =	vst.idx.msk $0xffff, v22  }
0x419: {  	v26 =	vor.u32 v49, v26;
	v22 =	vld.idx.msk [tilespmem:v28+s18+$0x0], $0xffff;
	v28 =	vor.u32 v12, v42;
	[tilespmem:v24+s21+$0x0] =	vst.idx.msk $0xffff, v25  }
0x41a: {  	v55 =	vld [tilespmem:$0x1FBB0];
	v24 =	vor.u32 v3, v16;
	[tilespmem:v30+s21+$0x0] =	vst.idx.msk $0xffff, v21;
	v28 =	vor.u32 v49, v28  }
0x41b: {  	v63 =	vld [tilespmem:$0x1FBD0];
	[tilespmem:v23+s21+$0x0] =	vst.idx.msk $0xffff, v20;
	v20 =	vor.u32 v5, v50;
	v23 =	vor.u32 v15, v59  }
0x41c: {  	v30 =	vld.idx.msk [tilespmem:v33+s18+$0x0], $0xffff;
	[tilespmem:v29+s21+$0x0] =	vst.idx.msk $0xffff, v27;
	v27 =	vor.u32 v0, v23;
	v23 =	vadd.s32 v54, v19  }
0x41d: {  	v29 =	vor.u32 v5, v9;
	v25 =	vld.idx.msk [tilespmem:v31+s18+$0x0], $0xffff;
	v31 =	vadd.s32 v54, v18;
	v23 =	vor.u32 v12, v23  }
0x41e: {  	v21 =	vor.u32 v17, v31;
	v60 =	vor.u32 v1, v23;
	v23 =	vadd.s32 v4, v14;
	v4 =	vld [tilespmem:$0x1FD50]  }
0x41f: {  	v21 =	vor.u32 v1, v21;
	[tilespmem:v43+s21+$0x0] =	vst.idx.msk $0xffff, v22;
	v22 =	vld.idx.msk [tilespmem:v28+s18+$0x0], $0xffff;
	v28 =	vadd.s32 v54, v11  }
0x420: {  	v39 =	vadd.s32 v56, v18;
	v31 =	vor.u32 v5, v10;
	v26 =	vld.idx.msk [tilespmem:v26+s18+$0x0], $0xffff;
	v28 =	vor.u32 v13, v28  }
0x421: {  	v37 =	vld [tilespmem:$0x1FBE0];
	v40 =	vor.u32 v55, v10;
	[tilespmem:v24+s21+$0x0] =	vst.idx.msk $0xffff, v30;
	v28 =	vor.u32 v1, v28  }
0x422: {  	v42 =	vadd.s32 v61, v18;
	v5 =	vld [tilespmem:$0x1FE90];
	[tilespmem:v20+s21+$0x0] =	vst.idx.msk $0xffff, v25;
	v25 =	vadd.s32 v62, v14  }
0x423: {  	v24 =	vor.u32 v55, v50;
	v30 =	vor.u32 v17, v39;
	v27 =	vld.idx.msk [tilespmem:v27+s18+$0x0], $0xffff;
	v25 =	vor.u32 v15, v25  }
0x424: {  	v20 =	vor.u32 v63, v16;
	v21 =	vld.idx.msk [tilespmem:v21+s18+$0x0], $0xffff;
	v25 =	vor.u32 v4, v25;
	[tilespmem:v29+s21+$0x0] =	vst.idx.msk $0xffff, v22  }
0x425: {  	v29 =	vor.u32 v52, v30;
	[tilespmem:v31+s21+$0x0] =	vst.idx.msk $0xffff, v26;
	v22 =	vadd.s32 v56, v19;
	v26 =	vld.idx.msk [tilespmem:v60+s18+$0x0], $0xffff  }
0x426: {  	v30 =	vadd.s32 v56, v11;
	v31 =	vor.u32 v55, v9;
	v22 =	vor.u32 v12, v22;
	v28 =	vld.idx.msk [tilespmem:v28+s18+$0x0], $0xffff  }
0x427: {  	v30 =	vor.u32 v13, v30;
	v41 =	vor.u32 v52, v22;
	v22 =	vadd.s32 v5, v14;
	v5 =	vld [tilespmem:$0x1FD60]  }
0x428: {  	v7 =	vld [tilespmem:$0x1FE50];
	v53 =	vmovc v54;
	v43 =	vor.u32 v3, v9;
	v54 =	vor.u32 v3, v10;
	v30 =	vor.u32 v52, v30  }
0x429: {  	[tilespmem:v20+s21+$0x0] =	vst.idx.msk $0xffff, v27;
	v20 =	vor.u32 v3, v50;
	v27 =	vor.u32 v17, v42;
	v3 =	vld [tilespmem:$0x1FE70]  }
0x42a: {  	[tilespmem:v24+s21+$0x0] =	vst.idx.msk $0xffff, v21;
	v24 =	vor.u32 v37, v16;
	v21 =	vadd.s32 v45, v14;
	v25 =	vld.idx.msk [tilespmem:v25+s18+$0x0], $0xffff  }
0x42b: {  	v29 =	vld.idx.msk [tilespmem:v29+s18+$0x0], $0xffff;
	v21 =	vor.u32 v15, v21;
	[tilespmem:v31+s21+$0x0] =	vst.idx.msk $0xffff, v26;
	v26 =	vor.u32 v0, v27  }
0x42c: {  	v27 =	vor.u32 v5, v21;
	[tilespmem:v40+s21+$0x0] =	vst.idx.msk $0xffff, v28;
	v28 =	vld.idx.msk [tilespmem:v41+s18+$0x0], $0xffff;
	v21 =	vadd.s32 v61, v19  }
0x42d: {  	v31 =	vadd.s32 v61, v11;
	v30 =	vld.idx.msk [tilespmem:v30+s18+$0x0], $0xffff;
	v21 =	vor.u32 v12, v21  }
0x42e: {  	v31 =	vor.u32 v13, v31;
	v59 =	vor.u32 v0, v21;
	v21 =	vadd.s32 v3, v14;
	v3 =	vld [tilespmem:$0x1FBF0]  }
0x42f: {  	v60 =	vadd.s32 v62, v18;
	v31 =	vor.u32 v0, v31;
	v0 =	vld [tilespmem:$0x1FD70]  }
0x430: {  	v8 =	vld [tilespmem:$0x1FDC0];
	v61 =	vadd.s32 v62, v11;
	[tilespmem:v24+s21+$0x0] =	vst.idx.msk $0xffff, v25;
	v25 =	vor.u32 v63, v50  }
0x431: {  	v39 =	vld [tilespmem:$0x1FC00];
	v24 =	vor.u32 v17, v60;
	[tilespmem:v20+s21+$0x0] =	vst.idx.msk $0xffff, v29;
	v29 =	vadd.s32 v6, v14  }
0x432: {  	v26 =	vld.idx.msk [tilespmem:v26+s18+$0x0], $0xffff;
	v29 =	vor.u32 v15, v29;
	[tilespmem:v43+s21+$0x0] =	vst.idx.msk $0xffff, v28;
	v28 =	vor.u32 v4, v24  }
0x433: {  	v27 =	vld.idx.msk [tilespmem:v27+s18+$0x0], $0xffff;
	v24 =	vadd.s32 v62, v19;
	v62 =	vor.u32 v63, v9;
	v20 =	vor.u32 v3, v16  }
0x434: {  	[tilespmem:v54+s21+$0x0] =	vst.idx.msk $0xffff, v30;
	v24 =	vor.u32 v12, v24;
	v29 =	vor.u32 v0, v29;
	v30 =	vld.idx.msk [tilespmem:v59+s18+$0x0], $0xffff  }
0x435: {  	v32 =	vor.u32 v13, v61;
	v63 =	vor.u32 v63, v10;
	v31 =	vld.idx.msk [tilespmem:v31+s18+$0x0], $0xffff;
	v54 =	vor.u32 v4, v24  }
0x436: {  	v42 =	vld [tilespmem:$0x1FFB0];
	v61 =	vor.u32 v37, v9;
	v32 =	vor.u32 v4, v32  }
0x437: {  	v41 =	vld [tilespmem:$0x1FD80];
	v60 =	vadd.s32 v45, v11;
	v59 =	vadd.s32 v45, v18;
	[tilespmem:v25+s21+$0x0] =	vst.idx.msk $0xffff, v26  }
0x438: {  	v28 =	vld.idx.msk [tilespmem:v28+s18+$0x0], $0xffff;
	[tilespmem:v20+s21+$0x0] =	vst.idx.msk $0xffff, v27;
	v20 =	vor.u32 v37, v50;
	v27 =	vor.u32 v17, v59  }
0x439: {  	v26 =	vor.u32 v39, v16;
	[tilespmem:v62+s21+$0x0] =	vst.idx.msk $0xffff, v30;
	v29 =	vld.idx.msk [tilespmem:v29+s18+$0x0], $0xffff;
	v27 =	vor.u32 v5, v27  }
0x43a: {  	v33 =	vor.u32 v13, v60;
	v25 =	vadd.s32 v46, v14;
	[tilespmem:v63+s21+$0x0] =	vst.idx.msk $0xffff, v31;
	v31 =	vld.idx.msk [tilespmem:v54+s18+$0x0], $0xffff  }
0x43b: {  	v40 =	vld [tilespmem:$0x1FC10];
	v33 =	vor.u32 v5, v33;
	v60 =	vor.u32 v3, v9;
	v25 =	vor.u32 v15, v25  }
0x43c: {  	v30 =	vor.u32 v41, v25;
	v25 =	vadd.s32 v45, v19;
	v62 =	vor.u32 v37, v10;
	v32 =	vld.idx.msk [tilespmem:v32+s18+$0x0], $0xffff  }
0x43d: {  	v4 =	vld [tilespmem:$0x1FE30];
	v45 =	vadd.s32 v6, v18;
	v25 =	vor.u32 v12, v25;
	[tilespmem:v20+s21+$0x0] =	vst.idx.msk $0xffff, v28  }
0x43e: {  	v59 =	vadd.s32 v6, v11;
	v63 =	vor.u32 v5, v25;
	v27 =	vld.idx.msk [tilespmem:v27+s18+$0x0], $0xffff;
	[tilespmem:v26+s21+$0x0] =	vst.idx.msk $0xffff, v29  }
0x43f: {  	v29 =	vor.u32 v3, v50;
	[tilespmem:v61+s21+$0x0] =	vst.idx.msk $0xffff, v31;
	v61 =	vor.u32 v3, v10;
	v3 =	vld [tilespmem:$0x1FC20]  }
0x440: {  	v20 =	vadd.s32 v40, v16;
	v28 =	vadd.s32 v44, v14;
	v26 =	vor.u32 v17, v45;
	v45 =	vld [tilespmem:$0x1FDB0]  }
0x441: {  	v28 =	vor.u32 v15, v28;
	[tilespmem:v62+s21+$0x0] =	vst.idx.msk $0xffff, v32;
	v30 =	vld.idx.msk [tilespmem:v30+s18+$0x0], $0xffff;
	v31 =	vor.u32 v0, v26  }
0x442: {  	v34 =	vor.u32 v13, v59;
	v28 =	vor.u32 v42, v28;
	v33 =	vld.idx.msk [tilespmem:v33+s18+$0x0], $0xffff  }
0x443: {  	v34 =	vor.u32 v0, v34;
	v54 =	vld.idx.msk [tilespmem:v63+s18+$0x0], $0xffff;
	v26 =	vadd.s32 v6, v19  }
0x444: {  	v6 =	vld [tilespmem:$0x1FE10];
	v26 =	vor.u32 v12, v26  }
0x445: {  	v63 =	vadd.s32 v46, v18;
	v62 =	vor.u32 v0, v26;
	v0 =	vld [tilespmem:$0x1FC40];
	[tilespmem:v29+s21+$0x0] =	vst.idx.msk $0xffff, v27  }
0x446: {  	v31 =	vld.idx.msk [tilespmem:v31+s18+$0x0], $0xffff;
	[tilespmem:v20+s21+$0x0] =	vst.idx.msk $0xffff, v30;
	v20 =	vor.u32 v39, v50;
	v30 =	vor.u32 v17, v63  }
0x447: {  	v29 =	vadd.s32 v2, v14;
	[tilespmem:v61+s21+$0x0] =	vst.idx.msk $0xffff, v33;
	v28 =	vld.idx.msk [tilespmem:v28+s18+$0x0], $0xffff;
	v30 =	vor.u32 v41, v30  }
0x448: {  	v59 =	vadd.s32 v46, v11;
	v27 =	vadd.s32 v3, v16;
	v29 =	vor.u32 v15, v29;
	v34 =	vld.idx.msk [tilespmem:v34+s18+$0x0], $0xffff  }
0x449: {  	v35 =	vor.u32 v13, v59;
	v5 =	vmovc v57;
	v61 =	vor.u32 v39, v10;
	v43 =	vor.u32 v57, v29;
	v57 =	vld [tilespmem:$0x1FF70]  }
0x44a: {  	v35 =	vor.u32 v41, v35;
	[tilespmem:v60+s21+$0x0] =	vst.idx.msk $0xffff, v54;
	v29 =	vadd.s32 v46, v19;
	v46 =	vld [tilespmem:$0x1FC30]  }
0x44b: {  	v60 =	vor.u32 v39, v9;
	v54 =	vld.idx.msk [tilespmem:v62+s18+$0x0], $0xffff;
	v29 =	vor.u32 v12, v29;
	[tilespmem:v20+s21+$0x0] =	vst.idx.msk $0xffff, v31  }
0x44c: {  	v38 =	vadd.s32 v40, v10;
	v63 =	vadd.s32 v44, v18;
	v62 =	vor.u32 v41, v29;
	v30 =	vld.idx.msk [tilespmem:v30+s18+$0x0], $0xffff  }
0x44d: {  	[tilespmem:v27+s21+$0x0] =	vst.idx.msk $0xffff, v28;
	v27 =	vadd.s32 v40, v50;
	v28 =	vor.u32 v17, v63;
	v63 =	vld [tilespmem:$0x1FDE0]  }
0x44e: {  	v20 =	vadd.s32 v8, v14;
	[tilespmem:v61+s21+$0x0] =	vst.idx.msk $0xffff, v34;
	v32 =	vld.idx.msk [tilespmem:v43+s18+$0x0], $0xffff;
	v28 =	vor.u32 v42, v28  }
0x44f: {  	v24 =	vadd.s32 v7, v14;
	v31 =	vadd.s32 v46, v16;
	v20 =	vor.u32 v15, v20;
	v35 =	vld.idx.msk [tilespmem:v35+s18+$0x0], $0xffff  }
0x450: {  	v37 =	vadd.s32 v40, v9;
	[tilespmem:v60+s21+$0x0] =	vst.idx.msk $0xffff, v54;
	v33 =	vor.u32 v45, v20;
	v60 =	vld [tilespmem:$0x1FED0]  }
0x451: {  	v20 =	vadd.s32 v44, v19;
	v43 =	vadd.s32 v44, v11;
	v54 =	vadd.s32 v2, v18;
	v34 =	vld.idx.msk [tilespmem:v62+s18+$0x0], $0xffff  }
0x452: {  	v20 =	vor.u32 v12, v20;
	v59 =	vor.u32 v17, v54;
	v54 =	vld [tilespmem:$0x1FDD0];
	[tilespmem:v27+s21+$0x0] =	vst.idx.msk $0xffff, v30  }
0x453: {  	v36 =	vor.u32 v13, v43;
	v62 =	vadd.s32 v2, v11;
	v44 =	vor.u32 v42, v20;
	v28 =	vld.idx.msk [tilespmem:v28+s18+$0x0], $0xffff  }
0x454: {  	v36 =	vor.u32 v42, v36;
	[tilespmem:v31+s21+$0x0] =	vst.idx.msk $0xffff, v32;
	v32 =	vor.u32 v5, v59;
	v59 =	vld [tilespmem:$0x1FE00]  }
0x455: {  	v25 =	vadd.s32 v4, v14;
	[tilespmem:v38+s21+$0x0] =	vst.idx.msk $0xffff, v35;
	v38 =	vor.u32 v13, v62;
	v62 =	vld [tilespmem:$0x1FDF0]  }
0x456: {  	v26 =	vadd.s32 v6, v14;
	v61 =	vadd.s32 v2, v19;
	v30 =	vadd.s32 v63, v14;
	v33 =	vld.idx.msk [tilespmem:v33+s18+$0x0], $0xffff  }
0x457: {  	v31 =	vadd.s32 v3, v50;
	[tilespmem:v37+s21+$0x0] =	vst.idx.msk $0xffff, v34;
	v37 =	vor.u32 v12, v61;
	v61 =	vld [tilespmem:$0x1FEC0]  }
0x458: {  	v39 =	vadd.s32 v3, v9;
	v27 =	vadd.s32 v0, v16;
	v30 =	vor.u32 v15, v30;
	v35 =	vld.idx.msk [tilespmem:v44+s18+$0x0], $0xffff  }
0x459: {  	v40 =	vadd.s32 v3, v10;
	v43 =	vadd.s32 v8, v18;
	v30 =	vor.u32 v54, v30;
	v36 =	vld.idx.msk [tilespmem:v36+s18+$0x0], $0xffff  }
0x45a: {  	v34 =	vmov s29;
	v38 =	vor.u32 v5, v38;
	v37 =	vor.u32 v5, v37;
	v5 =	vld [tilespmem:$0x1FC50]  }
0x45b: {  	v29 =	vadd.s32 v57, v14;
	v43 =	vor.u32 v17, v43;
	v41 =	vshrl.u32 v34, $0x3  }
0x45c: {  	v2 =	vld [tilespmem:$0x1FC60];
	v20 =	vadd.s32 v60, v14;
	v44 =	vmul.u32 $0x1800, v41;
	[tilespmem:v31+s21+$0x0] =	vst.idx.msk $0xffff, v28;
	v28 =	vadd.s32 v59, v14  }
0x45d: {  	v42 =	vadd.s32 v61, v14;
	v32 =	vld.idx.msk [tilespmem:v32+s18+$0x0], $0xffff;
	[tilespmem:v27+s21+$0x0] =	vst.idx.msk $0xffff, v33;
	v27 =	vadd.s32 v46, v50  }
0x45e: {  	v28 =	vor.u32 v15, v28;
	v33 =	vor.u32 v45, v43;
	v30 =	vld.idx.msk [tilespmem:v30+s18+$0x0], $0xffff;
	[tilespmem:v39+s21+$0x0] =	vst.idx.msk $0xffff, v35  }
0x45f: {  	v31 =	vadd.s32 v5, v16;
	v35 =	vor.u32 v62, v28;
	[tilespmem:v40+s21+$0x0] =	vst.idx.msk $0xffff, v36;
	v36 =	vld.idx.msk [tilespmem:v37+s18+$0x0], $0xffff  }
0x460: {  	v28 =	vadd.s32 v8, v19;
	v39 =	vadd.s32 v46, v9;
	v40 =	vadd.s32 v46, v10;
	v37 =	vld.idx.msk [tilespmem:v38+s18+$0x0], $0xffff  }
0x461: {  	v46 =	vadd.s32 v63, v19;
	v38 =	vadd.s32 v8, v11;
	v28 =	vor.u32 v12, v28;
	v8 =	vld [tilespmem:$0x1FFC0]  }
0x462: {  	v38 =	vor.u32 v13, v38;
	v43 =	vor.u32 v45, v28;
	v28 =	vadd.s32 v56, v44  }
0x463: {  	v56 =	vld [tilespmem:$0x1FFA0];
	v38 =	vor.u32 v45, v38;
	v45 =	vadd.s32 v2, v16;
	[tilespmem:v27+s21+$0x0] =	vst.idx.msk $0xffff, v32  }
0x464: {  	v34 =	vshll.u32 v34, $0x7;
	v27 =	vadd.s32 v63, v18;
	v32 =	vld.idx.msk [tilespmem:v33+s18+$0x0], $0xffff;
	v33 =	vmul.u32 $0xC00, v41;
	[tilespmem:v31+s21+$0x0] =	vst.idx.msk $0xffff, v30  }
0x465: {  	v31 =	vadd.s32 v0, v50;
	v27 =	vor.u32 v17, v27;
	v41 =	vadd.s32 v0, v10  }
0x466: {  	v14 =	vadd.s32 v8, v14;
	v35 =	vld.idx.msk [tilespmem:v35+s18+$0x0], $0xffff;
	[tilespmem:v39+s21+$0x0] =	vst.idx.msk $0xffff, v36;
	v36 =	vor.u32 v54, v27  }
0x467: {  	v27 =	vadd.s32 v63, v11;
	v63 =	vadd.s32 v0, v9;
	v0 =	vld [tilespmem:$0x1FC70];
	v14 =	vor.u32 v15, v14  }
0x468: {  	v30 =	vor.u32 v12, v46;
	[tilespmem:v40+s21+$0x0] =	vst.idx.msk $0xffff, v37;
	v37 =	vld.idx.msk [tilespmem:v43+s18+$0x0], $0xffff;
	v39 =	vor.u32 v56, v14  }
0x469: {  	v3 =	vmovc v51;
	v46 =	vor.u32 v54, v30;
	v30 =	vand.u32 $0x200, v34;
	v51 =	vor.u32 v13, v27;
	v38 =	vld.idx.msk [tilespmem:v38+s18+$0x0], $0xffff  }
0x46a: {  	v34 =	vor.u32 v54, v51;
	v54 =	vor.u32 v15, v42;
	v51 =	vld [tilespmem:$0x1FF90];
	v42 =	vadd.s32 v5, v10  }
0x46b: {  	[tilespmem:v31+s21+$0x0] =	vst.idx.msk $0xffff, v32;
	v32 =	vor.u32 v30, v33;
	v31 =	vadd.s32 v59, v18  }
0x46c: {  	v43 =	vadd.s32 v0, v16;
	v33 =	vld.idx.msk [tilespmem:v36+s18+$0x0], $0xffff;
	[tilespmem:v45+s21+$0x0] =	vst.idx.msk $0xffff, v35;
	v31 =	vor.u32 v17, v31  }
0x46d: {  	v35 =	vadd.s32 v5, v50;
	[tilespmem:v63+s21+$0x0] =	vst.idx.msk $0xffff, v37;
	v63 =	vor.u32 v62, v31;
	v36 =	vld.idx.msk [tilespmem:v39+s18+$0x0], $0xffff  }
0x46e: {  	v31 =	vadd.s32 v59, v19;
	[tilespmem:v41+s21+$0x0] =	vst.idx.msk $0xffff, v38;
	v41 =	vadd.s32 v5, v9;
	v5 =	vld [tilespmem:$0x1FC80]  }
0x46f: {  	v39 =	vor.u32 v51, v54;
	v38 =	vld.idx.msk [tilespmem:v46+s18+$0x0], $0xffff;
	v54 =	vadd.s32 v59, v11;
	v31 =	vor.u32 v12, v31  }
0x470: {  	v21 =	vor.u32 v15, v21;
	v34 =	vld.idx.msk [tilespmem:v34+s18+$0x0], $0xffff;
	v40 =	vor.u32 v13, v54;
	v59 =	vor.u32 v62, v31  }
0x471: {  	v25 =	vor.u32 v15, v25;
	v26 =	vor.u32 v15, v26;
	v40 =	vor.u32 v62, v40;
	v62 =	vld [tilespmem:$0x1FEE0]  }
0x472: {  	v20 =	vor.u32 v15, v20;
	v14 =	vmov v44;
	v44 =	vadd.s32 v2, v10;
	[tilespmem:v35+s21+$0x0] =	vst.idx.msk $0xffff, v33  }
0x473: {  	v37 =	vld.idx.msk [tilespmem:v63+s18+$0x0], $0xffff;
	v63 =	vadd.s32 v8, v18;
	v35 =	vadd.s32 v5, v16;
	[tilespmem:v43+s21+$0x0] =	vst.idx.msk $0xffff, v36  }
0x474: {  	v36 =	vadd.s32 v2, v50;
	v54 =	vor.u32 v17, v63;
	[tilespmem:v41+s21+$0x0] =	vst.idx.msk $0xffff, v38;
	v39 =	vld.idx.msk [tilespmem:v39+s18+$0x0], $0xffff  }
0x475: {  	v38 =	vor.u32 v56, v54;
	[tilespmem:v42+s21+$0x0] =	vst.idx.msk $0xffff, v34;
	v42 =	vld.idx.msk [tilespmem:v59+s18+$0x0], $0xffff;
	v59 =	vadd.s32 v8, v11  }
0x476: {  	v41 =	vor.u32 v62, v20;
	v20 =	vadd.s32 v8, v19;
	v40 =	vld.idx.msk [tilespmem:v40+s18+$0x0], $0xffff;
	v34 =	vor.u32 v13, v59  }
0x477: {  	v43 =	vadd.s32 v2, v9;
	v2 =	vld [tilespmem:$0x1FC90];
	v20 =	vor.u32 v12, v20;
	v63 =	vor.u32 v56, v34  }
0x478: {  	v29 =	vor.u32 v15, v29;
	v27 =	vadd.s32 v53, v14;
	v45 =	vor.u32 v56, v20;
	v56 =	vld [tilespmem:$0x1FF60]  }
0x479: {  	v46 =	vor.u32 v15, v22;
	v31 =	vadd.s32 v3, v14;
	v54 =	vld [tilespmem:$0x1FCF0];
	[tilespmem:v36+s21+$0x0] =	vst.idx.msk $0xffff, v37  }
0x47a: {  	v59 =	vadd.s32 v58, v16;
	v58 =	vadd.s32 v61, v18;
	v37 =	vld.idx.msk [tilespmem:v38+s18+$0x0], $0xffff;
	[tilespmem:v35+s21+$0x0] =	vst.idx.msk $0xffff, v39  }
0x47b: {  	v35 =	vadd.s32 v0, v50;
	v38 =	vor.u32 v17, v58;
	v39 =	vld.idx.msk [tilespmem:v41+s18+$0x0], $0xffff;
	[tilespmem:v44+s21+$0x0] =	vst.idx.msk $0xffff, v40  }
0x47c: {  	v36 =	vadd.s32 v2, v16;
	[tilespmem:v43+s21+$0x0] =	vst.idx.msk $0xffff, v42;
	v38 =	vor.u32 v51, v38;
	v42 =	vld.idx.msk [tilespmem:v63+s18+$0x0], $0xffff  }
0x47d: {  	v44 =	vadd.s32 v0, v9;
	v41 =	vor.u32 v56, v29;
	v40 =	vld.idx.msk [tilespmem:v45+s18+$0x0], $0xffff;
	v29 =	vadd.s32 v61, v19  }
0x47e: {  	v61 =	vadd.s32 v61, v11;
	v45 =	vadd.s32 v0, v10;
	v0 =	vld [tilespmem:$0x1FCA0];
	v29 =	vor.u32 v12, v29  }
0x47f: {  	v33 =	vadd.s32 v48, v14;
	v20 =	vld [tilespmem:$0x1FCD0];
	v43 =	vor.u32 v13, v61;
	v63 =	vor.u32 v51, v29  }
0x480: {  	v61 =	vadd.s32 v60, v18;
	v43 =	vor.u32 v51, v43;
	[tilespmem:v35+s21+$0x0] =	vst.idx.msk $0xffff, v37;
	v51 =	vld [tilespmem:$0x1FF30]  }
0x481: {  	v37 =	vld.idx.msk [tilespmem:v38+s18+$0x0], $0xffff;
	[tilespmem:v36+s21+$0x0] =	vst.idx.msk $0xffff, v39;
	v36 =	vadd.s32 v5, v50;
	v38 =	vor.u32 v17, v61  }
0x482: {  	v61 =	vadd.s32 v5, v9;
	v38 =	vor.u32 v62, v38;
	v39 =	vld.idx.msk [tilespmem:v41+s18+$0x0], $0xffff;
	[tilespmem:v44+s21+$0x0] =	vst.idx.msk $0xffff, v40  }
0x483: {  	v35 =	vadd.s32 v0, v16;
	[tilespmem:v45+s21+$0x0] =	vst.idx.msk $0xffff, v42;
	v45 =	vadd.s32 v5, v10;
	v5 =	vld [tilespmem:$0x1FCB0]  }
0x484: {  	v8 =	vadd.s32 v6, v18;
	v34 =	vadd.s32 v54, v16;
	v29 =	vor.u32 v15, v23;
	v40 =	vld.idx.msk [tilespmem:v63+s18+$0x0], $0xffff  }
0x485: {  	v26 =	vor.u32 v51, v26;
	v63 =	vadd.s32 v60, v19;
	v42 =	vld.idx.msk [tilespmem:v43+s18+$0x0], $0xffff;
	v60 =	vadd.s32 v60, v11  }
0x486: {  	v58 =	vld [tilespmem:$0x1FCE0];
	v41 =	vor.u32 v12, v63;
	v43 =	vor.u32 v13, v60;
	[tilespmem:v36+s21+$0x0] =	vst.idx.msk $0xffff, v37  }
0x487: {  	v63 =	vadd.s32 v57, v18;
	v60 =	vld [tilespmem:$0x1FE20];
	v41 =	vor.u32 v62, v41;
	v22 =	vor.u32 v62, v43  }
0x488: {  	v38 =	vld.idx.msk [tilespmem:v38+s18+$0x0], $0xffff;
	v43 =	vor.u32 v17, v63;
	v62 =	vadd.s32 v2, v9;
	[tilespmem:v35+s21+$0x0] =	vst.idx.msk $0xffff, v39  }
0x489: {  	v63 =	vadd.s32 v2, v10;
	v35 =	vadd.s32 v2, v50;
	v2 =	vld [tilespmem:$0x1FCC0];
	[tilespmem:v61+s21+$0x0] =	vst.idx.msk $0xffff, v40  }
0x48a: {  	v36 =	vadd.s32 v5, v16;
	v39 =	vor.u32 v56, v43;
	v26 =	vld.idx.msk [tilespmem:v26+s18+$0x0], $0xffff;
	[tilespmem:v45+s21+$0x0] =	vst.idx.msk $0xffff, v42  }
0x48b: {  	v45 =	vadd.s32 v57, v19;
	v61 =	vadd.s32 v57, v11;
	v57 =	vor.u32 v17, v8;
	v8 =	vld [tilespmem:$0x1FE40]  }
0x48c: {  	v23 =	vadd.s32 v58, v16;
	v25 =	vor.u32 v60, v25;
	v40 =	vld.idx.msk [tilespmem:v41+s18+$0x0], $0xffff;
	v41 =	vor.u32 v12, v45  }
0x48d: {  	v37 =	vadd.s32 v20, v16;
	v42 =	vor.u32 v13, v61;
	v22 =	vld.idx.msk [tilespmem:v22+s18+$0x0], $0xffff;
	v41 =	vor.u32 v56, v41  }
0x48e: {  	v61 =	vadd.s32 v6, v19;
	v42 =	vor.u32 v56, v42;
	v45 =	vadd.s32 v0, v10  }
0x48f: {  	[tilespmem:v35+s21+$0x0] =	vst.idx.msk $0xffff, v38;
	v35 =	vadd.s32 v2, v16;
	v16 =	vor.u32 v15, v24  }
0x490: {  	v15 =	vmov v30;
	v24 =	vld.idx.msk [tilespmem:v39+s18+$0x0], $0xffff;
	[tilespmem:v36+s21+$0x0] =	vst.idx.msk $0xffff, v26;
	v26 =	vadd.s32 v0, v50  }
0x491: {  	v30 =	vor.u32 v55, v32;
	v36 =	vor.u32 v51, v57;
	v25 =	vld.idx.msk [tilespmem:v25+s18+$0x0], $0xffff;
	[tilespmem:v62+s21+$0x0] =	vst.idx.msk $0xffff, v40  }
0x492: {  	v38 =	vor.u32 v8, v16;
	[tilespmem:v63+s21+$0x0] =	vst.idx.msk $0xffff, v22;
	v63 =	vadd.s32 v0, v9;
	v39 =	vld.idx.msk [tilespmem:v41+s18+$0x0], $0xffff  }
0x493: {  	v44 =	vadd.s32 v2, v10;
	v22 =	vadd.s32 v6, v11;
	v6 =	vor.u32 v12, v61;
	v62 =	vld.idx.msk [tilespmem:v42+s18+$0x0], $0xffff  }
0x494: {  	v57 =	vadd.s32 v4, v18;
	v0 =	vld [tilespmem:$0x1FBA0];
	v22 =	vor.u32 v13, v22;
	v55 =	vor.u32 v51, v6  }
0x495: {  	v6 =	vld [tilespmem:$0x1FE60];
	v56 =	vor.u32 v51, v22;
	[tilespmem:v26+s21+$0x0] =	vst.idx.msk $0xffff, v24;
	v24 =	vor.u32 v15, v33  }
0x496: {  	v61 =	vadd.s32 v4, v19;
	v26 =	vld.idx.msk [tilespmem:v36+s18+$0x0], $0xffff;
	[tilespmem:v35+s21+$0x0] =	vst.idx.msk $0xffff, v25;
	v24 =	vor.u32 v47, v24  }
0x497: {  	v33 =	vor.u32 v17, v57;
	v25 =	vadd.s32 v5, v50;
	v35 =	vld.idx.msk [tilespmem:v38+s18+$0x0], $0xffff;
	[tilespmem:v63+s21+$0x0] =	vst.idx.msk $0xffff, v39  }
0x498: {  	v16 =	vmov v32;
	v33 =	vor.u32 v60, v33;
	[tilespmem:v45+s21+$0x0] =	vst.idx.msk $0xffff, v62;
	v62 =	vadd.s32 v4, v11;
	v4 =	vld [tilespmem:$0x1FEA0]  }
0x499: {  	v27 =	vor.u32 v15, v27;
	v22 =	vor.u32 v0, v16;
	v38 =	vor.u32 v12, v61;
	v36 =	vld.idx.msk [tilespmem:v55+s18+$0x0], $0xffff  }
0x49a: {  	v0 =	vlaneseq.u32;
	v21 =	vor.u32 v6, v21;
	v63 =	vadd.s32 v5, v9;
	v32 =	vld.idx.msk [tilespmem:v56+s18+$0x0], $0xffff  }
0x49b: {  	v38 =	vor.u32 v60, v38;
	v55 =	vadd.s32 v5, v10;
	v39 =	vor.u32 v13, v62;
	v24 =	vld.idx.msk [tilespmem:v24+s18+$0x0], $0xffff  }
0x49c: {  	v39 =	vor.u32 v60, v39;
	[tilespmem:v25+s21+$0x0] =	vst.idx.msk $0xffff, v26;
	v25 =	vor.u32 v0, v16;
	v0 =	vld [tilespmem:$0x1FE80]  }
0x49d: {  	v51 =	vadd.s32 v2, v50;
	v45 =	vadd.s32 v7, v18;
	v26 =	vor.u32 v15, v31;
	v31 =	vld.idx.msk [tilespmem:v33+s18+$0x0], $0xffff  }
0x49e: {  	[tilespmem:v37+s21+$0x0] =	vst.idx.msk $0xffff, v35;
	v33 =	vor.u32 v17, v45;
	v35 =	vor.u32 v1, v27;
	v1 =	vld [tilespmem:$0x1FE70]  }
0x49f: {  	v21 =	vld.idx.msk [tilespmem:v21+s18+$0x0], $0xffff;
	v42 =	vor.u32 v4, v29;
	v29 =	vor.u32 v8, v33;
	[tilespmem:v63+s21+$0x0] =	vst.idx.msk $0xffff, v36  }
0x4a0: {  	v56 =	vadd.s32 v7, v19;
	v62 =	vadd.s32 v2, v9;
	[tilespmem:v55+s21+$0x0] =	vst.idx.msk $0xffff, v32;
	v55 =	vld.idx.msk [tilespmem:v38+s18+$0x0], $0xffff  }
0x4a1: {  	v28 =	vor.u32 v15, v28;
	v61 =	vadd.s32 v7, v11;
	v33 =	vor.u32 v12, v56;
	v60 =	vld.idx.msk [tilespmem:v39+s18+$0x0], $0xffff  }
0x4a2: {  	v57 =	vld [tilespmem:$0x1FD90];
	v45 =	vor.u32 v8, v33;
	v38 =	vor.u32 v13, v61;
	[tilespmem:v25+s21+$0x0] =	vst.idx.msk $0xffff, v24  }
0x4a3: {  	v2 =	vld [tilespmem:$0x1FE90];
	v33 =	vor.u32 v52, v28;
	v28 =	vor.u32 v8, v38;
	[tilespmem:v51+s21+$0x0] =	vst.idx.msk $0xffff, v31  }
0x4a4: {  	v36 =	vor.u32 v0, v46;
	v46 =	vadd.s32 v1, v19;
	v24 =	vld.idx.msk [tilespmem:v29+s18+$0x0], $0xffff;
	[tilespmem:v23+s21+$0x0] =	vst.idx.msk $0xffff, v21  }
0x4a5: {  	s30 =	sadd.s32 $0x3, s29;
	v32 =	vor.u32 v12, v46;
	v46 =	vld [tilespmem:$0x1FEF0];
	[tilespmem:v62+s21+$0x0] =	vst.idx.msk $0xffff, v55  }
0x4a6: {  	v27 =	vmov s30;
	v25 =	vadd.s32 v1, v18;
	[tilespmem:v44+s21+$0x0] =	vst.idx.msk $0xffff, v60;
	v44 =	vld [tilespmem:$0x1FF80]  }
0x4a7: {  	v21 =	vadd.s32 v20, v50;
	v23 =	vor.u32 v17, v25;
	v25 =	vor.u32 v49, v26;
	v31 =	vld.idx.msk [tilespmem:v45+s18+$0x0], $0xffff  }
0x4a8: {  	v51 =	vadd.s32 v20, v10;
	v26 =	vshrl.u32 v27, $0x3;
	v23 =	vor.u32 v6, v23;
	v37 =	vld.idx.msk [tilespmem:v28+s18+$0x0], $0xffff  }
0x4a9: {  	v27 =	vshll.u32 v27, $0x7;
	v49 =	vadd.s32 v20, v9;
	v28 =	vadd.s32 v1, v11;
	v1 =	vld [tilespmem:$0x1FEB0]  }
0x4aa: {  	v29 =	vmul.u32 $0xC00, v26;
	v32 =	vor.u32 v6, v32;
	v56 =	vld.idx.msk [tilespmem:v36+s18+$0x0], $0xffff;
	v28 =	vor.u32 v13, v28  }
0x4ab: {  	v52 =	vand.u32 $0x380, v27;
	v45 =	vld [tilespmem:$0x1FF10];
	v27 =	vor.u32 v6, v28  }
0x4ac: {  	v55 =	vadd.s32 v58, v50;
	[tilespmem:v21+s21+$0x0] =	vst.idx.msk $0xffff, v24;
	v21 =	vor.u32 v52, v29;
	v29 =	vld.idx.msk [tilespmem:v25+s18+$0x0], $0xffff  }
0x4ad: {  	v62 =	vadd.s32 v58, v9;
	v24 =	vadd.s32 v2, v18;
	v6 =	vadd.s32 v2, v11;
	v23 =	vld.idx.msk [tilespmem:v23+s18+$0x0], $0xffff  }
0x4ae: {  	v26 =	vmul.u32 $0x1800, v26;
	v24 =	vor.u32 v17, v24;
	v5 =	vor.u32 v13, v6;
	v6 =	vld [tilespmem:$0x1FF00];
	[tilespmem:v49+s21+$0x0] =	vst.idx.msk $0xffff, v31  }
0x4af: {  	v24 =	vor.u32 v0, v24;
	[tilespmem:v51+s21+$0x0] =	vst.idx.msk $0xffff, v37;
	v31 =	vadd.s32 v2, v19;
	v60 =	vld.idx.msk [tilespmem:v32+s18+$0x0], $0xffff  }
0x4b0: {  	v25 =	vadd.s32 v48, v26;
	v28 =	vadd.s32 v54, v50;
	v2 =	vor.u32 v12, v31;
	v32 =	vld.idx.msk [tilespmem:v27+s18+$0x0], $0xffff  }
0x4b1: {  	p0 =	slt.u32 s29, $0x34;
	s30 =	sadd.s32 $0x2, s29;
	v63 =	vlaneseq.u32;
	v18 =	vadd.s32 v1, v18;
	v27 =	vor.u32 v0, v2;
	[tilespmem:v22+s21+$0x0] =	vst.idx.msk $0xffff, v29;
	v2 =	vld [tilespmem:$0x1FDA0]  }
.Ltmp3:
0x4b2: {  	v36 =	vor.u32 v63, v21;
	v61 =	vor.u32 v17, v18;
	v22 =	vmov s30;
	[tilespmem:v34+s21+$0x0] =	vst.idx.msk $0xffff, v56;
	v56 =	vld [tilespmem:$0x1FF50];
	(pc) =	sbr.rel @p0 .LBB2_5-.Ltmp3, $4  }
0x4b3: {  	[tilespmem:v55+s21+$0x0] =	vst.idx.msk $0xffff, v23;
	v37 =	vshrl.u32 v22, $0x3;
	v23 =	vshll.u32 v22, $0x7;
	v22 =	vor.u32 v4, v61;
	v61 =	vld [tilespmem:$0x1FF40]  }
0x4b4: {  	v54 =	vmovc v53;
	v49 =	vmovc v47;
	v51 =	vmov v3;
	v18 =	vmov v26;
	v26 =	vor.u32 v52, v25;
	v29 =	vld.idx.msk [tilespmem:v24+s18+$0x0], $0xffff  }
0x4b5: {  	v31 =	vadd.s32 v58, v10;
	v25 =	vor.u32 v0, v5;
	v38 =	vor.u32 v47, v26;
	v24 =	vld.idx.msk [tilespmem:v42+s18+$0x0], $0xffff  }
0x4b6: {  	v17 =	vmovc v52;
	s30 =	sadd.s32 $0x1, s29;
	s29 =	sadd.s32 $0x4, s29;
	v23 =	vand.u32 $0x300, v23;
	v26 =	vadd.s32 v1, v19;
	v19 =	vmul.u32 $0x1800, v37;
	[tilespmem:v62+s21+$0x0] =	vst.idx.msk $0xffff, v60;
	v62 =	vld [tilespmem:$0x1FF20]  }
0x4b7: {  	v0 =	vld [tilespmem:$0x1FD00];
	_ =	sdelay $0x4  }
0x4b8: {  	v40 =	vadd.s32 v0, v19  }
0x4b9: {  	v40 =	vor.u32 v23, v40  }
0x4ba: {  	v20 =	vor.u32 v49, v40  }
0x4bb: {  	v34 =	vmov s30  }
0x4bc: {  	v37 =	vmul.u32 $0xC00, v37;
	v38 =	vld.idx.msk [tilespmem:v38+s18+$0x0], $0xffff;
	v39 =	vshrl.u32 v34, $0x3  }
0x4bd: {  	v35 =	vld.idx.msk [tilespmem:v35+s18+$0x0], $0xffff;
	v52 =	vmul.u32 $0x1800, v39  }
0x4be: {  	v1 =	vld [tilespmem:$0x1FD10];
	v34 =	vshll.u32 v34, $0x7;
	v58 =	vor.u32 v23, v37  }
0x4bf: {  	v48 =	vand.u32 $0x280, v34;
	v41 =	vadd.s32 v0, v52;
	v0 =	vor.u32 v63, v58;
	v34 =	vld.idx.msk [tilespmem:v20+s18+$0x0], $0xffff  }
0x4c0: {  	v47 =	vor.u32 v48, v41  }
0x4c1: {  	v40 =	vor.u32 v49, v47  }
0x4c2: {  	v53 =	vadd.s32 v51, v18;
	[tilespmem:v36+s21+$0x0] =	vst.idx.msk $0xffff, v38  }
0x4c3: {  	[tilespmem:v30+s21+$0x0] =	vst.idx.msk $0xffff, v35;
	v41 =	vor.u32 v17, v53  }
0x4c4: {  	v39 =	vmul.u32 $0xC00, v39;
	v4 =	vld [tilespmem:$0x1FBA0];
	v55 =	vor.u32 v1, v41;
	[tilespmem:v0+s21+$0x0] =	vst.idx.msk $0xffff, v34  }
0x4c5: {  	v42 =	vadd.s32 v51, v19;
	v7 =	vld [tilespmem:$0x1FBC0]  }
0x4c6: {  	v3 =	vor.u32 v23, v42;
	v60 =	vor.u32 v48, v39;
	v40 =	vld.idx.msk [tilespmem:v40+s18+$0x0], $0xffff  }
0x4c7: {  	v43 =	vor.u32 v63, v60;
	v39 =	vor.u32 v1, v3;
	v0 =	vld [tilespmem:$0x1FD20]  }
0x4c8: {  	v20 =	vadd.s32 v51, v52  }
0x4c9: {  	v37 =	vor.u32 v4, v21;
	v35 =	vld.idx.msk [tilespmem:v55+s18+$0x0], $0xffff;
	v42 =	vor.u32 v48, v20  }
0x4ca: {  	v53 =	vadd.s32 v54, v18;
	v33 =	vld.idx.msk [tilespmem:v33+s18+$0x0], $0xffff;
	v36 =	vor.u32 v1, v42;
	v34 =	vor.u32 v7, v16  }
0x4cb: {  	v30 =	vor.u32 v17, v53  }
0x4cc: {  	v20 =	vor.u32 v4, v58;
	[tilespmem:v43+s21+$0x0] =	vst.idx.msk $0xffff, v40;
	v39 =	vld.idx.msk [tilespmem:v39+s18+$0x0], $0xffff;
	v30 =	vor.u32 v0, v30  }
0x4cd: {  	v3 =	vld [tilespmem:$0x1FD40]  }
0x4ce: {  	[tilespmem:v37+s21+$0x0] =	vst.idx.msk $0xffff, v35  }
0x4cf: {  	v55 =	vadd.s32 v54, v19;
	v36 =	vld.idx.msk [tilespmem:v36+s18+$0x0], $0xffff;
	[tilespmem:v34+s21+$0x0] =	vst.idx.msk $0xffff, v33  }
0x4d0: {  	v47 =	vadd.s32 v61, v14;
	v53 =	vor.u32 v4, v60;
	v40 =	vor.u32 v23, v55;
	v4 =	vld [tilespmem:$0x1FBB0]  }
0x4d1: {  	v38 =	vor.u32 v15, v47;
	v40 =	vor.u32 v0, v40;
	v8 =	vld.idx.msk [tilespmem:v30+s18+$0x0], $0xffff;
	[tilespmem:v20+s21+$0x0] =	vst.idx.msk $0xffff, v39  }
0x4d2: {  	v38 =	vor.u32 v3, v38;
	v30 =	vld [tilespmem:$0x1FBD0];
	_ =	sdelay $0x2  }
0x4d3: {  	v47 =	vadd.s32 v54, v52;
	v20 =	vld [tilespmem:$0x1FD30];
	v34 =	vor.u32 v4, v21  }
0x4d4: {  	v42 =	vor.u32 v48, v47;
	[tilespmem:v53+s21+$0x0] =	vst.idx.msk $0xffff, v36;
	v36 =	vld.idx.msk [tilespmem:v40+s18+$0x0], $0xffff;
	v41 =	vor.u32 v4, v58  }
0x4d5: {  	v1 =	vadd.s32 v56, v18;
	v55 =	vor.u32 v0, v42;
	v38 =	vld.idx.msk [tilespmem:v38+s18+$0x0], $0xffff;
	v39 =	vor.u32 v30, v16  }
0x4d6: {  	v33 =	vor.u32 v17, v1;
	v1 =	vld [tilespmem:$0x1FD50]  }
0x4d7: {  	v0 =	vadd.s32 v62, v14  }
0x4d8: {  	v47 =	vadd.s32 v56, v19;
	v37 =	vor.u32 v15, v0;
	[tilespmem:v34+s21+$0x0] =	vst.idx.msk $0xffff, v8  }
0x4d9: {  	v40 =	vor.u32 v23, v47;
	v33 =	vor.u32 v20, v33;
	[tilespmem:v41+s21+$0x0] =	vst.idx.msk $0xffff, v36  }
0x4da: {  	v35 =	vld.idx.msk [tilespmem:v55+s18+$0x0], $0xffff;
	v55 =	vor.u32 v4, v60;
	v40 =	vor.u32 v20, v40;
	[tilespmem:v39+s21+$0x0] =	vst.idx.msk $0xffff, v38  }
0x4db: {  	v37 =	vor.u32 v1, v37;
	v4 =	vld [tilespmem:$0x1FBE0]  }
0x4dc: {  	v53 =	vadd.s32 v56, v52  }
0x4dd: {  	v42 =	vor.u32 v48, v53  }
0x4de: {  	v47 =	vor.u32 v7, v21;
	v5 =	vor.u32 v20, v42;
	v42 =	vadd.s32 v61, v18;
	v33 =	vld.idx.msk [tilespmem:v33+s18+$0x0], $0xffff  }
0x4df: {  	v41 =	vor.u32 v7, v58;
	v38 =	vor.u32 v17, v42;
	[tilespmem:v55+s21+$0x0] =	vst.idx.msk $0xffff, v35;
	v35 =	vld.idx.msk [tilespmem:v40+s18+$0x0], $0xffff  }
0x4e0: {  	v37 =	vld.idx.msk [tilespmem:v37+s18+$0x0], $0xffff;
	v38 =	vor.u32 v3, v38;
	v36 =	vor.u32 v4, v16  }
0x4e1: {  	v20 =	vadd.s32 v45, v14;
	v0 =	vld [tilespmem:$0x1FD60]  }
0x4e2: {  	v53 =	vadd.s32 v61, v19;
	v34 =	vor.u32 v15, v20;
	v20 =	vor.u32 v7, v60  }
0x4e3: {  	v55 =	vadd.s32 v61, v52;
	v40 =	vor.u32 v23, v53;
	[tilespmem:v47+s21+$0x0] =	vst.idx.msk $0xffff, v33  }
0x4e4: {  	v8 =	vld.idx.msk [tilespmem:v5+s18+$0x0], $0xffff;
	v42 =	vor.u32 v48, v55;
	v40 =	vor.u32 v3, v40;
	[tilespmem:v41+s21+$0x0] =	vst.idx.msk $0xffff, v35  }
0x4e5: {  	v47 =	vor.u32 v3, v42;
	v38 =	vld.idx.msk [tilespmem:v38+s18+$0x0], $0xffff;
	[tilespmem:v36+s21+$0x0] =	vst.idx.msk $0xffff, v37  }
0x4e6: {  	v34 =	vor.u32 v0, v34;
	v7 =	vld [tilespmem:$0x1FBF0]  }
0x4e7: {  	v53 =	vadd.s32 v6, v14;
	v5 =	vor.u32 v30, v21;
	v3 =	vld [tilespmem:$0x1FD70]  }
0x4e8: {  	v55 =	vadd.s32 v62, v18;
	v39 =	vor.u32 v15, v53;
	v41 =	vor.u32 v30, v58  }
0x4e9: {  	v36 =	vor.u32 v17, v55;
	v37 =	vld.idx.msk [tilespmem:v40+s18+$0x0], $0xffff;
	[tilespmem:v20+s21+$0x0] =	vst.idx.msk $0xffff, v8;
	v20 =	vadd.s32 v62, v19  }
0x4ea: {  	v53 =	vor.u32 v30, v60;
	v36 =	vor.u32 v1, v36;
	v33 =	vld.idx.msk [tilespmem:v47+s18+$0x0], $0xffff;
	v40 =	vor.u32 v23, v20  }
0x4eb: {  	v34 =	vld.idx.msk [tilespmem:v34+s18+$0x0], $0xffff;
	v40 =	vor.u32 v1, v40;
	v35 =	vor.u32 v7, v16  }
0x4ec: {  	[tilespmem:v5+s21+$0x0] =	vst.idx.msk $0xffff, v38;
	v39 =	vor.u32 v3, v39  }
0x4ed: {  	v30 =	vld [tilespmem:$0x1FC00]  }
0x4ee: {  	v47 =	vadd.s32 v62, v52;
	[tilespmem:v41+s21+$0x0] =	vst.idx.msk $0xffff, v37  }
0x4ef: {  	v42 =	vor.u32 v48, v47;
	v47 =	vor.u32 v4, v21;
	v20 =	vld.idx.msk [tilespmem:v36+s18+$0x0], $0xffff;
	[tilespmem:v53+s21+$0x0] =	vst.idx.msk $0xffff, v33  }
0x4f0: {  	v42 =	vor.u32 v1, v42;
	v1 =	vadd.s32 v45, v18;
	v33 =	vld.idx.msk [tilespmem:v40+s18+$0x0], $0xffff;
	[tilespmem:v35+s21+$0x0] =	vst.idx.msk $0xffff, v34  }
0x4f1: {  	v41 =	vor.u32 v4, v58;
	v34 =	vor.u32 v17, v1;
	v37 =	vld.idx.msk [tilespmem:v39+s18+$0x0], $0xffff  }
0x4f2: {  	v55 =	vadd.s32 v46, v14;
	v5 =	vor.u32 v30, v16;
	v34 =	vor.u32 v0, v34;
	v1 =	vld [tilespmem:$0x1FD80]  }
0x4f3: {  	v38 =	vor.u32 v15, v55;
	v55 =	vadd.s32 v45, v52  }
0x4f4: {  	v43 =	vor.u32 v4, v60;
	v53 =	vadd.s32 v45, v19;
	v40 =	vor.u32 v48, v55  }
0x4f5: {  	v42 =	vld.idx.msk [tilespmem:v42+s18+$0x0], $0xffff;
	v35 =	vor.u32 v7, v21;
	v39 =	vor.u32 v23, v53;
	[tilespmem:v47+s21+$0x0] =	vst.idx.msk $0xffff, v20  }
0x4f6: {  	v53 =	vadd.s32 v6, v18;
	v39 =	vor.u32 v0, v39;
	v4 =	vld [tilespmem:$0x1FC10];
	[tilespmem:v41+s21+$0x0] =	vst.idx.msk $0xffff, v33  }
0x4f7: {  	v55 =	vor.u32 v17, v53;
	v38 =	vor.u32 v1, v38;
	[tilespmem:v5+s21+$0x0] =	vst.idx.msk $0xffff, v37;
	v34 =	vld.idx.msk [tilespmem:v34+s18+$0x0], $0xffff  }
0x4f8: {  	v37 =	vor.u32 v3, v55;
	v55 =	vld [tilespmem:$0x1FFB0];
	_ =	sdelay $0x1  }
0x4f9: {  	v20 =	vadd.s32 v44, v14  }
0x4fa: {  	v40 =	vor.u32 v0, v40;
	v36 =	vor.u32 v15, v20;
	v39 =	vld.idx.msk [tilespmem:v39+s18+$0x0], $0xffff;
	[tilespmem:v43+s21+$0x0] =	vst.idx.msk $0xffff, v42  }
0x4fb: {  	v0 =	vadd.s32 v4, v16;
	v33 =	vld.idx.msk [tilespmem:v38+s18+$0x0], $0xffff;
	v38 =	vadd.s32 v6, v19;
	[tilespmem:v35+s21+$0x0] =	vst.idx.msk $0xffff, v34  }
0x4fc: {  	v53 =	vor.u32 v7, v58;
	v36 =	vor.u32 v55, v36;
	v38 =	vor.u32 v23, v38;
	v43 =	vld [tilespmem:$0x1FC20]  }
0x4fd: {  	v38 =	vor.u32 v3, v38;
	_ =	sdelay $0x1  }
0x4fe: {  	v20 =	vadd.s32 v6, v52;
	v42 =	vor.u32 v7, v60;
	v40 =	vld.idx.msk [tilespmem:v40+s18+$0x0], $0xffff  }
0x4ff: {  	v41 =	vor.u32 v48, v20;
	v35 =	vor.u32 v30, v21;
	v37 =	vld.idx.msk [tilespmem:v37+s18+$0x0], $0xffff;
	[tilespmem:v0+s21+$0x0] =	vst.idx.msk $0xffff, v33  }
0x500: {  	v20 =	vadd.s32 v2, v14;
	[tilespmem:v53+s21+$0x0] =	vst.idx.msk $0xffff, v39;
	v7 =	vadd.s32 v43, v16;
	v36 =	vld.idx.msk [tilespmem:v36+s18+$0x0], $0xffff  }
0x501: {  	v34 =	vor.u32 v15, v20;
	v20 =	vor.u32 v30, v58;
	v38 =	vld.idx.msk [tilespmem:v38+s18+$0x0], $0xffff  }
0x502: {  	v47 =	vadd.s32 v46, v18;
	v41 =	vor.u32 v3, v41;
	v53 =	vadd.s32 v46, v19  }
0x503: {  	v34 =	vor.u32 v57, v34;
	v33 =	vor.u32 v17, v47;
	v44 =	vld [tilespmem:$0x1FF80];
	[tilespmem:v42+s21+$0x0] =	vst.idx.msk $0xffff, v40  }
0x504: {  	v47 =	vadd.s32 v46, v52;
	v33 =	vor.u32 v1, v33;
	[tilespmem:v35+s21+$0x0] =	vst.idx.msk $0xffff, v37  }
0x505: {  	v39 =	vor.u32 v23, v53;
	v40 =	vor.u32 v48, v47;
	v47 =	vld [tilespmem:$0x1FDC0];
	[tilespmem:v7+s21+$0x0] =	vst.idx.msk $0xffff, v36  }
0x506: {  	v39 =	vor.u32 v1, v39;
	[tilespmem:v20+s21+$0x0] =	vst.idx.msk $0xffff, v38  }
0x507: {  	v7 =	vld [tilespmem:$0x1FC30]  }
0x508: {  	v35 =	vld.idx.msk [tilespmem:v41+s18+$0x0], $0xffff  }
0x509: {  	v53 =	vor.u32 v30, v60;
	v30 =	vld.idx.msk [tilespmem:v33+s18+$0x0], $0xffff  }
0x50a: {  	v36 =	vadd.s32 v4, v21;
	v34 =	vld.idx.msk [tilespmem:v34+s18+$0x0], $0xffff  }
0x50b: {  	v42 =	vadd.s32 v4, v58;
	v39 =	vld.idx.msk [tilespmem:v39+s18+$0x0], $0xffff  }
0x50c: {  	v20 =	vld [tilespmem:$0x1FDB0];
	v38 =	vadd.s32 v7, v16;
	_ =	sdelay $0x1  }
0x50d: {  	v40 =	vor.u32 v1, v40;
	v1 =	vadd.s32 v44, v18;
	[tilespmem:v53+s21+$0x0] =	vst.idx.msk $0xffff, v35  }
0x50e: {  	v0 =	vadd.s32 v47, v14;
	v33 =	vor.u32 v17, v1;
	[tilespmem:v36+s21+$0x0] =	vst.idx.msk $0xffff, v30  }
0x50f: {  	v41 =	vor.u32 v15, v0;
	v33 =	vor.u32 v55, v33;
	v8 =	vld [tilespmem:$0x1FDE0];
	[tilespmem:v42+s21+$0x0] =	vst.idx.msk $0xffff, v39  }
0x510: {  	v41 =	vor.u32 v20, v41;
	[tilespmem:v38+s21+$0x0] =	vst.idx.msk $0xffff, v34  }
0x511: {  	v0 =	vld [tilespmem:$0x1FC40];
	_ =	sdelay $0x1  }
0x512: {  	v3 =	vadd.s32 v44, v19;
	v40 =	vld.idx.msk [tilespmem:v40+s18+$0x0], $0xffff  }
0x513: {  	v53 =	vadd.s32 v44, v52;
	v35 =	vor.u32 v23, v3;
	v3 =	vadd.s32 v4, v60;
	v33 =	vld.idx.msk [tilespmem:v33+s18+$0x0], $0xffff  }
0x514: {  	v37 =	vor.u32 v48, v53;
	v53 =	vadd.s32 v43, v21;
	v30 =	vor.u32 v55, v35;
	v39 =	vld.idx.msk [tilespmem:v41+s18+$0x0], $0xffff  }
0x515: {  	v4 =	vld [tilespmem:$0x1FDD0];
	v38 =	vadd.s32 v0, v16;
	_ =	sdelay $0x1  }
0x516: {  	v1 =	vadd.s32 v2, v18;
	v35 =	vor.u32 v55, v37;
	v42 =	vadd.s32 v43, v58  }
0x517: {  	v36 =	vadd.s32 v8, v14;
	v34 =	vor.u32 v17, v1;
	[tilespmem:v3+s21+$0x0] =	vst.idx.msk $0xffff, v40  }
0x518: {  	v30 =	vld.idx.msk [tilespmem:v30+s18+$0x0], $0xffff;
	v36 =	vor.u32 v15, v36;
	v34 =	vor.u32 v57, v34;
	[tilespmem:v53+s21+$0x0] =	vst.idx.msk $0xffff, v33  }
0x519: {  	v1 =	vadd.s32 v2, v19;
	v5 =	vld [tilespmem:$0x1FE00];
	v36 =	vor.u32 v4, v36;
	[tilespmem:v38+s21+$0x0] =	vst.idx.msk $0xffff, v39  }
0x51a: {  	v40 =	vor.u32 v23, v1;
	v1 =	vld [tilespmem:$0x1FC50]  }
0x51b: {  	v43 =	vadd.s32 v43, v60;
	v35 =	vld.idx.msk [tilespmem:v35+s18+$0x0], $0xffff;
	v40 =	vor.u32 v57, v40;
	_ =	sdelay $0x1  }
0x51c: {  	v34 =	vld.idx.msk [tilespmem:v34+s18+$0x0], $0xffff  }
0x51d: {  	v3 =	vadd.s32 v2, v52;
	v38 =	vadd.s32 v7, v21;
	v36 =	vld.idx.msk [tilespmem:v36+s18+$0x0], $0xffff;
	[tilespmem:v42+s21+$0x0] =	vst.idx.msk $0xffff, v30  }
0x51e: {  	v41 =	vor.u32 v48, v3;
	v3 =	vld [tilespmem:$0x1FDF0];
	v39 =	vadd.s32 v1, v16  }
0x51f: {  	[tilespmem:v43+s21+$0x0] =	vst.idx.msk $0xffff, v35;
	v35 =	vld.idx.msk [tilespmem:v40+s18+$0x0], $0xffff;
	v40 =	vadd.s32 v7, v58  }
0x520: {  	v41 =	vor.u32 v57, v41;
	v57 =	vadd.s32 v47, v18  }
0x521: {  	v2 =	vadd.s32 v47, v19;
	v37 =	vor.u32 v17, v57;
	v53 =	vadd.s32 v5, v14  }
0x522: {  	v57 =	vadd.s32 v7, v60;
	v33 =	vor.u32 v15, v53;
	[tilespmem:v38+s21+$0x0] =	vst.idx.msk $0xffff, v34  }
0x523: {  	v53 =	vadd.s32 v47, v52;
	v30 =	vor.u32 v20, v37;
	[tilespmem:v39+s21+$0x0] =	vst.idx.msk $0xffff, v36  }
0x524: {  	v37 =	vor.u32 v23, v2;
	v2 =	vor.u32 v48, v53;
	v7 =	vld [tilespmem:$0x1FFC0];
	[tilespmem:v40+s21+$0x0] =	vst.idx.msk $0xffff, v35  }
0x525: {  	v34 =	vor.u32 v20, v2;
	v33 =	vor.u32 v3, v33;
	v2 =	vld [tilespmem:$0x1FC60]  }
0x526: {  	v37 =	vor.u32 v20, v37;
	_ =	sdelay $0x1  }
0x527: {  	v41 =	vld.idx.msk [tilespmem:v41+s18+$0x0], $0xffff;
	v20 =	vadd.s32 v8, v18  }
0x528: {  	v30 =	vld.idx.msk [tilespmem:v30+s18+$0x0], $0xffff;
	v38 =	vor.u32 v17, v20;
	v39 =	vadd.s32 v0, v21  }
0x529: {  	v35 =	vor.u32 v4, v38;
	v33 =	vld.idx.msk [tilespmem:v33+s18+$0x0], $0xffff;
	v42 =	vadd.s32 v7, v14;
	v38 =	vadd.s32 v2, v16  }
0x52a: {  	v37 =	vld.idx.msk [tilespmem:v37+s18+$0x0], $0xffff;
	v36 =	vor.u32 v15, v42;
	v42 =	vadd.s32 v0, v58  }
0x52b: {  	v20 =	vld [tilespmem:$0x1FFA0]  }
0x52c: {  	[tilespmem:v57+s21+$0x0] =	vst.idx.msk $0xffff, v41  }
0x52d: {  	v47 =	vadd.s32 v8, v19;
	v53 =	vadd.s32 v8, v52;
	[tilespmem:v39+s21+$0x0] =	vst.idx.msk $0xffff, v30  }
0x52e: {  	v40 =	vor.u32 v23, v47;
	v41 =	vor.u32 v48, v53;
	[tilespmem:v38+s21+$0x0] =	vst.idx.msk $0xffff, v33  }
0x52f: {  	v40 =	vor.u32 v4, v40;
	v39 =	vor.u32 v4, v41;
	v4 =	vld [tilespmem:$0x1FEC0];
	[tilespmem:v42+s21+$0x0] =	vst.idx.msk $0xffff, v37  }
0x530: {  	v57 =	vadd.s32 v0, v60;
	v36 =	vor.u32 v20, v36;
	v0 =	vld [tilespmem:$0x1FC70];
	_ =	sdelay $0x2  }
0x531: {  	v47 =	vadd.s32 v5, v18;
	v34 =	vld.idx.msk [tilespmem:v34+s18+$0x0], $0xffff  }
0x532: {  	v41 =	vadd.s32 v1, v21;
	v30 =	vor.u32 v17, v47;
	v35 =	vld.idx.msk [tilespmem:v35+s18+$0x0], $0xffff  }
0x533: {  	v30 =	vor.u32 v3, v30;
	v36 =	vld.idx.msk [tilespmem:v36+s18+$0x0], $0xffff;
	v37 =	vadd.s32 v0, v16  }
0x534: {  	v42 =	vadd.s32 v1, v58;
	v38 =	vld.idx.msk [tilespmem:v40+s18+$0x0], $0xffff;
	v53 =	vadd.s32 v4, v14  }
0x535: {  	v33 =	vor.u32 v15, v53;
	v53 =	vld [tilespmem:$0x1FF90]  }
0x536: {  	v43 =	vadd.s32 v1, v60;
	[tilespmem:v57+s21+$0x0] =	vst.idx.msk $0xffff, v34  }
0x537: {  	v47 =	vadd.s32 v5, v52;
	v57 =	vadd.s32 v5, v19;
	[tilespmem:v41+s21+$0x0] =	vst.idx.msk $0xffff, v35;
	v39 =	vld.idx.msk [tilespmem:v39+s18+$0x0], $0xffff  }
0x538: {  	v34 =	vor.u32 v23, v57;
	v57 =	vor.u32 v48, v47;
	v30 =	vld.idx.msk [tilespmem:v30+s18+$0x0], $0xffff;
	[tilespmem:v37+s21+$0x0] =	vst.idx.msk $0xffff, v36  }
0x539: {  	v1 =	vmov v7;
	v47 =	vadd.s32 v7, v18;
	v34 =	vor.u32 v3, v34;
	v7 =	vld [tilespmem:$0x1FED0];
	[tilespmem:v42+s21+$0x0] =	vst.idx.msk $0xffff, v38  }
0x53a: {  	v41 =	vadd.s32 v2, v21;
	v35 =	vor.u32 v3, v57;
	v33 =	vor.u32 v53, v33;
	v3 =	vld [tilespmem:$0x1FC80];
	_ =	sdelay $0x3  }
0x53b: {  	[tilespmem:v43+s21+$0x0] =	vst.idx.msk $0xffff, v39;
	v34 =	vld.idx.msk [tilespmem:v34+s18+$0x0], $0xffff  }
0x53c: {  	v40 =	vor.u32 v17, v47;
	[tilespmem:v41+s21+$0x0] =	vst.idx.msk $0xffff, v30;
	v33 =	vld.idx.msk [tilespmem:v33+s18+$0x0], $0xffff;
	v38 =	vadd.s32 v3, v16  }
0x53d: {  	v37 =	vor.u32 v20, v40;
	v40 =	vadd.s32 v2, v58;
	v5 =	vld [tilespmem:$0x1FEE0]  }
0x53e: {  	v47 =	vadd.s32 v1, v19;
	v1 =	vadd.s32 v1, v52  }
0x53f: {  	v42 =	vor.u32 v48, v1;
	v41 =	vadd.s32 v2, v60  }
0x540: {  	[tilespmem:v31+s21+$0x0] =	vst.idx.msk $0xffff, v32;
	v31 =	vor.u32 v20, v42;
	v57 =	vadd.s32 v7, v14  }
0x541: {  	v35 =	vld.idx.msk [tilespmem:v35+s18+$0x0], $0xffff;
	v36 =	vor.u32 v15, v57;
	v57 =	vor.u32 v23, v47;
	[tilespmem:v38+s21+$0x0] =	vst.idx.msk $0xffff, v33  }
0x542: {  	v30 =	vor.u32 v5, v36;
	v36 =	vor.u32 v20, v57;
	v42 =	vld [tilespmem:$0x1FF70];
	[tilespmem:v40+s21+$0x0] =	vst.idx.msk $0xffff, v34  }
0x543: {  	v2 =	vld [tilespmem:$0x1FC90];
	_ =	sdelay $0x2  }
0x544: {  	v32 =	vld.idx.msk [tilespmem:v37+s18+$0x0], $0xffff;
	v37 =	vadd.s32 v0, v21  }
0x545: {  	[tilespmem:v41+s21+$0x0] =	vst.idx.msk $0xffff, v35;
	v35 =	vld.idx.msk [tilespmem:v36+s18+$0x0], $0xffff;
	v36 =	vadd.s32 v0, v58  }
0x546: {  	v30 =	vld.idx.msk [tilespmem:v30+s18+$0x0], $0xffff;
	v38 =	vadd.s32 v2, v16  }
0x547: {  	v43 =	vmov v20;
	v20 =	vld [tilespmem:$0x1FF60]  }
0x548: {  	v57 =	vadd.s32 v4, v18  }
0x549: {  	v1 =	vadd.s32 v4, v19;
	v34 =	vor.u32 v17, v57;
	[tilespmem:v37+s21+$0x0] =	vst.idx.msk $0xffff, v32  }
0x54a: {  	v57 =	vor.u32 v23, v1;
	v1 =	vld [tilespmem:$0x1FE10];
	v47 =	vadd.s32 v42, v14;
	[tilespmem:v36+s21+$0x0] =	vst.idx.msk $0xffff, v35  }
0x54b: {  	v34 =	vor.u32 v53, v34;
	v33 =	vor.u32 v15, v47;
	[tilespmem:v38+s21+$0x0] =	vst.idx.msk $0xffff, v30  }
0x54c: {  	v47 =	vadd.s32 v4, v52;
	v33 =	vor.u32 v20, v33;
	v4 =	vld [tilespmem:$0x1FCA0];
	_ =	sdelay $0x2  }
0x54d: {  	v39 =	vadd.s32 v0, v60;
	v31 =	vld.idx.msk [tilespmem:v31+s18+$0x0], $0xffff  }
0x54e: {  	v37 =	vor.u32 v53, v57;
	v34 =	vld.idx.msk [tilespmem:v34+s18+$0x0], $0xffff;
	v38 =	vadd.s32 v3, v21  }
0x54f: {  	v32 =	vor.u32 v48, v47;
	v47 =	vadd.s32 v7, v18;
	v33 =	vld.idx.msk [tilespmem:v33+s18+$0x0], $0xffff;
	v35 =	vadd.s32 v4, v16  }
0x550: {  	v0 =	vadd.s32 v1, v14;
	v30 =	vor.u32 v17, v47;
	v47 =	vld [tilespmem:$0x1FF30]  }
0x551: {  	v32 =	vor.u32 v53, v32;
	v57 =	vor.u32 v15, v0  }
0x552: {  	v0 =	vadd.s32 v7, v19;
	v30 =	vor.u32 v5, v30;
	[tilespmem:v39+s21+$0x0] =	vst.idx.msk $0xffff, v31  }
0x553: {  	v39 =	vadd.s32 v7, v52;
	v31 =	vor.u32 v23, v0;
	[tilespmem:v38+s21+$0x0] =	vst.idx.msk $0xffff, v34  }
0x554: {  	v37 =	vld.idx.msk [tilespmem:v37+s18+$0x0], $0xffff;
	v39 =	vor.u32 v48, v39;
	v31 =	vor.u32 v5, v31;
	[tilespmem:v35+s21+$0x0] =	vst.idx.msk $0xffff, v33  }
0x555: {  	v39 =	vor.u32 v5, v39;
	v36 =	vor.u32 v47, v57;
	v57 =	vadd.s32 v3, v58;
	v5 =	vld [tilespmem:$0x1FCB0]  }
0x556: {  	v0 =	vadd.s32 v3, v60;
	v32 =	vld.idx.msk [tilespmem:v32+s18+$0x0], $0xffff  }
0x557: {  	v3 =	vld [tilespmem:$0x1FE30]  }
0x558: {  	v38 =	vadd.s32 v42, v18  }
0x559: {  	v30 =	vld.idx.msk [tilespmem:v30+s18+$0x0], $0xffff;
	v34 =	vor.u32 v17, v38;
	v33 =	vadd.s32 v2, v21  }
0x55a: {  	v36 =	vld.idx.msk [tilespmem:v36+s18+$0x0], $0xffff;
	[tilespmem:v57+s21+$0x0] =	vst.idx.msk $0xffff, v37;
	v57 =	vadd.s32 v42, v19;
	v38 =	vadd.s32 v5, v16  }
0x55b: {  	v40 =	vadd.s32 v2, v58;
	v34 =	vor.u32 v20, v34;
	v7 =	vld [tilespmem:$0x1FE20];
	[tilespmem:v0+s21+$0x0] =	vst.idx.msk $0xffff, v32  }
0x55c: {  	v31 =	vld.idx.msk [tilespmem:v31+s18+$0x0], $0xffff;
	v37 =	vor.u32 v23, v57;
	[tilespmem:v28+s21+$0x0] =	vst.idx.msk $0xffff, v29;
	v41 =	vadd.s32 v3, v14  }
0x55d: {  	v32 =	vor.u32 v20, v37;
	v57 =	vmovc v42;
	v35 =	vor.u32 v15, v41;
	v41 =	vadd.s32 v42, v52  }
0x55e: {  	[tilespmem:v33+s21+$0x0] =	vst.idx.msk $0xffff, v30;
	v30 =	vld.idx.msk [tilespmem:v39+s18+$0x0], $0xffff;
	v42 =	vadd.s32 v2, v60;
	v0 =	vor.u32 v48, v41  }
0x55f: {  	v0 =	vor.u32 v20, v0;
	[tilespmem:v38+s21+$0x0] =	vst.idx.msk $0xffff, v36  }
0x560: {  	v35 =	vor.u32 v7, v35;
	v2 =	vld [tilespmem:$0x1FCC0]  }
0x561: {  	v29 =	vadd.s32 v4, v21;
	v28 =	vld.idx.msk [tilespmem:v34+s18+$0x0], $0xffff;
	v41 =	vadd.s32 v4, v58  }
0x562: {  	v39 =	vmov v20;
	v20 =	vadd.s32 v1, v18;
	[tilespmem:v40+s21+$0x0] =	vst.idx.msk $0xffff, v31;
	v40 =	vadd.s32 v1, v19  }
0x563: {  	v36 =	vor.u32 v17, v20;
	[tilespmem:v42+s21+$0x0] =	vst.idx.msk $0xffff, v30;
	v32 =	vld.idx.msk [tilespmem:v32+s18+$0x0], $0xffff;
	v31 =	vor.u32 v23, v40  }
0x564: {  	v20 =	vadd.s32 v4, v60;
	v42 =	vadd.s32 v1, v52;
	v31 =	vor.u32 v47, v31;
	v0 =	vld.idx.msk [tilespmem:v0+s18+$0x0], $0xffff  }
0x565: {  	v36 =	vor.u32 v47, v36;
	v35 =	vld.idx.msk [tilespmem:v35+s18+$0x0], $0xffff;
	v30 =	vor.u32 v48, v42;
	v34 =	vadd.s32 v2, v16  }
0x566: {  	[tilespmem:v29+s21+$0x0] =	vst.idx.msk $0xffff, v28;
	v30 =	vor.u32 v47, v30  }
0x567: {  	v4 =	vld [tilespmem:$0x1FE50]  }
0x568: {  	v38 =	vld [tilespmem:$0x1FCF0];
	[tilespmem:v41+s21+$0x0] =	vst.idx.msk $0xffff, v32  }
0x569: {  	v40 =	vadd.s32 v3, v18;
	v42 =	vadd.s32 v5, v58;
	v31 =	vld.idx.msk [tilespmem:v31+s18+$0x0], $0xffff;
	[tilespmem:v20+s21+$0x0] =	vst.idx.msk $0xffff, v0  }
0x56a: {  	v33 =	vor.u32 v17, v40;
	[tilespmem:v34+s21+$0x0] =	vst.idx.msk $0xffff, v35;
	v34 =	vadd.s32 v5, v21;
	v35 =	vld.idx.msk [tilespmem:v36+s18+$0x0], $0xffff  }
0x56b: {  	v40 =	vadd.s32 v5, v60;
	v33 =	vor.u32 v7, v33;
	v30 =	vld.idx.msk [tilespmem:v30+s18+$0x0], $0xffff  }
0x56c: {  	v29 =	vadd.s32 v4, v14;
	v41 =	vadd.s32 v3, v19;
	v8 =	vld [tilespmem:$0x1FE40]  }
0x56d: {  	v32 =	vor.u32 v23, v41;
	v20 =	vadd.s32 v3, v52;
	v29 =	vor.u32 v15, v29  }
0x56e: {  	v37 =	vor.u32 v7, v32;
	v0 =	vor.u32 v48, v20;
	v5 =	vld [tilespmem:$0x1FE70];
	[tilespmem:v42+s21+$0x0] =	vst.idx.msk $0xffff, v31  }
0x56f: {  	v41 =	vadd.s32 v4, v18;
	v0 =	vor.u32 v7, v0;
	[tilespmem:v34+s21+$0x0] =	vst.idx.msk $0xffff, v35  }
0x570: {  	v42 =	vadd.s32 v4, v19;
	[tilespmem:v40+s21+$0x0] =	vst.idx.msk $0xffff, v30;
	v40 =	vadd.s32 v4, v52;
	v33 =	vld.idx.msk [tilespmem:v33+s18+$0x0], $0xffff  }
0x571: {  	v35 =	vadd.s32 v2, v21;
	v34 =	vor.u32 v17, v41;
	v29 =	vor.u32 v8, v29;
	v4 =	vld [tilespmem:$0x1FCD0]  }
0x572: {  	v27 =	vld.idx.msk [tilespmem:v27+s18+$0x0], $0xffff;
	v34 =	vor.u32 v8, v34  }
0x573: {  	v28 =	vadd.s32 v38, v9;
	v1 =	vld.idx.msk [tilespmem:v37+s18+$0x0], $0xffff  }
0x574: {  	v20 =	vadd.s32 v2, v58;
	v0 =	vld.idx.msk [tilespmem:v0+s18+$0x0], $0xffff  }
0x575: {  	v31 =	vor.u32 v23, v42;
	v42 =	vadd.s32 v2, v60;
	v7 =	vld [tilespmem:$0x1FE60]  }
0x576: {  	v41 =	vor.u32 v8, v31;
	v31 =	vadd.s32 v4, v16;
	v29 =	vld.idx.msk [tilespmem:v29+s18+$0x0], $0xffff;
	[tilespmem:v35+s21+$0x0] =	vst.idx.msk $0xffff, v33  }
0x577: {  	v35 =	vadd.s32 v4, v21;
	v34 =	vld.idx.msk [tilespmem:v34+s18+$0x0], $0xffff  }
0x578: {  	[tilespmem:v28+s21+$0x0] =	vst.idx.msk $0xffff, v27  }
0x579: {  	v3 =	vor.u32 v48, v40;
	v32 =	vadd.s32 v5, v14;
	[tilespmem:v20+s21+$0x0] =	vst.idx.msk $0xffff, v1  }
0x57a: {  	v3 =	vor.u32 v8, v3;
	v2 =	vadd.s32 v5, v18;
	[tilespmem:v42+s21+$0x0] =	vst.idx.msk $0xffff, v0  }
0x57b: {  	v32 =	vor.u32 v15, v32;
	v20 =	vadd.s32 v5, v19;
	[tilespmem:v31+s21+$0x0] =	vst.idx.msk $0xffff, v29  }
0x57c: {  	v1 =	vor.u32 v23, v20;
	v32 =	vor.u32 v7, v32;
	[tilespmem:v35+s21+$0x0] =	vst.idx.msk $0xffff, v34  }
0x57d: {  	v33 =	vor.u32 v17, v2;
	v40 =	vadd.s32 v4, v58;
	v20 =	vadd.s32 v4, v60;
	v4 =	vld [tilespmem:$0x1FCE0]  }
0x57e: {  	v30 =	vld.idx.msk [tilespmem:v41+s18+$0x0], $0xffff;
	v33 =	vor.u32 v7, v33  }
0x57f: {  	v25 =	vld.idx.msk [tilespmem:v25+s18+$0x0], $0xffff;
	v27 =	vadd.s32 v38, v10;
	v1 =	vor.u32 v7, v1;
	_ =	sdelay $0x1  }
0x580: {  	v42 =	vld.idx.msk [tilespmem:v3+s18+$0x0], $0xffff  }
0x581: {  	v41 =	vadd.s32 v5, v52;
	v35 =	vld.idx.msk [tilespmem:v32+s18+$0x0], $0xffff;
	v34 =	vadd.s32 v4, v16  }
0x582: {  	v0 =	vor.u32 v48, v41;
	[tilespmem:v40+s21+$0x0] =	vst.idx.msk $0xffff, v30;
	v37 =	vld.idx.msk [tilespmem:v33+s18+$0x0], $0xffff;
	v40 =	vadd.s32 v4, v21  }
0x583: {  	v0 =	vor.u32 v7, v0;
	[tilespmem:v27+s21+$0x0] =	vst.idx.msk $0xffff, v25;
	v1 =	vld.idx.msk [tilespmem:v1+s18+$0x0], $0xffff;
	v41 =	vadd.s32 v4, v58  }
0x584: {  	[tilespmem:v59+s21+$0x0] =	vst.idx.msk $0xffff, v24  }
0x585: {  	[tilespmem:v20+s21+$0x0] =	vst.idx.msk $0xffff, v42  }
0x586: {  	[tilespmem:v34+s21+$0x0] =	vst.idx.msk $0xffff, v35  }
0x587: {  	[tilespmem:v40+s21+$0x0] =	vst.idx.msk $0xffff, v37  }
0x588: {  	v0 =	vld.idx.msk [tilespmem:v0+s18+$0x0], $0xffff;
	[tilespmem:v41+s21+$0x0] =	vst.idx.msk $0xffff, v1  }
0x589: {  	v42 =	vadd.s32 v4, v60;
	v7 =	vld [tilespmem:$0x1FE90];
	_ =	sdelay $0x1  }
0x58a: {  	v24 =	vor.u32 v12, v26;
	v26 =	vld [tilespmem:$0x1FE80];
	_ =	sdelay $0x2  }
0x58b: {  	v4 =	vld [tilespmem:$0x1FEB0];
	[tilespmem:v42+s21+$0x0] =	vst.idx.msk $0xffff, v0;
	v5 =	vadd.s32 v7, v18  }
0x58c: {  	v31 =	vld [tilespmem:$0x1FB90];
	v59 =	vadd.s32 v7, v14;
	v27 =	vadd.s32 v7, v19;
	v5 =	vor.u32 v17, v5  }
0x58d: {  	v1 =	vor.u32 v15, v59;
	v28 =	vor.u32 v26, v5;
	v5 =	vadd.s32 v7, v52;
	v7 =	vld [tilespmem:$0x1FEA0]  }
0x58e: {  	v1 =	vor.u32 v26, v1  }
0x58f: {  	v36 =	vadd.s32 v38, v58;
	v33 =	vadd.s32 v38, v16;
	v0 =	vor.u32 v23, v27  }
0x590: {  	v34 =	vadd.s32 v38, v21;
	v0 =	vor.u32 v26, v0;
	v5 =	vor.u32 v48, v5  }
0x591: {  	v25 =	vadd.s32 v4, v11;
	v29 =	vadd.s32 v4, v14;
	v5 =	vor.u32 v26, v5  }
0x592: {  	v30 =	vld.idx.msk [tilespmem:v22+s18+$0x0], $0xffff;
	v2 =	vor.u32 v13, v25;
	v8 =	vadd.s32 v31, v50;
	v3 =	vor.u32 v7, v24  }
0x593: {  	v32 =	vadd.s32 v4, v18;
	v11 =	vor.u32 v15, v29;
	v2 =	vor.u32 v7, v2;
	v1 =	vld.idx.msk [tilespmem:v1+s18+$0x0], $0xffff  }
0x594: {  	v35 =	vadd.s32 v4, v19;
	v13 =	vor.u32 v17, v32;
	v11 =	vor.u32 v7, v11;
	v20 =	vld.idx.msk [tilespmem:v28+s18+$0x0], $0xffff  }
0x595: {  	v37 =	vadd.s32 v4, v52;
	v17 =	vor.u32 v23, v35;
	v13 =	vor.u32 v7, v13;
	v0 =	vld.idx.msk [tilespmem:v0+s18+$0x0], $0xffff  }
0x596: {  	v4 =	vadd.s32 v38, v60;
	v19 =	vor.u32 v48, v37;
	v17 =	vor.u32 v7, v17;
	v5 =	vld.idx.msk [tilespmem:v5+s18+$0x0], $0xffff  }
0x597: {  	[tilespmem:v8+s21+$0x0] =	vst.idx.msk $0xffff, v30;
	v8 =	vadd.s32 v31, v9;
	v40 =	vor.u32 v7, v19;
	v3 =	vld.idx.msk [tilespmem:v3+s18+$0x0], $0xffff  }
0x598: {  	v42 =	vadd.s32 v31, v10;
	[tilespmem:v33+s21+$0x0] =	vst.idx.msk $0xffff, v1;
	v41 =	vld.idx.msk [tilespmem:v2+s18+$0x0], $0xffff  }
0x599: {  	v48 =	vadd.s32 v31, v16;
	[tilespmem:v34+s21+$0x0] =	vst.idx.msk $0xffff, v20;
	v50 =	vld.idx.msk [tilespmem:v11+s18+$0x0], $0xffff  }
0x59a: {  	v59 =	vadd.s32 v31, v21;
	[tilespmem:v36+s21+$0x0] =	vst.idx.msk $0xffff, v0;
	v52 =	vld.idx.msk [tilespmem:v13+s18+$0x0], $0xffff  }
0x59b: {  	[tilespmem:v4+s21+$0x0] =	vst.idx.msk $0xffff, v5;
	v5 =	vld.idx.msk [tilespmem:v17+s18+$0x0], $0xffff;
	v4 =	vadd.s32 v31, v58  }
0x59c: {  	v60 =	vadd.s32 v31, v60;
	v7 =	vld.idx.msk [tilespmem:v40+s18+$0x0], $0xffff;
	[tilespmem:v8+s21+$0x0] =	vst.idx.msk $0xffff, v3  }
0x59d: {  	[tilespmem:v42+s21+$0x0] =	vst.idx.msk $0xffff, v41  }
.Ltmp4:
0x59e: {  	s28 =	sshrl.u32 s28, $0x3;
	[tilespmem:v48+s21+$0x0] =	vst.idx.msk $0xffff, v50;
	(pc) =	sbr.rel @p1 .LBB2_8-.Ltmp4, $4  }
0x59f: {  	s28 =	smul.u32 $0x180, s28;
	[tilespmem:v59+s21+$0x0] =	vst.idx.msk $0xffff, v52  }
0x5a0: {  	[tilespmem:v4+s21+$0x0] =	vst.idx.msk $0xffff, v5  }
0x5a1: {  	s28 =	sadd.s32 s3, s28;
	[tilespmem:v60+s21+$0x0] =	vst.idx.msk $0xffff, v7  }
0x5a2: {  	v42 =	vmov v43;
	[hbm4b:s28+s4] =	stream.linear.scatter [tilespmem:s21], [sflag:$0x4], $0x5400, $0x38;
	v43 =	vld [tilespmem:$0x1FFC0]  }
0x5a3: {  	s26 =	sadd.s32 s26, s12  }
.Ltmp5:
0x5a4: {  	s26 =	sshrl.u32 s26, $0x3;
	(pc) =	sbr.rel .LBB2_2-.Ltmp5, $4  }
0x5a5: {  	s26 =	smul.u32 $0x300, s26  }
0x5a6: {  	v28 =	vld [tilespmem:$0x1FEC0]  }
0x5a7: {  	s25 =	sadd.s32 $0x1, s25;
	v29 =	vld [tilespmem:$0x1FEE0];
	s26 =	sadd.s32 s1, s26  }
0x5a8: {  	v41 =	vmov v53;
	v40 =	vmov v47;
	v31 =	vld [tilespmem:$0x1FED0];
	v33 =	vmov v39;
	[tilespmem:s18], [sflag:$0x2] =	stream.linear.gather [hbm4b:s26+s4], $0xA800, $0x38  }
.LBB2_9:
0x5a9: {  	_ =	sfence.sel $0x180000  }
0x5aa: {  	[bflag:$0x0] =	sbarrier.arrive $0xFFFF  }
0x5ab: {  	p0 =	sne.s32 s0, $0x0;
	_ =	strace $0x90000047  }
0x5ac: {  	s0 =	sadd.s32 @!p0 $0x100000, s2;
	[bflag:$0x2] =	sbarrier.arrive $0xFFFF  }
0x5ad: {  	[sflag:s0] =	ssyncadd.tile.s32 @!p0 $0x1;
	_ =	shalt  }
.Lfunc_end2:
_tile_overlayer_lowered:
.L_overlay_start_2:
0x5ae: {  	(tag) =	ssettag $0x2  }
0x5af: {  	s0 =	rddreg [dreg:$0x0];
	s2 =	stileid.u32  }
0x5b0: {  	s1 =	rddreg [dreg:$0x1];
	p0 =	sne.s32 s2, $0x0  }
0x5b1: {  	s3 =	rddreg [dreg:$0x2];
	[bflag:$0x3] =	sbarrier.arrive $0xFFFF;
	s2 =	simm.s32 @!p0 $0x1C05  }
0x5b2: {  	[timem:s3], [sflag:s2] =	dma.local @!p0 [hbm:s0], s1  }
0x5b3: {  	s0 =	simm.s32 @!p0 $0x5  }
0x5b4: {  	_ =	swait.ge @!p0 [sflag:s0], s1  }
0x5b5: {  	s1 =	ssub.s32 @!p0 $0x0, s1;
	[sflag:s0] =	ssyncset.done @!p0 $0x0  }
0x5b6: {  	[sflag:s0] =	ssyncadd.s32 @!p0 s1  }
0x5b7: {  	[bflag:$0x3] =	sbarrier.arrive $0xFFFF  }
0x5b8: {  	_ =	shalt  }

</sc_bundles>
